<compile_context>
chip_gen: v7x
topology: tpu7x:2x2x1
jax: 0.10.2.dev20260603
libtpu: 0.0.44.dev20260713+nightly
codegen_flags: <defaults>
</compile_context>

<pallas_src>
import functools

import jax
import jax.numpy as jnp
from jax import lax
from jax.experimental import pallas as pl
from jax.experimental.pallas import tpu as pltpu
from jax.experimental.pallas import tpu_sc as plsc

_IN = 768
_H = 768
_OUT = 768
_T = 12
_HOPS = 4
_B = 2048
_OPS = 3
_TILE = 128
_NT = _B // _TILE + _T
_NSLOT = _NT * _TILE


def _rng_consts():
    rkey = jax.random.key(42)
    init_t = jax.random.randint(jax.random.fold_in(rkey, 0), (_B,), 0, _T)
    ws = []
    for h in range(_HOPS):
        row = []
        for t in range(_T):
            k = jax.random.fold_in(rkey, 1000 + h * _T + t)
            row.append(jax.nn.softmax(
                jax.random.normal(k, (_OPS,), dtype=jnp.float32)))
        ws.append(jnp.stack(row))
    opw = jnp.stack(ws)
    gs = [jax.random.gumbel(jax.random.fold_in(rkey, 2000 + h),
                            (_B, _T + 1), jnp.float32) for h in range(_HOPS)]
    gum = jnp.stack(gs)
    return init_t, opw, gum


_INIT_T, _OPW, _GUM16 = None, None, None


def _get_consts():
    global _INIT_T, _OPW, _GUM16
    if _INIT_T is None:
        init_t, opw, gum = _rng_consts()
        _INIT_T = init_t.astype(jnp.int32)
        _OPW = opw
        _GUM16 = jnp.pad(gum, ((0, 0), (0, 0), (0, 115)))
    return _INIT_T, _OPW, _GUM16


def _proj_kernel(x_ref, w_ref, b_ref, o_ref):
    o_ref[...] = (jnp.dot(x_ref[...], w_ref[...],
                          preferred_element_type=jnp.float32) + b_ref[...])


def _project(x, w, b):
    return pl.pallas_call(
        _proj_kernel,
        out_shape=jax.ShapeDtypeStruct((x.shape[0], w.shape[1]), jnp.float32),
    )(x, w, b.reshape(1, -1))


def _sc_gather(table, idx):
    n_rows, d = table.shape
    b = idx.shape[0]
    info = plsc.get_sparse_core_info()
    nw = info.num_cores * info.num_subcores
    b_per_w = b // nw
    mesh = plsc.VectorSubcoreMesh(core_axis_name="c", subcore_axis_name="s")

    @functools.partial(
        pl.kernel, mesh=mesh,
        out_type=jax.ShapeDtypeStruct((b, d), jnp.float32),
        scratch_types=[
            pltpu.VMEM((b_per_w,), jnp.int32),
            pltpu.VMEM((b_per_w, d), jnp.float32),
            pltpu.SemaphoreType.DMA,
        ],
    )
    def k(table_hbm, idx_hbm, out_hbm, idx_v, rows_v, sem):
        wid = lax.axis_index("s") * info.num_cores + lax.axis_index("c")
        base = wid * b_per_w
        pltpu.sync_copy(idx_hbm.at[pl.ds(base, b_per_w)], idx_v)
        pltpu.async_copy(table_hbm.at[idx_v], rows_v, sem).wait()
        pltpu.sync_copy(rows_v, out_hbm.at[pl.ds(base, b_per_w)])

    return k(table, idx)


def _sc_gather2(table, src, gum16, tok):
    d = table.shape[1]
    info = plsc.get_sparse_core_info()
    nw = info.num_cores * info.num_subcores
    b_per_w = _NSLOT // nw
    mesh = plsc.VectorSubcoreMesh(core_axis_name="c", subcore_axis_name="s")

    @functools.partial(
        pl.kernel, mesh=mesh,
        out_type=[jax.ShapeDtypeStruct((_NSLOT, d), jnp.float32),
                  jax.ShapeDtypeStruct((_NSLOT, 128), jnp.float32)],
        scratch_types=[
            pltpu.VMEM((b_per_w,), jnp.int32),
            pltpu.VMEM((b_per_w,), jnp.int32),
            pltpu.VMEM((b_per_w, d), jnp.float32),
            pltpu.VMEM((b_per_w, 128), jnp.float32),
            pltpu.SemaphoreType.DMA,
            pltpu.SemaphoreType.DMA,
        ],
    )
    def k(table_hbm, src_hbm, gum_hbm, tok_hbm, xout_hbm, gout_hbm,
          src_v, tok_v, rows_v, grows_v, sem1, sem2):
        wid = lax.axis_index("s") * info.num_cores + lax.axis_index("c")
        base = wid * b_per_w
        pltpu.sync_copy(src_hbm.at[pl.ds(base, b_per_w)], src_v)
        pltpu.sync_copy(tok_hbm.at[pl.ds(base, b_per_w)], tok_v)
        c1 = pltpu.async_copy(table_hbm.at[src_v], rows_v, sem1)
        c2 = pltpu.async_copy(gum_hbm.at[tok_v], grows_v, sem2)
        c1.wait()
        c2.wait()
        pltpu.sync_copy(rows_v, xout_hbm.at[pl.ds(base, b_per_w)])
        pltpu.sync_copy(grows_v, gout_hbm.at[pl.ds(base, b_per_w)])

    return k(table, src, gum16, tok)


def _tile_table(counts):
    ntiles = (counts + _TILE - 1) // _TILE
    tile_cum = jnp.cumsum(ntiles)
    total = tile_cum[-1]
    padded_off = _TILE * jnp.concatenate(
        [jnp.zeros((1,), tile_cum.dtype), tile_cum])
    j = jnp.arange(_NT)
    tt = jnp.minimum(jnp.searchsorted(tile_cum, j, side='right'), _T - 1)
    t_last = jnp.max(jnp.where(ntiles > 0, jnp.arange(_T), 0))
    tile_temper = jnp.where(j < total, tt, t_last).astype(jnp.int32)
    return padded_off, tile_temper, total.astype(jnp.int32).reshape(1)


def _invert(pos_s, payload):
    full = jnp.full((_NSLOT + 1,), -1, jnp.int32)
    return full.at[pos_s].set(payload, mode='drop')[:_NSLOT]


def _slot_fields(packed, n_table_rows):
    p = jnp.arange(_NSLOT, dtype=jnp.int32)
    valid = packed >= 0
    srcA = jnp.where(valid, packed & (4096 - 1), p % n_table_rows)
    tok = jnp.where(valid, packed >> 12, p & (_B - 1))
    return valid, srcA.astype(jnp.int32), tok.astype(jnp.int32)


def _tile_kernel(tt_ref, tot_ref,
                 opw_ref,
                 x_ref, gum_ref, val_ref,
                 w1_ref, b1_ref, w2_ref, b2_ref, rtw_ref, rtb_ref,
                 out_ref, samp_ref, rank_ref, cnt_ref,
                 cnt_acc):
    i = pl.program_id(0)

    @pl.when(i == 0)
    def _init():
        cnt_acc[...] = jnp.zeros_like(cnt_acc)

    @pl.when(i < tot_ref[0])
    def _compute():
        t = tt_ref[i]
        xt = x_ref[0]
        out = None
        for op in range(_OPS):
            h1 = jnp.maximum(
                jnp.dot(xt, w1_ref[0, op], preferred_element_type=jnp.float32)
                + b1_ref[0, op], 0.0)
            h2 = jnp.maximum(
                jnp.dot(h1, w2_ref[0, op], preferred_element_type=jnp.float32)
                + b2_ref[0, op], 0.0)
            term = opw_ref[t, op] * h2
            out = term if out is None else out + term
        nl = (jnp.dot(out, rtw_ref[0], preferred_element_type=jnp.float32)
              + rtb_ref[0])
        z = nl + gum_ref[0][:, :_T + 1]
        m = jnp.max(z, axis=1, keepdims=True)
        ii = lax.broadcasted_iota(jnp.int32, z.shape, 1)
        samp = jnp.min(jnp.where(z >= m, ii, _T + 1), axis=1,
                       keepdims=True)
        out_ref[0] = out
        samp_ref[0] = samp
        ohf = ((samp == lax.broadcasted_iota(jnp.int32, (_TILE, 128), 1))
               .astype(jnp.float32) * val_ref[0])
        rr = lax.broadcasted_iota(jnp.int32, (_TILE, _TILE), 0)
        cc = lax.broadcasted_iota(jnp.int32, (_TILE, _TILE), 1)
        lts = (rr > cc).astype(jnp.float32)
        csum = jnp.dot(lts, ohf, preferred_element_type=jnp.float32)
        rank_in = jnp.sum(ohf * csum, axis=1, keepdims=True)
        base = jnp.sum(ohf * cnt_acc[...], axis=1, keepdims=True)
        rank_ref[0] = (base + rank_in).astype(jnp.int32)
        cnt_acc[...] = cnt_acc[...] + jnp.sum(ohf, axis=0, keepdims=True)

    cnt_ref[...] = cnt_acc[...].astype(jnp.int32)


def _run_tiles(x_sorted, gum_sorted, valid_f, tile_temper, total, consts):
    opw_h, op_W1, op_b1r, op_W2, op_b2r, rt_W, rt_br = consts
    return pl.pallas_call(
        _tile_kernel,
        grid_spec=pltpu.PrefetchScalarGridSpec(
            num_scalar_prefetch=2,
            grid=(_NT,),
            in_specs=[
                pl.BlockSpec(memory_space=pltpu.SMEM),
                pl.BlockSpec((1, _TILE, _H), lambda i, tt, tot: (i, 0, 0)),
                pl.BlockSpec((1, _TILE, 128), lambda i, tt, tot: (i, 0, 0)),
                pl.BlockSpec((1, _TILE, 1), lambda i, tt, tot: (i, 0, 0)),
                pl.BlockSpec((1, _OPS, _H, _H),
                             lambda i, tt, tot: (tt[i], 0, 0, 0)),
                pl.BlockSpec((1, _OPS, 1, _H),
                             lambda i, tt, tot: (tt[i], 0, 0, 0)),
                pl.BlockSpec((1, _OPS, _H, _H),
                             lambda i, tt, tot: (tt[i], 0, 0, 0)),
                pl.BlockSpec((1, _OPS, 1, _H),
                             lambda i, tt, tot: (tt[i], 0, 0, 0)),
                pl.BlockSpec((1, _H, _T + 1),
                             lambda i, tt, tot: (tt[i], 0, 0)),
                pl.BlockSpec((1, 1, _T + 1),
                             lambda i, tt, tot: (tt[i], 0, 0)),
            ],
            out_specs=[
                pl.BlockSpec((1, _TILE, _H), lambda i, tt, tot: (i, 0, 0)),
                pl.BlockSpec((1, _TILE, 1), lambda i, tt, tot: (i, 0, 0)),
                pl.BlockSpec((1, _TILE, 1), lambda i, tt, tot: (i, 0, 0)),
                pl.BlockSpec((1, 128), lambda i, tt, tot: (0, 0)),
            ],
            scratch_shapes=[pltpu.VMEM((1, 128), jnp.float32)],
        ),
        out_shape=[
            jax.ShapeDtypeStruct((_NT, _TILE, _H), jnp.float32),
            jax.ShapeDtypeStruct((_NT, _TILE, 1), jnp.int32),
            jax.ShapeDtypeStruct((_NT, _TILE, 1), jnp.int32),
            jax.ShapeDtypeStruct((1, 128), jnp.int32),
        ],
        compiler_params=pltpu.CompilerParams(
            vmem_limit_bytes=100 * 1024 * 1024),
    )(tile_temper, total, opw_h, x_sorted.reshape(_NT, _TILE, _H),
      gum_sorted.reshape(_NT, _TILE, 128), valid_f.reshape(_NT, _TILE, 1),
      op_W1, op_b1r, op_W2, op_b2r, rt_W, rt_br)


@jax.jit
def kernel(x, W_in, b_in, op_W1, op_b1, op_W2, op_b2, rt_W, rt_b, W_out,
           b_out):
    init_t, opw, gum16 = _get_consts()
    op_b1r = op_b1.reshape(_T, _OPS, 1, _H)
    op_b2r = op_b2.reshape(_T, _OPS, 1, _H)
    rt_br = rt_b.reshape(_T, 1, _T + 1)
    consts = lambda h: (opw[h], op_W1, op_b1r, op_W2, op_b2r, rt_W, rt_br)

    states0 = _project(x, W_in, b_in)

    key0 = init_t.astype(jnp.int32)
    oh0 = (key0[:, None] == jnp.arange(_T)[None, :]).astype(jnp.int32)
    counts0 = jnp.sum(oh0, axis=0)
    rank0 = jnp.sum((jnp.cumsum(oh0, axis=0) - oh0) * oh0, axis=1)
    padded_off, tile_temper, total = _tile_table(counts0)
    pos0 = jnp.sum(oh0 * padded_off[None, :_T], axis=1) + rank0
    packed = _invert(pos0, jnp.arange(_B, dtype=jnp.int32) |
                     (jnp.arange(_B, dtype=jnp.int32) << 12))
    valid, srcA, tok = _slot_fields(packed, _B)

    floc = jnp.zeros((_B + 1,), jnp.int32)
    outs = []
    for h in range(_HOPS):
        table = states0 if h == 0 else outs[h - 1]
        x_sorted, gum_sorted = _sc_gather2(table, srcA, gum16[h], tok)
        out_sorted, samp3, rank3, cnt = _run_tiles(
            x_sorted, gum_sorted, valid.astype(jnp.float32), tile_temper,
            total, consts(h))
        outs.append(out_sorted.reshape(_NSLOT, _H))
        samp = samp3.reshape(_NSLOT)
        p = jnp.arange(_NSLOT, dtype=jnp.int32)

        if h < _HOPS - 1:
            fin = jnp.logical_and(valid, samp == _T)
            floc = floc.at[jnp.where(fin, tok, _B)].set(
                h * _NSLOT + p, mode='drop')
            cont = jnp.logical_and(valid, samp < _T)
            rank = rank3.reshape(_NSLOT)
            padded_off, tile_temper, total = _tile_table(cnt[0, :_T])
            oh13 = (samp[:, None] == jnp.arange(_T)[None, :]
                    ).astype(jnp.float32)
            posn = (oh13 @ padded_off[:_T].astype(jnp.float32)
                    ).astype(jnp.int32) + rank
            pos_s = jnp.where(cont, posn, _NSLOT)
            packed = _invert(pos_s, p | (tok << 12))
            valid, srcA, tok = _slot_fields(packed, _NSLOT)
        else:
            floc = floc.at[jnp.where(valid, tok, _B)].set(
                h * _NSLOT + p, mode='drop')

    table_all = jnp.concatenate(outs, axis=0)
    states_final = _sc_gather(table_all, floc[:_B])
    return _project(states_final, W_out, b_out)

# --- scband reference (transcript-rebuilt; emitter-appended) ---
"""Pipeline reference for scband-temper-graph-4389456576808 (READ-ONLY COPY).

The authoritative reference and input builder live on the scoring server;
editing this copy changes nothing except your own understanding.
"""

import jax, jax.numpy as jnp
import numpy as np

INPUT_DIM = 768
HIDDEN = 768
OUT_DIM = 768
NUM_TEMPERS = 12
MAX_HOPS = 4
BATCH = 2048
NUM_OPS = 3


def _init(key, shape, fan_in):
    return (jax.random.normal(key, shape, dtype=jnp.float32) / np.sqrt(fan_in)).astype(jnp.float32)


def setup_inputs(seed: int = 0):
    key = jax.random.key(seed)
    ks = jax.random.split(key, 12)
    inp = {}
    inp["x"] = jax.random.normal(ks[0], (BATCH, INPUT_DIM), dtype=jnp.float32)
    inp["W_in"] = _init(ks[1], (INPUT_DIM, HIDDEN), INPUT_DIM)
    inp["b_in"] = jnp.zeros((HIDDEN,), jnp.float32)
    inp["op_W1"] = _init(ks[2], (NUM_TEMPERS, NUM_OPS, HIDDEN, HIDDEN), HIDDEN)
    inp["op_b1"] = jnp.zeros((NUM_TEMPERS, NUM_OPS, HIDDEN), jnp.float32)
    inp["op_W2"] = _init(ks[3], (NUM_TEMPERS, NUM_OPS, HIDDEN, HIDDEN), HIDDEN)
    inp["op_b2"] = jnp.zeros((NUM_TEMPERS, NUM_OPS, HIDDEN), jnp.float32)
    inp["rt_W"] = _init(ks[4], (NUM_TEMPERS, HIDDEN, NUM_TEMPERS + 1), HIDDEN)
    inp["rt_b"] = jnp.zeros((NUM_TEMPERS, NUM_TEMPERS + 1), jnp.float32)
    inp["W_out"] = _init(ks[5], (HIDDEN, OUT_DIM), HIDDEN)
    inp["b_out"] = jnp.zeros((OUT_DIM,), jnp.float32)
    return inp


def _temper_forward(x, W1, b1, W2, b2, rW, rb, key):
    # weights = softmax(randn(3)) over the operator bank
    w = jax.nn.softmax(jax.random.normal(key, (NUM_OPS,), dtype=jnp.float32))
    out = jnp.zeros_like(x)
    for i in range(NUM_OPS):
        h = jax.nn.relu(x @ W1[i] + b1[i])
        h = jax.nn.relu(h @ W2[i] + b2[i])
        out = out + w[i] * h
    next_logits = out @ rW + rb
    return out, next_logits


def reference(x, W_in, b_in, op_W1, op_b1, op_W2, op_b2, rt_W, rt_b, W_out, b_out):
    rkey = jax.random.key(42)
    N = x.shape[0]
    # input projection; patch_size == hidden_dim so num_patches == 1 and
    # patches == x_proj directly.
    patch_states = x @ W_in + b_in
    patch_tempers = jax.random.randint(jax.random.fold_in(rkey, 0), (N,), 0, NUM_TEMPERS)
    patch_done = jnp.zeros((N,), dtype=bool)
    for hop in range(MAX_HOPS):
        active = ~patch_done
        outputs = jnp.zeros_like(patch_states)
        logits = jnp.zeros((N, NUM_TEMPERS + 1), jnp.float32)
        # Equivalent to torch's sort-and-group dispatch: each active patch is
        # processed by its assigned temper; here we run each temper on the
        # full batch and mask-select (math-identical per patch).
        for tid in range(NUM_TEMPERS):
            k = jax.random.fold_in(rkey, 1000 + hop * NUM_TEMPERS + tid)
            out, nl = _temper_forward(patch_states, op_W1[tid], op_b1[tid], op_W2[tid], op_b2[tid], rt_W[tid], rt_b[tid], k)
            sel = active & (patch_tempers == tid)
            outputs = jnp.where(sel[:, None], out, outputs)
            logits = jnp.where(sel[:, None], nl, logits)
        # multinomial(softmax(logits), 1) == categorical(logits)
        sampled = jax.random.categorical(jax.random.fold_in(rkey, 2000 + hop), logits, axis=-1)
        done_now = sampled == NUM_TEMPERS
        patch_states = jnp.where(active[:, None], outputs, patch_states)
        patch_tempers = jnp.where(active, jnp.clip(sampled, 0, NUM_TEMPERS - 1), patch_tempers)
        patch_done = patch_done | (done_now & active)
    # view(batch, num_patches=1, hidden).mean(dim=1) is identity
    final_output = patch_states
    return final_output @ W_out + b_out

if __name__ == "__main__":
    import jax
    _d = setup_inputs()
    print(jax.jit(kernel)(*tuple(_d.values())))

</pallas_src>

<mosaic_0001>
#map = affine_map<(d0, d1) -> (0, 0)>
#map1 = affine_map<(d0, d1) -> (0)>
module attributes {stable_mosaic.version = 14 : i64} {
  func.func @k(%arg0: i32, %arg1: i32, %arg2: memref<2048x768xf32, #tpu.memory_space<hbm>>, %arg3: memref<3584xi32, #tpu.memory_space<hbm>>, %arg4: memref<2048x128xf32, #tpu.memory_space<hbm>>, %arg5: memref<3584xi32, #tpu.memory_space<hbm>>, %arg6: memref<3584x768xf32, #tpu.memory_space<hbm>>, %arg7: memref<3584x128xf32, #tpu.memory_space<hbm>>, %arg8: memref<112xi32, #tpu.memory_space<vmem>>, %arg9: memref<112xi32, #tpu.memory_space<vmem>>, %arg10: memref<112x768xf32, #tpu.memory_space<vmem>>, %arg11: memref<112x128xf32, #tpu.memory_space<vmem>>, %arg12: memref<!tpu.dma_semaphore, #tpu.memory_space<semaphore_mem>>, %arg13: memref<!tpu.dma_semaphore, #tpu.memory_space<semaphore_mem>>) attributes {dimension_semantics = [#tpu.dimension_semantics<core_parallel>, #tpu.dimension_semantics<subcore_parallel>], iteration_bounds = array<i64: 2, 16>, scalar_prefetch = 0 : i64, scratch_operands = 6 : i64, tpu.core_type = #tpu.core_type<sc_vector_subcore>, window_params = [{transform_indices = #map}, {transform_indices = #map1}, {transform_indices = #map}, {transform_indices = #map1}, {transform_indices = #map}, {transform_indices = #map}]} {
    %mul3A = arith.constant 2 : i32
    %mul3A_0 = arith.muli %arg1, %mul3A : i32
    %add3A = arith.addi %mul3A_0, %arg0 : i32
    %mul3A_1 = arith.constant 112 : i32
    %mul3A_2 = arith.muli %add3A, %mul3A_1 : i32
    "tpu.region"() ({
      %run_scoped3A = tpu.sem_alloc : memref<!tpu.dma_semaphore, #tpu.memory_space<semaphore_mem>>
      %dma_start3A_13 = tpu.memref_slice %arg3[%mul3A_2] : memref<3584xi32, #tpu.memory_space<hbm>> -> memref<112xi32, #tpu.memory_space<hbm>>
      %dma_start3A_14 = tpu.memref_slice %arg3[%mul3A_2] : memref<3584xi32, #tpu.memory_space<hbm>> -> memref<112xi32, #tpu.memory_space<hbm>>
      tpu.enqueue_dma source(%dma_start3A_14 : memref<112xi32, #tpu.memory_space<hbm>>) target(%arg8 : memref<112xi32, #tpu.memory_space<vmem>>) target_semaphore(%run_scoped3A : memref<!tpu.dma_semaphore, #tpu.memory_space<semaphore_mem>>)
      %dma_wait3A_15 = tpu.memref_slice %arg3[%mul3A_2] : memref<3584xi32, #tpu.memory_space<hbm>> -> memref<112xi32, #tpu.memory_space<hbm>>
      %dma_wait3A_16 = tpu.memref_slice %arg3[%mul3A_2] : memref<3584xi32, #tpu.memory_space<hbm>> -> memref<112xi32, #tpu.memory_space<hbm>>
      tpu.wait_dma2 semaphore(%run_scoped3A : memref<!tpu.dma_semaphore, #tpu.memory_space<semaphore_mem>>) src(%dma_wait3A_16 : memref<112xi32, #tpu.memory_space<hbm>>) dst(%arg8 : memref<112xi32, #tpu.memory_space<vmem>>)
      tpu.yield
    }) : () -> ()
    "tpu.region"() ({
      %run_scoped3A = tpu.sem_alloc : memref<!tpu.dma_semaphore, #tpu.memory_space<semaphore_mem>>
      %dma_start3A_13 = tpu.memref_slice %arg5[%mul3A_2] : memref<3584xi32, #tpu.memory_space<hbm>> -> memref<112xi32, #tpu.memory_space<hbm>>
      %dma_start3A_14 = tpu.memref_slice %arg5[%mul3A_2] : memref<3584xi32, #tpu.memory_space<hbm>> -> memref<112xi32, #tpu.memory_space<hbm>>
      tpu.enqueue_dma source(%dma_start3A_14 : memref<112xi32, #tpu.memory_space<hbm>>) target(%arg9 : memref<112xi32, #tpu.memory_space<vmem>>) target_semaphore(%run_scoped3A : memref<!tpu.dma_semaphore, #tpu.memory_space<semaphore_mem>>)
      %dma_wait3A_15 = tpu.memref_slice %arg5[%mul3A_2] : memref<3584xi32, #tpu.memory_space<hbm>> -> memref<112xi32, #tpu.memory_space<hbm>>
      %dma_wait3A_16 = tpu.memref_slice %arg5[%mul3A_2] : memref<3584xi32, #tpu.memory_space<hbm>> -> memref<112xi32, #tpu.memory_space<hbm>>
      tpu.wait_dma2 semaphore(%run_scoped3A : memref<!tpu.dma_semaphore, #tpu.memory_space<semaphore_mem>>) src(%dma_wait3A_16 : memref<112xi32, #tpu.memory_space<hbm>>) dst(%arg9 : memref<112xi32, #tpu.memory_space<vmem>>)
      tpu.yield
    }) : () -> ()
    %dma_start3A = arith.constant 0 : i32
    %dma_start3A_3 = arith.constant 0 : i32
    %dma_start3A_4 = tpu.memref_slice %arg2[%dma_start3A, %dma_start3A_3] : memref<2048x768xf32, #tpu.memory_space<hbm>> -> memref<2048x768xf32, #tpu.memory_space<hbm>>
    tpu.enqueue_indirect_dma source(%dma_start3A_4 : memref<2048x768xf32, #tpu.memory_space<hbm>>) target(%arg10 : memref<112x768xf32, #tpu.memory_space<vmem>>) offsets(%arg8 : memref<112xi32, #tpu.memory_space<vmem>>) semaphore(%arg12 : memref<!tpu.dma_semaphore, #tpu.memory_space<semaphore_mem>>)
    %dma_start3A_5 = arith.constant 0 : i32
    %dma_start3A_6 = arith.constant 0 : i32
    %dma_start3A_7 = tpu.memref_slice %arg4[%dma_start3A_5, %dma_start3A_6] : memref<2048x128xf32, #tpu.memory_space<hbm>> -> memref<2048x128xf32, #tpu.memory_space<hbm>>
    tpu.enqueue_indirect_dma source(%dma_start3A_7 : memref<2048x128xf32, #tpu.memory_space<hbm>>) target(%arg11 : memref<112x128xf32, #tpu.memory_space<vmem>>) offsets(%arg9 : memref<112xi32, #tpu.memory_space<vmem>>) semaphore(%arg13 : memref<!tpu.dma_semaphore, #tpu.memory_space<semaphore_mem>>)
    %dma_wait3A = arith.constant 0 : i32
    %dma_wait3A_8 = arith.constant 0 : i32
    %dma_wait3A_9 = tpu.memref_slice %arg2[%dma_wait3A, %dma_wait3A_8] : memref<2048x768xf32, #tpu.memory_space<hbm>> -> memref<2048x768xf32, #tpu.memory_space<hbm>>
    tpu.wait_indirect_dma semaphore(%arg12 : memref<!tpu.dma_semaphore, #tpu.memory_space<semaphore_mem>>) src(%dma_wait3A_9 : memref<2048x768xf32, #tpu.memory_space<hbm>>) dst(%arg10 : memref<112x768xf32, #tpu.memory_space<vmem>>)
    %dma_wait3A_10 = arith.constant 0 : i32
    %dma_wait3A_11 = arith.constant 0 : i32
    %dma_wait3A_12 = tpu.memref_slice %arg4[%dma_wait3A_10, %dma_wait3A_11] : memref<2048x128xf32, #tpu.memory_space<hbm>> -> memref<2048x128xf32, #tpu.memory_space<hbm>>
    tpu.wait_indirect_dma semaphore(%arg13 : memref<!tpu.dma_semaphore, #tpu.memory_space<semaphore_mem>>) src(%dma_wait3A_12 : memref<2048x128xf32, #tpu.memory_space<hbm>>) dst(%arg11 : memref<112x128xf32, #tpu.memory_space<vmem>>)
    "tpu.region"() ({
      %run_scoped3A = tpu.sem_alloc : memref<!tpu.dma_semaphore, #tpu.memory_space<semaphore_mem>>
      %dma_start3A_13 = arith.constant 0 : i32
      %dma_start3A_14 = tpu.memref_slice %arg6[%mul3A_2, %dma_start3A_13] : memref<3584x768xf32, #tpu.memory_space<hbm>> -> memref<112x768xf32, #tpu.memory_space<hbm>>
      %dma_start3A_15 = arith.constant 0 : i32
      %dma_start3A_16 = tpu.memref_slice %arg6[%mul3A_2, %dma_start3A_15] : memref<3584x768xf32, #tpu.memory_space<hbm>> -> memref<112x768xf32, #tpu.memory_space<hbm>>
      tpu.enqueue_dma source(%arg10 : memref<112x768xf32, #tpu.memory_space<vmem>>) target(%dma_start3A_16 : memref<112x768xf32, #tpu.memory_space<hbm>>) target_semaphore(%run_scoped3A : memref<!tpu.dma_semaphore, #tpu.memory_space<semaphore_mem>>)
      %dma_wait3A_17 = arith.constant 0 : i32
      %dma_wait3A_18 = tpu.memref_slice %arg6[%mul3A_2, %dma_wait3A_17] : memref<3584x768xf32, #tpu.memory_space<hbm>> -> memref<112x768xf32, #tpu.memory_space<hbm>>
      %dma_wait3A_19 = arith.constant 0 : i32
      %dma_wait3A_20 = tpu.memref_slice %arg6[%mul3A_2, %dma_wait3A_19] : memref<3584x768xf32, #tpu.memory_space<hbm>> -> memref<112x768xf32, #tpu.memory_space<hbm>>
      tpu.wait_dma2 semaphore(%run_scoped3A : memref<!tpu.dma_semaphore, #tpu.memory_space<semaphore_mem>>) src(%arg10 : memref<112x768xf32, #tpu.memory_space<vmem>>) dst(%dma_wait3A_20 : memref<112x768xf32, #tpu.memory_space<hbm>>)
      tpu.yield
    }) : () -> ()
    "tpu.region"() ({
      %run_scoped3A = tpu.sem_alloc : memref<!tpu.dma_semaphore, #tpu.memory_space<semaphore_mem>>
      %dma_start3A_13 = arith.constant 0 : i32
      %dma_start3A_14 = tpu.memref_slice %arg7[%mul3A_2, %dma_start3A_13] : memref<3584x128xf32, #tpu.memory_space<hbm>> -> memref<112x128xf32, #tpu.memory_space<hbm>>
      %dma_start3A_15 = arith.constant 0 : i32
      %dma_start3A_16 = tpu.memref_slice %arg7[%mul3A_2, %dma_start3A_15] : memref<3584x128xf32, #tpu.memory_space<hbm>> -> memref<112x128xf32, #tpu.memory_space<hbm>>
      tpu.enqueue_dma source(%arg11 : memref<112x128xf32, #tpu.memory_space<vmem>>) target(%dma_start3A_16 : memref<112x128xf32, #tpu.memory_space<hbm>>) target_semaphore(%run_scoped3A : memref<!tpu.dma_semaphore, #tpu.memory_space<semaphore_mem>>)
      %dma_wait3A_17 = arith.constant 0 : i32
      %dma_wait3A_18 = tpu.memref_slice %arg7[%mul3A_2, %dma_wait3A_17] : memref<3584x128xf32, #tpu.memory_space<hbm>> -> memref<112x128xf32, #tpu.memory_space<hbm>>
      %dma_wait3A_19 = arith.constant 0 : i32
      %dma_wait3A_20 = tpu.memref_slice %arg7[%mul3A_2, %dma_wait3A_19] : memref<3584x128xf32, #tpu.memory_space<hbm>> -> memref<112x128xf32, #tpu.memory_space<hbm>>
      tpu.wait_dma2 semaphore(%run_scoped3A : memref<!tpu.dma_semaphore, #tpu.memory_space<semaphore_mem>>) src(%arg11 : memref<112x128xf32, #tpu.memory_space<vmem>>) dst(%dma_wait3A_20 : memref<112x128xf32, #tpu.memory_space<hbm>>)
      tpu.yield
    }) : () -> ()
    return
  }
}

#map = affine_map<(d0, d1) -> (0, 0)>
#map1 = affine_map<(d0, d1) -> (0)>
module attributes {stable_mosaic.version = 14 : i64} {
  func.func @k(%arg0: i32, %arg1: i32, %arg2: memref<3584x768xf32, #tpu.memory_space<hbm>>, %arg3: memref<3584xi32, #tpu.memory_space<hbm>>, %arg4: memref<2048x128xf32, #tpu.memory_space<hbm>>, %arg5: memref<3584xi32, #tpu.memory_space<hbm>>, %arg6: memref<3584x768xf32, #tpu.memory_space<hbm>>, %arg7: memref<3584x128xf32, #tpu.memory_space<hbm>>, %arg8: memref<112xi32, #tpu.memory_space<vmem>>, %arg9: memref<112xi32, #tpu.memory_space<vmem>>, %arg10: memref<112x768xf32, #tpu.memory_space<vmem>>, %arg11: memref<112x128xf32, #tpu.memory_space<vmem>>, %arg12: memref<!tpu.dma_semaphore, #tpu.memory_space<semaphore_mem>>, %arg13: memref<!tpu.dma_semaphore, #tpu.memory_space<semaphore_mem>>) attributes {dimension_semantics = [#tpu.dimension_semantics<core_parallel>, #tpu.dimension_semantics<subcore_parallel>], iteration_bounds = array<i64: 2, 16>, scalar_prefetch = 0 : i64, scratch_operands = 6 : i64, tpu.core_type = #tpu.core_type<sc_vector_subcore>, window_params = [{transform_indices = #map}, {transform_indices = #map1}, {transform_indices = #map}, {transform_indices = #map1}, {transform_indices = #map}, {transform_indices = #map}]} {
    %mul3A = arith.constant 2 : i32
    %mul3A_0 = arith.muli %arg1, %mul3A : i32
    %add3A = arith.addi %mul3A_0, %arg0 : i32
    %mul3A_1 = arith.constant 112 : i32
    %mul3A_2 = arith.muli %add3A, %mul3A_1 : i32
    "tpu.region"() ({
      %run_scoped3A = tpu.sem_alloc : memref<!tpu.dma_semaphore, #tpu.memory_space<semaphore_mem>>
      %dma_start3A_13 = tpu.memref_slice %arg3[%mul3A_2] : memref<3584xi32, #tpu.memory_space<hbm>> -> memref<112xi32, #tpu.memory_space<hbm>>
      %dma_start3A_14 = tpu.memref_slice %arg3[%mul3A_2] : memref<3584xi32, #tpu.memory_space<hbm>> -> memref<112xi32, #tpu.memory_space<hbm>>
      tpu.enqueue_dma source(%dma_start3A_14 : memref<112xi32, #tpu.memory_space<hbm>>) target(%arg8 : memref<112xi32, #tpu.memory_space<vmem>>) target_semaphore(%run_scoped3A : memref<!tpu.dma_semaphore, #tpu.memory_space<semaphore_mem>>)
      %dma_wait3A_15 = tpu.memref_slice %arg3[%mul3A_2] : memref<3584xi32, #tpu.memory_space<hbm>> -> memref<112xi32, #tpu.memory_space<hbm>>
      %dma_wait3A_16 = tpu.memref_slice %arg3[%mul3A_2] : memref<3584xi32, #tpu.memory_space<hbm>> -> memref<112xi32, #tpu.memory_space<hbm>>
      tpu.wait_dma2 semaphore(%run_scoped3A : memref<!tpu.dma_semaphore, #tpu.memory_space<semaphore_mem>>) src(%dma_wait3A_16 : memref<112xi32, #tpu.memory_space<hbm>>) dst(%arg8 : memref<112xi32, #tpu.memory_space<vmem>>)
      tpu.yield
    }) : () -> ()
    "tpu.region"() ({
      %run_scoped3A = tpu.sem_alloc : memref<!tpu.dma_semaphore, #tpu.memory_space<semaphore_mem>>
      %dma_start3A_13 = tpu.memref_slice %arg5[%mul3A_2] : memref<3584xi32, #tpu.memory_space<hbm>> -> memref<112xi32, #tpu.memory_space<hbm>>
      %dma_start3A_14 = tpu.memref_slice %arg5[%mul3A_2] : memref<3584xi32, #tpu.memory_space<hbm>> -> memref<112xi32, #tpu.memory_space<hbm>>
      tpu.enqueue_dma source(%dma_start3A_14 : memref<112xi32, #tpu.memory_space<hbm>>) target(%arg9 : memref<112xi32, #tpu.memory_space<vmem>>) target_semaphore(%run_scoped3A : memref<!tpu.dma_semaphore, #tpu.memory_space<semaphore_mem>>)
      %dma_wait3A_15 = tpu.memref_slice %arg5[%mul3A_2] : memref<3584xi32, #tpu.memory_space<hbm>> -> memref<112xi32, #tpu.memory_space<hbm>>
      %dma_wait3A_16 = tpu.memref_slice %arg5[%mul3A_2] : memref<3584xi32, #tpu.memory_space<hbm>> -> memref<112xi32, #tpu.memory_space<hbm>>
      tpu.wait_dma2 semaphore(%run_scoped3A : memref<!tpu.dma_semaphore, #tpu.memory_space<semaphore_mem>>) src(%dma_wait3A_16 : memref<112xi32, #tpu.memory_space<hbm>>) dst(%arg9 : memref<112xi32, #tpu.memory_space<vmem>>)
      tpu.yield
    }) : () -> ()
    %dma_start3A = arith.constant 0 : i32
    %dma_start3A_3 = arith.constant 0 : i32
    %dma_start3A_4 = tpu.memref_slice %arg2[%dma_start3A, %dma_start3A_3] : memref<3584x768xf32, #tpu.memory_space<hbm>> -> memref<3584x768xf32, #tpu.memory_space<hbm>>
    tpu.enqueue_indirect_dma source(%dma_start3A_4 : memref<3584x768xf32, #tpu.memory_space<hbm>>) target(%arg10 : memref<112x768xf32, #tpu.memory_space<vmem>>) offsets(%arg8 : memref<112xi32, #tpu.memory_space<vmem>>) semaphore(%arg12 : memref<!tpu.dma_semaphore, #tpu.memory_space<semaphore_mem>>)
    %dma_start3A_5 = arith.constant 0 : i32
    %dma_start3A_6 = arith.constant 0 : i32
    %dma_start3A_7 = tpu.memref_slice %arg4[%dma_start3A_5, %dma_start3A_6] : memref<2048x128xf32, #tpu.memory_space<hbm>> -> memref<2048x128xf32, #tpu.memory_space<hbm>>
    tpu.enqueue_indirect_dma source(%dma_start3A_7 : memref<2048x128xf32, #tpu.memory_space<hbm>>) target(%arg11 : memref<112x128xf32, #tpu.memory_space<vmem>>) offsets(%arg9 : memref<112xi32, #tpu.memory_space<vmem>>) semaphore(%arg13 : memref<!tpu.dma_semaphore, #tpu.memory_space<semaphore_mem>>)
    %dma_wait3A = arith.constant 0 : i32
    %dma_wait3A_8 = arith.constant 0 : i32
    %dma_wait3A_9 = tpu.memref_slice %arg2[%dma_wait3A, %dma_wait3A_8] : memref<3584x768xf32, #tpu.memory_space<hbm>> -> memref<3584x768xf32, #tpu.memory_space<hbm>>
    tpu.wait_indirect_dma semaphore(%arg12 : memref<!tpu.dma_semaphore, #tpu.memory_space<semaphore_mem>>) src(%dma_wait3A_9 : memref<3584x768xf32, #tpu.memory_space<hbm>>) dst(%arg10 : memref<112x768xf32, #tpu.memory_space<vmem>>)
    %dma_wait3A_10 = arith.constant 0 : i32
    %dma_wait3A_11 = arith.constant 0 : i32
    %dma_wait3A_12 = tpu.memref_slice %arg4[%dma_wait3A_10, %dma_wait3A_11] : memref<2048x128xf32, #tpu.memory_space<hbm>> -> memref<2048x128xf32, #tpu.memory_space<hbm>>
    tpu.wait_indirect_dma semaphore(%arg13 : memref<!tpu.dma_semaphore, #tpu.memory_space<semaphore_mem>>) src(%dma_wait3A_12 : memref<2048x128xf32, #tpu.memory_space<hbm>>) dst(%arg11 : memref<112x128xf32, #tpu.memory_space<vmem>>)
    "tpu.region"() ({
      %run_scoped3A = tpu.sem_alloc : memref<!tpu.dma_semaphore, #tpu.memory_space<semaphore_mem>>
      %dma_start3A_13 = arith.constant 0 : i32
      %dma_start3A_14 = tpu.memref_slice %arg6[%mul3A_2, %dma_start3A_13] : memref<3584x768xf32, #tpu.memory_space<hbm>> -> memref<112x768xf32, #tpu.memory_space<hbm>>
      %dma_start3A_15 = arith.constant 0 : i32
      %dma_start3A_16 = tpu.memref_slice %arg6[%mul3A_2, %dma_start3A_15] : memref<3584x768xf32, #tpu.memory_space<hbm>> -> memref<112x768xf32, #tpu.memory_space<hbm>>
      tpu.enqueue_dma source(%arg10 : memref<112x768xf32, #tpu.memory_space<vmem>>) target(%dma_start3A_16 : memref<112x768xf32, #tpu.memory_space<hbm>>) target_semaphore(%run_scoped3A : memref<!tpu.dma_semaphore, #tpu.memory_space<semaphore_mem>>)
      %dma_wait3A_17 = arith.constant 0 : i32
      %dma_wait3A_18 = tpu.memref_slice %arg6[%mul3A_2, %dma_wait3A_17] : memref<3584x768xf32, #tpu.memory_space<hbm>> -> memref<112x768xf32, #tpu.memory_space<hbm>>
      %dma_wait3A_19 = arith.constant 0 : i32
      %dma_wait3A_20 = tpu.memref_slice %arg6[%mul3A_2, %dma_wait3A_19] : memref<3584x768xf32, #tpu.memory_space<hbm>> -> memref<112x768xf32, #tpu.memory_space<hbm>>
      tpu.wait_dma2 semaphore(%run_scoped3A : memref<!tpu.dma_semaphore, #tpu.memory_space<semaphore_mem>>) src(%arg10 : memref<112x768xf32, #tpu.memory_space<vmem>>) dst(%dma_wait3A_20 : memref<112x768xf32, #tpu.memory_space<hbm>>)
      tpu.yield
    }) : () -> ()
    "tpu.region"() ({
      %run_scoped3A = tpu.sem_alloc : memref<!tpu.dma_semaphore, #tpu.memory_space<semaphore_mem>>
      %dma_start3A_13 = arith.constant 0 : i32
      %dma_start3A_14 = tpu.memref_slice %arg7[%mul3A_2, %dma_start3A_13] : memref<3584x128xf32, #tpu.memory_space<hbm>> -> memref<112x128xf32, #tpu.memory_space<hbm>>
      %dma_start3A_15 = arith.constant 0 : i32
      %dma_start3A_16 = tpu.memref_slice %arg7[%mul3A_2, %dma_start3A_15] : memref<3584x128xf32, #tpu.memory_space<hbm>> -> memref<112x128xf32, #tpu.memory_space<hbm>>
      tpu.enqueue_dma source(%arg11 : memref<112x128xf32, #tpu.memory_space<vmem>>) target(%dma_start3A_16 : memref<112x128xf32, #tpu.memory_space<hbm>>) target_semaphore(%run_scoped3A : memref<!tpu.dma_semaphore, #tpu.memory_space<semaphore_mem>>)
      %dma_wait3A_17 = arith.constant 0 : i32
      %dma_wait3A_18 = tpu.memref_slice %arg7[%mul3A_2, %dma_wait3A_17] : memref<3584x128xf32, #tpu.memory_space<hbm>> -> memref<112x128xf32, #tpu.memory_space<hbm>>
      %dma_wait3A_19 = arith.constant 0 : i32
      %dma_wait3A_20 = tpu.memref_slice %arg7[%mul3A_2, %dma_wait3A_19] : memref<3584x128xf32, #tpu.memory_space<hbm>> -> memref<112x128xf32, #tpu.memory_space<hbm>>
      tpu.wait_dma2 semaphore(%run_scoped3A : memref<!tpu.dma_semaphore, #tpu.memory_space<semaphore_mem>>) src(%arg11 : memref<112x128xf32, #tpu.memory_space<vmem>>) dst(%dma_wait3A_20 : memref<112x128xf32, #tpu.memory_space<hbm>>)
      tpu.yield
    }) : () -> ()
    return
  }
}

#map = affine_map<(d0, d1) -> (0, 0)>
#map1 = affine_map<(d0, d1) -> (0)>
module attributes {stable_mosaic.version = 14 : i64} {
  func.func @k(%arg0: i32, %arg1: i32, %arg2: memref<3584x768xf32, #tpu.memory_space<hbm>>, %arg3: memref<3584xi32, #tpu.memory_space<hbm>>, %arg4: memref<2048x128xf32, #tpu.memory_space<hbm>>, %arg5: memref<3584xi32, #tpu.memory_space<hbm>>, %arg6: memref<3584x768xf32, #tpu.memory_space<hbm>>, %arg7: memref<3584x128xf32, #tpu.memory_space<hbm>>, %arg8: memref<112xi32, #tpu.memory_space<vmem>>, %arg9: memref<112xi32, #tpu.memory_space<vmem>>, %arg10: memref<112x768xf32, #tpu.memory_space<vmem>>, %arg11: memref<112x128xf32, #tpu.memory_space<vmem>>, %arg12: memref<!tpu.dma_semaphore, #tpu.memory_space<semaphore_mem>>, %arg13: memref<!tpu.dma_semaphore, #tpu.memory_space<semaphore_mem>>) attributes {dimension_semantics = [#tpu.dimension_semantics<core_parallel>, #tpu.dimension_semantics<subcore_parallel>], iteration_bounds = array<i64: 2, 16>, scalar_prefetch = 0 : i64, scratch_operands = 6 : i64, tpu.core_type = #tpu.core_type<sc_vector_subcore>, window_params = [{transform_indices = #map}, {transform_indices = #map1}, {transform_indices = #map}, {transform_indices = #map1}, {transform_indices = #map}, {transform_indices = #map}]} {
    %mul3A = arith.constant 2 : i32
    %mul3A_0 = arith.muli %arg1, %mul3A : i32
    %add3A = arith.addi %mul3A_0, %arg0 : i32
    %mul3A_1 = arith.constant 112 : i32
    %mul3A_2 = arith.muli %add3A, %mul3A_1 : i32
    "tpu.region"() ({
      %run_scoped3A = tpu.sem_alloc : memref<!tpu.dma_semaphore, #tpu.memory_space<semaphore_mem>>
      %dma_start3A_13 = tpu.memref_slice %arg3[%mul3A_2] : memref<3584xi32, #tpu.memory_space<hbm>> -> memref<112xi32, #tpu.memory_space<hbm>>
      %dma_start3A_14 = tpu.memref_slice %arg3[%mul3A_2] : memref<3584xi32, #tpu.memory_space<hbm>> -> memref<112xi32, #tpu.memory_space<hbm>>
      tpu.enqueue_dma source(%dma_start3A_14 : memref<112xi32, #tpu.memory_space<hbm>>) target(%arg8 : memref<112xi32, #tpu.memory_space<vmem>>) target_semaphore(%run_scoped3A : memref<!tpu.dma_semaphore, #tpu.memory_space<semaphore_mem>>)
      %dma_wait3A_15 = tpu.memref_slice %arg3[%mul3A_2] : memref<3584xi32, #tpu.memory_space<hbm>> -> memref<112xi32, #tpu.memory_space<hbm>>
      %dma_wait3A_16 = tpu.memref_slice %arg3[%mul3A_2] : memref<3584xi32, #tpu.memory_space<hbm>> -> memref<112xi32, #tpu.memory_space<hbm>>
      tpu.wait_dma2 semaphore(%run_scoped3A : memref<!tpu.dma_semaphore, #tpu.memory_space<semaphore_mem>>) src(%dma_wait3A_16 : memref<112xi32, #tpu.memory_space<hbm>>) dst(%arg8 : memref<112xi32, #tpu.memory_space<vmem>>)
      tpu.yield
    }) : () -> ()
    "tpu.region"() ({
      %run_scoped3A = tpu.sem_alloc : memref<!tpu.dma_semaphore, #tpu.memory_space<semaphore_mem>>
      %dma_start3A_13 = tpu.memref_slice %arg5[%mul3A_2] : memref<3584xi32, #tpu.memory_space<hbm>> -> memref<112xi32, #tpu.memory_space<hbm>>
      %dma_start3A_14 = tpu.memref_slice %arg5[%mul3A_2] : memref<3584xi32, #tpu.memory_space<hbm>> -> memref<112xi32, #tpu.memory_space<hbm>>
      tpu.enqueue_dma source(%dma_start3A_14 : memref<112xi32, #tpu.memory_space<hbm>>) target(%arg9 : memref<112xi32, #tpu.memory_space<vmem>>) target_semaphore(%run_scoped3A : memref<!tpu.dma_semaphore, #tpu.memory_space<semaphore_mem>>)
      %dma_wait3A_15 = tpu.memref_slice %arg5[%mul3A_2] : memref<3584xi32, #tpu.memory_space<hbm>> -> memref<112xi32, #tpu.memory_space<hbm>>
      %dma_wait3A_16 = tpu.memref_slice %arg5[%mul3A_2] : memref<3584xi32, #tpu.memory_space<hbm>> -> memref<112xi32, #tpu.memory_space<hbm>>
      tpu.wait_dma2 semaphore(%run_scoped3A : memref<!tpu.dma_semaphore, #tpu.memory_space<semaphore_mem>>) src(%dma_wait3A_16 : memref<112xi32, #tpu.memory_space<hbm>>) dst(%arg9 : memref<112xi32, #tpu.memory_space<vmem>>)
      tpu.yield
    }) : () -> ()
    %dma_start3A = arith.constant 0 : i32
    %dma_start3A_3 = arith.constant 0 : i32
    %dma_start3A_4 = tpu.memref_slice %arg2[%dma_start3A, %dma_start3A_3] : memref<3584x768xf32, #tpu.memory_space<hbm>> -> memref<3584x768xf32, #tpu.memory_space<hbm>>
    tpu.enqueue_indirect_dma source(%dma_start3A_4 : memref<3584x768xf32, #tpu.memory_space<hbm>>) target(%arg10 : memref<112x768xf32, #tpu.memory_space<vmem>>) offsets(%arg8 : memref<112xi32, #tpu.memory_space<vmem>>) semaphore(%arg12 : memref<!tpu.dma_semaphore, #tpu.memory_space<semaphore_mem>>)
    %dma_start3A_5 = arith.constant 0 : i32
    %dma_start3A_6 = arith.constant 0 : i32
    %dma_start3A_7 = tpu.memref_slice %arg4[%dma_start3A_5, %dma_start3A_6] : memref<2048x128xf32, #tpu.memory_space<hbm>> -> memref<2048x128xf32, #tpu.memory_space<hbm>>
    tpu.enqueue_indirect_dma source(%dma_start3A_7 : memref<2048x128xf32, #tpu.memory_space<hbm>>) target(%arg11 : memref<112x128xf32, #tpu.memory_space<vmem>>) offsets(%arg9 : memref<112xi32, #tpu.memory_space<vmem>>) semaphore(%arg13 : memref<!tpu.dma_semaphore, #tpu.memory_space<semaphore_mem>>)
    %dma_wait3A = arith.constant 0 : i32
    %dma_wait3A_8 = arith.constant 0 : i32
    %dma_wait3A_9 = tpu.memref_slice %arg2[%dma_wait3A, %dma_wait3A_8] : memref<3584x768xf32, #tpu.memory_space<hbm>> -> memref<3584x768xf32, #tpu.memory_space<hbm>>
    tpu.wait_indirect_dma semaphore(%arg12 : memref<!tpu.dma_semaphore, #tpu.memory_space<semaphore_mem>>) src(%dma_wait3A_9 : memref<3584x768xf32, #tpu.memory_space<hbm>>) dst(%arg10 : memref<112x768xf32, #tpu.memory_space<vmem>>)
    %dma_wait3A_10 = arith.constant 0 : i32
    %dma_wait3A_11 = arith.constant 0 : i32
    %dma_wait3A_12 = tpu.memref_slice %arg4[%dma_wait3A_10, %dma_wait3A_11] : memref<2048x128xf32, #tpu.memory_space<hbm>> -> memref<2048x128xf32, #tpu.memory_space<hbm>>
    tpu.wait_indirect_dma semaphore(%arg13 : memref<!tpu.dma_semaphore, #tpu.memory_space<semaphore_mem>>) src(%dma_wait3A_12 : memref<2048x128xf32, #tpu.memory_space<hbm>>) dst(%arg11 : memref<112x128xf32, #tpu.memory_space<vmem>>)
    "tpu.region"() ({
      %run_scoped3A = tpu.sem_alloc : memref<!tpu.dma_semaphore, #tpu.memory_space<semaphore_mem>>
      %dma_start3A_13 = arith.constant 0 : i32
      %dma_start3A_14 = tpu.memref_slice %arg6[%mul3A_2, %dma_start3A_13] : memref<3584x768xf32, #tpu.memory_space<hbm>> -> memref<112x768xf32, #tpu.memory_space<hbm>>
      %dma_start3A_15 = arith.constant 0 : i32
      %dma_start3A_16 = tpu.memref_slice %arg6[%mul3A_2, %dma_start3A_15] : memref<3584x768xf32, #tpu.memory_space<hbm>> -> memref<112x768xf32, #tpu.memory_space<hbm>>
      tpu.enqueue_dma source(%arg10 : memref<112x768xf32, #tpu.memory_space<vmem>>) target(%dma_start3A_16 : memref<112x768xf32, #tpu.memory_space<hbm>>) target_semaphore(%run_scoped3A : memref<!tpu.dma_semaphore, #tpu.memory_space<semaphore_mem>>)
      %dma_wait3A_17 = arith.constant 0 : i32
      %dma_wait3A_18 = tpu.memref_slice %arg6[%mul3A_2, %dma_wait3A_17] : memref<3584x768xf32, #tpu.memory_space<hbm>> -> memref<112x768xf32, #tpu.memory_space<hbm>>
      %dma_wait3A_19 = arith.constant 0 : i32
      %dma_wait3A_20 = tpu.memref_slice %arg6[%mul3A_2, %dma_wait3A_19] : memref<3584x768xf32, #tpu.memory_space<hbm>> -> memref<112x768xf32, #tpu.memory_space<hbm>>
      tpu.wait_dma2 semaphore(%run_scoped3A : memref<!tpu.dma_semaphore, #tpu.memory_space<semaphore_mem>>) src(%arg10 : memref<112x768xf32, #tpu.memory_space<vmem>>) dst(%dma_wait3A_20 : memref<112x768xf32, #tpu.memory_space<hbm>>)
      tpu.yield
    }) : () -> ()
    "tpu.region"() ({
      %run_scoped3A = tpu.sem_alloc : memref<!tpu.dma_semaphore, #tpu.memory_space<semaphore_mem>>
      %dma_start3A_13 = arith.constant 0 : i32
      %dma_start3A_14 = tpu.memref_slice %arg7[%mul3A_2, %dma_start3A_13] : memref<3584x128xf32, #tpu.memory_space<hbm>> -> memref<112x128xf32, #tpu.memory_space<hbm>>
      %dma_start3A_15 = arith.constant 0 : i32
      %dma_start3A_16 = tpu.memref_slice %arg7[%mul3A_2, %dma_start3A_15] : memref<3584x128xf32, #tpu.memory_space<hbm>> -> memref<112x128xf32, #tpu.memory_space<hbm>>
      tpu.enqueue_dma source(%arg11 : memref<112x128xf32, #tpu.memory_space<vmem>>) target(%dma_start3A_16 : memref<112x128xf32, #tpu.memory_space<hbm>>) target_semaphore(%run_scoped3A : memref<!tpu.dma_semaphore, #tpu.memory_space<semaphore_mem>>)
      %dma_wait3A_17 = arith.constant 0 : i32
      %dma_wait3A_18 = tpu.memref_slice %arg7[%mul3A_2, %dma_wait3A_17] : memref<3584x128xf32, #tpu.memory_space<hbm>> -> memref<112x128xf32, #tpu.memory_space<hbm>>
      %dma_wait3A_19 = arith.constant 0 : i32
      %dma_wait3A_20 = tpu.memref_slice %arg7[%mul3A_2, %dma_wait3A_19] : memref<3584x128xf32, #tpu.memory_space<hbm>> -> memref<112x128xf32, #tpu.memory_space<hbm>>
      tpu.wait_dma2 semaphore(%run_scoped3A : memref<!tpu.dma_semaphore, #tpu.memory_space<semaphore_mem>>) src(%arg11 : memref<112x128xf32, #tpu.memory_space<vmem>>) dst(%dma_wait3A_20 : memref<112x128xf32, #tpu.memory_space<hbm>>)
      tpu.yield
    }) : () -> ()
    return
  }
}

#map = affine_map<(d0, d1) -> (0, 0)>
#map1 = affine_map<(d0, d1) -> (0)>
module attributes {stable_mosaic.version = 14 : i64} {
  func.func @k(%arg0: i32, %arg1: i32, %arg2: memref<3584x768xf32, #tpu.memory_space<hbm>>, %arg3: memref<3584xi32, #tpu.memory_space<hbm>>, %arg4: memref<2048x128xf32, #tpu.memory_space<hbm>>, %arg5: memref<3584xi32, #tpu.memory_space<hbm>>, %arg6: memref<3584x768xf32, #tpu.memory_space<hbm>>, %arg7: memref<3584x128xf32, #tpu.memory_space<hbm>>, %arg8: memref<112xi32, #tpu.memory_space<vmem>>, %arg9: memref<112xi32, #tpu.memory_space<vmem>>, %arg10: memref<112x768xf32, #tpu.memory_space<vmem>>, %arg11: memref<112x128xf32, #tpu.memory_space<vmem>>, %arg12: memref<!tpu.dma_semaphore, #tpu.memory_space<semaphore_mem>>, %arg13: memref<!tpu.dma_semaphore, #tpu.memory_space<semaphore_mem>>) attributes {dimension_semantics = [#tpu.dimension_semantics<core_parallel>, #tpu.dimension_semantics<subcore_parallel>], iteration_bounds = array<i64: 2, 16>, scalar_prefetch = 0 : i64, scratch_operands = 6 : i64, tpu.core_type = #tpu.core_type<sc_vector_subcore>, window_params = [{transform_indices = #map}, {transform_indices = #map1}, {transform_indices = #map}, {transform_indices = #map1}, {transform_indices = #map}, {transform_indices = #map}]} {
    %mul3A = arith.constant 2 : i32
    %mul3A_0 = arith.muli %arg1, %mul3A : i32
    %add3A = arith.addi %mul3A_0, %arg0 : i32
    %mul3A_1 = arith.constant 112 : i32
    %mul3A_2 = arith.muli %add3A, %mul3A_1 : i32
    "tpu.region"() ({
      %run_scoped3A = tpu.sem_alloc : memref<!tpu.dma_semaphore, #tpu.memory_space<semaphore_mem>>
      %dma_start3A_13 = tpu.memref_slice %arg3[%mul3A_2] : memref<3584xi32, #tpu.memory_space<hbm>> -> memref<112xi32, #tpu.memory_space<hbm>>
      %dma_start3A_14 = tpu.memref_slice %arg3[%mul3A_2] : memref<3584xi32, #tpu.memory_space<hbm>> -> memref<112xi32, #tpu.memory_space<hbm>>
      tpu.enqueue_dma source(%dma_start3A_14 : memref<112xi32, #tpu.memory_space<hbm>>) target(%arg8 : memref<112xi32, #tpu.memory_space<vmem>>) target_semaphore(%run_scoped3A : memref<!tpu.dma_semaphore, #tpu.memory_space<semaphore_mem>>)
      %dma_wait3A_15 = tpu.memref_slice %arg3[%mul3A_2] : memref<3584xi32, #tpu.memory_space<hbm>> -> memref<112xi32, #tpu.memory_space<hbm>>
      %dma_wait3A_16 = tpu.memref_slice %arg3[%mul3A_2] : memref<3584xi32, #tpu.memory_space<hbm>> -> memref<112xi32, #tpu.memory_space<hbm>>
      tpu.wait_dma2 semaphore(%run_scoped3A : memref<!tpu.dma_semaphore, #tpu.memory_space<semaphore_mem>>) src(%dma_wait3A_16 : memref<112xi32, #tpu.memory_space<hbm>>) dst(%arg8 : memref<112xi32, #tpu.memory_space<vmem>>)
      tpu.yield
    }) : () -> ()
    "tpu.region"() ({
      %run_scoped3A = tpu.sem_alloc : memref<!tpu.dma_semaphore, #tpu.memory_space<semaphore_mem>>
      %dma_start3A_13 = tpu.memref_slice %arg5[%mul3A_2] : memref<3584xi32, #tpu.memory_space<hbm>> -> memref<112xi32, #tpu.memory_space<hbm>>
      %dma_start3A_14 = tpu.memref_slice %arg5[%mul3A_2] : memref<3584xi32, #tpu.memory_space<hbm>> -> memref<112xi32, #tpu.memory_space<hbm>>
      tpu.enqueue_dma source(%dma_start3A_14 : memref<112xi32, #tpu.memory_space<hbm>>) target(%arg9 : memref<112xi32, #tpu.memory_space<vmem>>) target_semaphore(%run_scoped3A : memref<!tpu.dma_semaphore, #tpu.memory_space<semaphore_mem>>)
      %dma_wait3A_15 = tpu.memref_slice %arg5[%mul3A_2] : memref<3584xi32, #tpu.memory_space<hbm>> -> memref<112xi32, #tpu.memory_space<hbm>>
      %dma_wait3A_16 = tpu.memref_slice %arg5[%mul3A_2] : memref<3584xi32, #tpu.memory_space<hbm>> -> memref<112xi32, #tpu.memory_space<hbm>>
      tpu.wait_dma2 semaphore(%run_scoped3A : memref<!tpu.dma_semaphore, #tpu.memory_space<semaphore_mem>>) src(%dma_wait3A_16 : memref<112xi32, #tpu.memory_space<hbm>>) dst(%arg9 : memref<112xi32, #tpu.memory_space<vmem>>)
      tpu.yield
    }) : () -> ()
    %dma_start3A = arith.constant 0 : i32
    %dma_start3A_3 = arith.constant 0 : i32
    %dma_start3A_4 = tpu.memref_slice %arg2[%dma_start3A, %dma_start3A_3] : memref<3584x768xf32, #tpu.memory_space<hbm>> -> memref<3584x768xf32, #tpu.memory_space<hbm>>
    tpu.enqueue_indirect_dma source(%dma_start3A_4 : memref<3584x768xf32, #tpu.memory_space<hbm>>) target(%arg10 : memref<112x768xf32, #tpu.memory_space<vmem>>) offsets(%arg8 : memref<112xi32, #tpu.memory_space<vmem>>) semaphore(%arg12 : memref<!tpu.dma_semaphore, #tpu.memory_space<semaphore_mem>>)
    %dma_start3A_5 = arith.constant 0 : i32
    %dma_start3A_6 = arith.constant 0 : i32
    %dma_start3A_7 = tpu.memref_slice %arg4[%dma_start3A_5, %dma_start3A_6] : memref<2048x128xf32, #tpu.memory_space<hbm>> -> memref<2048x128xf32, #tpu.memory_space<hbm>>
    tpu.enqueue_indirect_dma source(%dma_start3A_7 : memref<2048x128xf32, #tpu.memory_space<hbm>>) target(%arg11 : memref<112x128xf32, #tpu.memory_space<vmem>>) offsets(%arg9 : memref<112xi32, #tpu.memory_space<vmem>>) semaphore(%arg13 : memref<!tpu.dma_semaphore, #tpu.memory_space<semaphore_mem>>)
    %dma_wait3A = arith.constant 0 : i32
    %dma_wait3A_8 = arith.constant 0 : i32
    %dma_wait3A_9 = tpu.memref_slice %arg2[%dma_wait3A, %dma_wait3A_8] : memref<3584x768xf32, #tpu.memory_space<hbm>> -> memref<3584x768xf32, #tpu.memory_space<hbm>>
    tpu.wait_indirect_dma semaphore(%arg12 : memref<!tpu.dma_semaphore, #tpu.memory_space<semaphore_mem>>) src(%dma_wait3A_9 : memref<3584x768xf32, #tpu.memory_space<hbm>>) dst(%arg10 : memref<112x768xf32, #tpu.memory_space<vmem>>)
    %dma_wait3A_10 = arith.constant 0 : i32
    %dma_wait3A_11 = arith.constant 0 : i32
    %dma_wait3A_12 = tpu.memref_slice %arg4[%dma_wait3A_10, %dma_wait3A_11] : memref<2048x128xf32, #tpu.memory_space<hbm>> -> memref<2048x128xf32, #tpu.memory_space<hbm>>
    tpu.wait_indirect_dma semaphore(%arg13 : memref<!tpu.dma_semaphore, #tpu.memory_space<semaphore_mem>>) src(%dma_wait3A_12 : memref<2048x128xf32, #tpu.memory_space<hbm>>) dst(%arg11 : memref<112x128xf32, #tpu.memory_space<vmem>>)
    "tpu.region"() ({
      %run_scoped3A = tpu.sem_alloc : memref<!tpu.dma_semaphore, #tpu.memory_space<semaphore_mem>>
      %dma_start3A_13 = arith.constant 0 : i32
      %dma_start3A_14 = tpu.memref_slice %arg6[%mul3A_2, %dma_start3A_13] : memref<3584x768xf32, #tpu.memory_space<hbm>> -> memref<112x768xf32, #tpu.memory_space<hbm>>
      %dma_start3A_15 = arith.constant 0 : i32
      %dma_start3A_16 = tpu.memref_slice %arg6[%mul3A_2, %dma_start3A_15] : memref<3584x768xf32, #tpu.memory_space<hbm>> -> memref<112x768xf32, #tpu.memory_space<hbm>>
      tpu.enqueue_dma source(%arg10 : memref<112x768xf32, #tpu.memory_space<vmem>>) target(%dma_start3A_16 : memref<112x768xf32, #tpu.memory_space<hbm>>) target_semaphore(%run_scoped3A : memref<!tpu.dma_semaphore, #tpu.memory_space<semaphore_mem>>)
      %dma_wait3A_17 = arith.constant 0 : i32
      %dma_wait3A_18 = tpu.memref_slice %arg6[%mul3A_2, %dma_wait3A_17] : memref<3584x768xf32, #tpu.memory_space<hbm>> -> memref<112x768xf32, #tpu.memory_space<hbm>>
      %dma_wait3A_19 = arith.constant 0 : i32
      %dma_wait3A_20 = tpu.memref_slice %arg6[%mul3A_2, %dma_wait3A_19] : memref<3584x768xf32, #tpu.memory_space<hbm>> -> memref<112x768xf32, #tpu.memory_space<hbm>>
      tpu.wait_dma2 semaphore(%run_scoped3A : memref<!tpu.dma_semaphore, #tpu.memory_space<semaphore_mem>>) src(%arg10 : memref<112x768xf32, #tpu.memory_space<vmem>>) dst(%dma_wait3A_20 : memref<112x768xf32, #tpu.memory_space<hbm>>)
      tpu.yield
    }) : () -> ()
    "tpu.region"() ({
      %run_scoped3A = tpu.sem_alloc : memref<!tpu.dma_semaphore, #tpu.memory_space<semaphore_mem>>
      %dma_start3A_13 = arith.constant 0 : i32
      %dma_start3A_14 = tpu.memref_slice %arg7[%mul3A_2, %dma_start3A_13] : memref<3584x128xf32, #tpu.memory_space<hbm>> -> memref<112x128xf32, #tpu.memory_space<hbm>>
      %dma_start3A_15 = arith.constant 0 : i32
      %dma_start3A_16 = tpu.memref_slice %arg7[%mul3A_2, %dma_start3A_15] : memref<3584x128xf32, #tpu.memory_space<hbm>> -> memref<112x128xf32, #tpu.memory_space<hbm>>
      tpu.enqueue_dma source(%arg11 : memref<112x128xf32, #tpu.memory_space<vmem>>) target(%dma_start3A_16 : memref<112x128xf32, #tpu.memory_space<hbm>>) target_semaphore(%run_scoped3A : memref<!tpu.dma_semaphore, #tpu.memory_space<semaphore_mem>>)
      %dma_wait3A_17 = arith.constant 0 : i32
      %dma_wait3A_18 = tpu.memref_slice %arg7[%mul3A_2, %dma_wait3A_17] : memref<3584x128xf32, #tpu.memory_space<hbm>> -> memref<112x128xf32, #tpu.memory_space<hbm>>
      %dma_wait3A_19 = arith.constant 0 : i32
      %dma_wait3A_20 = tpu.memref_slice %arg7[%mul3A_2, %dma_wait3A_19] : memref<3584x128xf32, #tpu.memory_space<hbm>> -> memref<112x128xf32, #tpu.memory_space<hbm>>
      tpu.wait_dma2 semaphore(%run_scoped3A : memref<!tpu.dma_semaphore, #tpu.memory_space<semaphore_mem>>) src(%arg11 : memref<112x128xf32, #tpu.memory_space<vmem>>) dst(%dma_wait3A_20 : memref<112x128xf32, #tpu.memory_space<hbm>>)
      tpu.yield
    }) : () -> ()
    return
  }
}

#map = affine_map<(d0, d1) -> (0, 0)>
#map1 = affine_map<(d0, d1) -> (0)>
module attributes {stable_mosaic.version = 14 : i64} {
  func.func @k(%arg0: i32, %arg1: i32, %arg2: memref<14336x768xf32, #tpu.memory_space<hbm>>, %arg3: memref<2048xi32, #tpu.memory_space<hbm>>, %arg4: memref<2048x768xf32, #tpu.memory_space<hbm>>, %arg5: memref<64xi32, #tpu.memory_space<vmem>>, %arg6: memref<64x768xf32, #tpu.memory_space<vmem>>, %arg7: memref<!tpu.dma_semaphore, #tpu.memory_space<semaphore_mem>>) attributes {dimension_semantics = [#tpu.dimension_semantics<core_parallel>, #tpu.dimension_semantics<subcore_parallel>], iteration_bounds = array<i64: 2, 16>, scalar_prefetch = 0 : i64, scratch_operands = 3 : i64, tpu.core_type = #tpu.core_type<sc_vector_subcore>, window_params = [{transform_indices = #map}, {transform_indices = #map1}, {transform_indices = #map}]} {
    %mul3A = arith.constant 2 : i32
    %mul3A_0 = arith.muli %arg1, %mul3A : i32
    %add3A = arith.addi %mul3A_0, %arg0 : i32
    %mul3A_1 = arith.constant 64 : i32
    %mul3A_2 = arith.muli %add3A, %mul3A_1 : i32
    "tpu.region"() ({
      %run_scoped3A = tpu.sem_alloc : memref<!tpu.dma_semaphore, #tpu.memory_space<semaphore_mem>>
      %dma_start3A_7 = tpu.memref_slice %arg3[%mul3A_2] : memref<2048xi32, #tpu.memory_space<hbm>> -> memref<64xi32, #tpu.memory_space<hbm>>
      %dma_start3A_8 = tpu.memref_slice %arg3[%mul3A_2] : memref<2048xi32, #tpu.memory_space<hbm>> -> memref<64xi32, #tpu.memory_space<hbm>>
      tpu.enqueue_dma source(%dma_start3A_8 : memref<64xi32, #tpu.memory_space<hbm>>) target(%arg5 : memref<64xi32, #tpu.memory_space<vmem>>) target_semaphore(%run_scoped3A : memref<!tpu.dma_semaphore, #tpu.memory_space<semaphore_mem>>)
      %dma_wait3A_9 = tpu.memref_slice %arg3[%mul3A_2] : memref<2048xi32, #tpu.memory_space<hbm>> -> memref<64xi32, #tpu.memory_space<hbm>>
      %dma_wait3A_10 = tpu.memref_slice %arg3[%mul3A_2] : memref<2048xi32, #tpu.memory_space<hbm>> -> memref<64xi32, #tpu.memory_space<hbm>>
      tpu.wait_dma2 semaphore(%run_scoped3A : memref<!tpu.dma_semaphore, #tpu.memory_space<semaphore_mem>>) src(%dma_wait3A_10 : memref<64xi32, #tpu.memory_space<hbm>>) dst(%arg5 : memref<64xi32, #tpu.memory_space<vmem>>)
      tpu.yield
    }) : () -> ()
    %dma_start3A = arith.constant 0 : i32
    %dma_start3A_3 = arith.constant 0 : i32
    %dma_start3A_4 = tpu.memref_slice %arg2[%dma_start3A, %dma_start3A_3] : memref<14336x768xf32, #tpu.memory_space<hbm>> -> memref<14336x768xf32, #tpu.memory_space<hbm>>
    tpu.enqueue_indirect_dma source(%dma_start3A_4 : memref<14336x768xf32, #tpu.memory_space<hbm>>) target(%arg6 : memref<64x768xf32, #tpu.memory_space<vmem>>) offsets(%arg5 : memref<64xi32, #tpu.memory_space<vmem>>) semaphore(%arg7 : memref<!tpu.dma_semaphore, #tpu.memory_space<semaphore_mem>>)
    %dma_wait3A = arith.constant 0 : i32
    %dma_wait3A_5 = arith.constant 0 : i32
    %dma_wait3A_6 = tpu.memref_slice %arg2[%dma_wait3A, %dma_wait3A_5] : memref<14336x768xf32, #tpu.memory_space<hbm>> -> memref<14336x768xf32, #tpu.memory_space<hbm>>
    tpu.wait_indirect_dma semaphore(%arg7 : memref<!tpu.dma_semaphore, #tpu.memory_space<semaphore_mem>>) src(%dma_wait3A_6 : memref<14336x768xf32, #tpu.memory_space<hbm>>) dst(%arg6 : memref<64x768xf32, #tpu.memory_space<vmem>>)
    "tpu.region"() ({
      %run_scoped3A = tpu.sem_alloc : memref<!tpu.dma_semaphore, #tpu.memory_space<semaphore_mem>>
      %dma_start3A_7 = arith.constant 0 : i32
      %dma_start3A_8 = tpu.memref_slice %arg4[%mul3A_2, %dma_start3A_7] : memref<2048x768xf32, #tpu.memory_space<hbm>> -> memref<64x768xf32, #tpu.memory_space<hbm>>
      %dma_start3A_9 = arith.constant 0 : i32
      %dma_start3A_10 = tpu.memref_slice %arg4[%mul3A_2, %dma_start3A_9] : memref<2048x768xf32, #tpu.memory_space<hbm>> -> memref<64x768xf32, #tpu.memory_space<hbm>>
      tpu.enqueue_dma source(%arg6 : memref<64x768xf32, #tpu.memory_space<vmem>>) target(%dma_start3A_10 : memref<64x768xf32, #tpu.memory_space<hbm>>) target_semaphore(%run_scoped3A : memref<!tpu.dma_semaphore, #tpu.memory_space<semaphore_mem>>)
      %dma_wait3A_11 = arith.constant 0 : i32
      %dma_wait3A_12 = tpu.memref_slice %arg4[%mul3A_2, %dma_wait3A_11] : memref<2048x768xf32, #tpu.memory_space<hbm>> -> memref<64x768xf32, #tpu.memory_space<hbm>>
      %dma_wait3A_13 = arith.constant 0 : i32
      %dma_wait3A_14 = tpu.memref_slice %arg4[%mul3A_2, %dma_wait3A_13] : memref<2048x768xf32, #tpu.memory_space<hbm>> -> memref<64x768xf32, #tpu.memory_space<hbm>>
      tpu.wait_dma2 semaphore(%run_scoped3A : memref<!tpu.dma_semaphore, #tpu.memory_space<semaphore_mem>>) src(%arg6 : memref<64x768xf32, #tpu.memory_space<vmem>>) dst(%dma_wait3A_14 : memref<64x768xf32, #tpu.memory_space<hbm>>)
      tpu.yield
    }) : () -> ()
    return
  }
}

module attributes {stable_mosaic.version = 14 : i64} {
  func.func @_proj_kernel(%arg0: memref<2048x768xf32, #tpu.memory_space<vmem>>, %arg1: memref<768x768xf32, #tpu.memory_space<vmem>>, %arg2: memref<1x768xf32, #tpu.memory_space<vmem>>, %arg3: memref<2048x768xf32, #tpu.memory_space<vmem>>) attributes {dimension_semantics = [], scalar_prefetch = 0 : i64, scratch_operands = 0 : i64, tpu.core_type = #tpu.core_type<tc>} {
    %get3A = arith.constant 0 : index
    %get3A_0 = arith.constant 0 : index
    %get3A_1 = vector.load %arg0[%get3A, %get3A_0] : memref<2048x768xf32, #tpu.memory_space<vmem>>, vector<2048x768xf32>
    %get3A_2 = arith.constant 0 : index
    %get3A_3 = arith.constant 0 : index
    %get3A_4 = vector.load %arg1[%get3A_2, %get3A_3] : memref<768x768xf32, #tpu.memory_space<vmem>>, vector<768x768xf32>
    %dot_general3A = arith.constant dense<0.000000e+00> : vector<2048x768xf32>
    %dot_general3A_5 = tpu.matmul %get3A_1, %get3A_4, %dot_general3A {dimension_numbers = #tpu.dot_dimension_numbers<[1], [0], [0], [1], [0, 0, 1, 1], [], []>, transpose_lhs_hint = false} : vector<2048x768xf32>, vector<768x768xf32>, vector<2048x768xf32> -> vector<2048x768xf32>
    %get3A_6 = arith.constant 0 : index
    %get3A_7 = arith.constant 0 : index
    %get3A_8 = vector.load %arg2[%get3A_6, %get3A_7] : memref<1x768xf32, #tpu.memory_space<vmem>>, vector<1x768xf32>
    %add3A = vector.broadcast %get3A_8 : vector<1x768xf32> to vector<2048x768xf32>
    %add3A_9 = arith.addf %dot_general3A_5, %add3A : vector<2048x768xf32>
    %swap3A = arith.constant 0 : index
    %swap3A_10 = arith.constant 0 : index
    %swap3A_11 = vector.load %arg3[%swap3A, %swap3A_10] : memref<2048x768xf32, #tpu.memory_space<vmem>>, vector<2048x768xf32>
    tpu.vector_store %arg3[%swap3A, %swap3A_10], %add3A_9 {strides = array<i32>} : memref<2048x768xf32, #tpu.memory_space<vmem>>, vector<2048x768xf32>,
    return
  }
}

module attributes {stable_mosaic.version = 14 : i64} {
  func.func @_tile_kernel(%arg0: i32, %arg1: memref<28xi32, #tpu.memory_space<smem>>, %arg2: memref<1xi32, #tpu.memory_space<smem>>, %arg3: memref<12x3xf32, #tpu.memory_space<smem>>, %arg4: memref<1x128x768xf32, #tpu.memory_space<vmem>>, %arg5: memref<1x128x128xf32, #tpu.memory_space<vmem>>, %arg6: memref<1x128x1xf32, #tpu.memory_space<vmem>>, %arg7: memref<1x3x768x768xf32, #tpu.memory_space<vmem>>, %arg8: memref<1x3x1x768xf32, #tpu.memory_space<vmem>>, %arg9: memref<1x3x768x768xf32, #tpu.memory_space<vmem>>, %arg10: memref<1x3x1x768xf32, #tpu.memory_space<vmem>>, %arg11: memref<1x768x13xf32, #tpu.memory_space<vmem>>, %arg12: memref<1x1x13xf32, #tpu.memory_space<vmem>>, %arg13: memref<1x128x768xf32, #tpu.memory_space<vmem>>, %arg14: memref<1x128x1xi32, #tpu.memory_space<vmem>>, %arg15: memref<1x128x1xi32, #tpu.memory_space<vmem>>, %arg16: memref<1x128xi32, #tpu.memory_space<vmem>>, %arg17: memref<1x128xf32, #tpu.memory_space<vmem>>) attributes {dimension_semantics = [#tpu.dimension_semantics<arbitrary>], iteration_bounds = array<i64: 28>, scalar_prefetch = 2 : i64, scratch_operands = 1 : i64, tpu.core_type = #tpu.core_type<tc>, window_params = [{transform_indices = @transform_0, window_bounds = array<i64: 12, 3>}, {transform_indices = @transform_1, window_bounds = array<i64: 1, 128, 768>}, {transform_indices = @transform_2, window_bounds = array<i64: 1, 128, 128>}, {transform_indices = @transform_3, window_bounds = array<i64: 1, 128, 1>}, {transform_indices = @transform_4, window_bounds = array<i64: 1, 3, 768, 768>}, {transform_indices = @transform_5, window_bounds = array<i64: 1, 3, 1, 768>}, {transform_indices = @transform_6, window_bounds = array<i64: 1, 3, 768, 768>}, {transform_indices = @transform_7, window_bounds = array<i64: 1, 3, 1, 768>}, {transform_indices = @transform_8, window_bounds = array<i64: 1, 768, 13>}, {transform_indices = @transform_9, window_bounds = array<i64: 1, 1, 13>}, {transform_indices = @transform_10, window_bounds = array<i64: 1, 128, 768>}, {transform_indices = @transform_11, window_bounds = array<i64: 1, 128, 1>}, {transform_indices = @transform_12, window_bounds = array<i64: 1, 128, 1>}, {pipeline_mode = #tpu.pipeline_mode<synchronous>, transform_indices = @transform_13, window_bounds = array<i64: 1, 128>}]} {
    %eq3A = arith.constant 0 : i32
    %eq3A_0 = arith.cmpi eq, %arg0, %eq3A : i32
    %convert_element_type3A = arith.extui %eq3A_0 : i1 to i32
    %cond3A = arith.constant 0 : i32
    %cond3A_1 = arith.cmpi ne, %convert_element_type3A, %cond3A : i32
    scf.if %cond3A_1 {
      %broadcast_in_dim3A = arith.constant 0.000000e+00 : f32
      %broadcast_in_dim3A_12 = vector.broadcast %broadcast_in_dim3A : f32 to vector<1x128xf32>
      %swap3A_13 = arith.constant 0 : index
      %swap3A_14 = arith.constant 0 : index
      %swap3A_15 = vector.load %arg17[%swap3A_13, %swap3A_14] : memref<1x128xf32, #tpu.memory_space<vmem>>, vector<1x128xf32>
      tpu.vector_store %arg17[%swap3A_13, %swap3A_14], %broadcast_in_dim3A_12 {strides = array<i32>} : memref<1x128xf32, #tpu.memory_space<vmem>>, vector<1x128xf32>,
    } else {
    }
    %get3A = arith.constant 0 : index
    %get3A_2 = memref.load %arg2[%get3A] : memref<1xi32, #tpu.memory_space<smem>>
    %lt3A = arith.cmpi slt, %arg0, %get3A_2 : i32
    %convert_element_type3A_3 = arith.extui %lt3A : i1 to i32
    %cond3A_4 = arith.constant 0 : i32
    %cond3A_5 = arith.cmpi ne, %convert_element_type3A_3, %cond3A_4 : i32
    scf.if %cond3A_5 {
      %get3A_12 = arith.index_cast %arg0 : i32 to index
      %get3A_13 = memref.load %arg1[%get3A_12] : memref<28xi32, #tpu.memory_space<smem>>
      %get3A_14 = arith.constant 0 : index
      %get3A_15 = arith.constant 0 : index
      %get3A_16 = arith.constant 0 : index
      %get3A_17 = vector.load %arg4[%get3A_14, %get3A_15, %get3A_16] : memref<1x128x768xf32, #tpu.memory_space<vmem>>, vector<1x128x768xf32>
      %get3A_18 = vector.shape_cast %get3A_17 : vector<1x128x768xf32> to vector<128x768xf32>
      %get3A_19 = arith.constant 0 : index
      %get3A_20 = arith.constant 0 : index
      %get3A_21 = arith.constant 0 : index
      %get3A_22 = arith.constant 0 : index
      %get3A_23 = vector.load %arg7[%get3A_19, %get3A_20, %get3A_21, %get3A_22] : memref<1x3x768x768xf32, #tpu.memory_space<vmem>>, vector<1x1x768x768xf32>
      %get3A_24 = vector.shape_cast %get3A_23 : vector<1x1x768x768xf32> to vector<768x768xf32>
      %dot_general3A = arith.constant dense<0.000000e+00> : vector<128x768xf32>
      %dot_general3A_25 = tpu.matmul %get3A_18, %get3A_24, %dot_general3A {dimension_numbers = #tpu.dot_dimension_numbers<[1], [0], [0], [1], [0, 0, 1, 1], [], []>, transpose_lhs_hint = false} : vector<128x768xf32>, vector<768x768xf32>, vector<128x768xf32> -> vector<128x768xf32>
      %get3A_26 = arith.constant 0 : index
      %get3A_27 = arith.constant 0 : index
      %get3A_28 = arith.constant 0 : index
      %get3A_29 = arith.constant 0 : index
      %get3A_30 = vector.load %arg8[%get3A_26, %get3A_27, %get3A_28, %get3A_29] : memref<1x3x1x768xf32, #tpu.memory_space<vmem>>, vector<1x1x1x768xf32>
      %get3A_31 = vector.shape_cast %get3A_30 : vector<1x1x1x768xf32> to vector<1x768xf32>
      %add3A = vector.broadcast %get3A_31 : vector<1x768xf32> to vector<128x768xf32>
      %add3A_32 = arith.addf %dot_general3A_25, %add3A : vector<128x768xf32>
      %max3A = arith.constant 0.000000e+00 : f32
      %max3A_33 = vector.broadcast %max3A : f32 to vector<128x768xf32>
      %max3A_34 = arith.maximumf %add3A_32, %max3A_33 : vector<128x768xf32>
      %get3A_35 = arith.constant 0 : index
      %get3A_36 = arith.constant 0 : index
      %get3A_37 = arith.constant 0 : index
      %get3A_38 = arith.constant 0 : index
      %get3A_39 = vector.load %arg9[%get3A_35, %get3A_36, %get3A_37, %get3A_38] : memref<1x3x768x768xf32, #tpu.memory_space<vmem>>, vector<1x1x768x768xf32>
      %get3A_40 = vector.shape_cast %get3A_39 : vector<1x1x768x768xf32> to vector<768x768xf32>
      %dot_general3A_41 = arith.constant dense<0.000000e+00> : vector<128x768xf32>
      %dot_general3A_42 = tpu.matmul %max3A_34, %get3A_40, %dot_general3A_41 {dimension_numbers = #tpu.dot_dimension_numbers<[1], [0], [0], [1], [0, 0, 1, 1], [], []>, transpose_lhs_hint = false} : vector<128x768xf32>, vector<768x768xf32>, vector<128x768xf32> -> vector<128x768xf32>
      %get3A_43 = arith.constant 0 : index
      %get3A_44 = arith.constant 0 : index
      %get3A_45 = arith.constant 0 : index
      %get3A_46 = arith.constant 0 : index
      %get3A_47 = vector.load %arg10[%get3A_43, %get3A_44, %get3A_45, %get3A_46] : memref<1x3x1x768xf32, #tpu.memory_space<vmem>>, vector<1x1x1x768xf32>
      %get3A_48 = vector.shape_cast %get3A_47 : vector<1x1x1x768xf32> to vector<1x768xf32>
      %add3A_49 = vector.broadcast %get3A_48 : vector<1x768xf32> to vector<128x768xf32>
      %add3A_50 = arith.addf %dot_general3A_42, %add3A_49 : vector<128x768xf32>
      %max3A_51 = arith.constant 0.000000e+00 : f32
      %max3A_52 = vector.broadcast %max3A_51 : f32 to vector<128x768xf32>
      %max3A_53 = arith.maximumf %add3A_50, %max3A_52 : vector<128x768xf32>
      %get3A_54 = arith.index_cast %get3A_13 : i32 to index
      %get3A_55 = arith.constant 0 : index
      %get3A_56 = memref.load %arg3[%get3A_54, %get3A_55] : memref<12x3xf32, #tpu.memory_space<smem>>
      %mul3A = vector.broadcast %get3A_56 : f32 to vector<128x768xf32>
      %mul3A_57 = arith.mulf %mul3A, %max3A_53 : vector<128x768xf32>
      %get3A_58 = arith.constant 0 : index
      %get3A_59 = arith.constant 1 : index
      %get3A_60 = arith.constant 0 : index
      %get3A_61 = arith.constant 0 : index
      %get3A_62 = vector.load %arg7[%get3A_58, %get3A_59, %get3A_60, %get3A_61] : memref<1x3x768x768xf32, #tpu.memory_space<vmem>>, vector<1x1x768x768xf32>
      %get3A_63 = vector.shape_cast %get3A_62 : vector<1x1x768x768xf32> to vector<768x768xf32>
      %dot_general3A_64 = arith.constant dense<0.000000e+00> : vector<128x768xf32>
      %dot_general3A_65 = tpu.matmul %get3A_18, %get3A_63, %dot_general3A_64 {dimension_numbers = #tpu.dot_dimension_numbers<[1], [0], [0], [1], [0, 0, 1, 1], [], []>, transpose_lhs_hint = false} : vector<128x768xf32>, vector<768x768xf32>, vector<128x768xf32> -> vector<128x768xf32>
      %get3A_66 = arith.constant 0 : index
      %get3A_67 = arith.constant 1 : index
      %get3A_68 = arith.constant 0 : index
      %get3A_69 = arith.constant 0 : index
      %get3A_70 = vector.load %arg8[%get3A_66, %get3A_67, %get3A_68, %get3A_69] : memref<1x3x1x768xf32, #tpu.memory_space<vmem>>, vector<1x1x1x768xf32>
      %get3A_71 = vector.shape_cast %get3A_70 : vector<1x1x1x768xf32> to vector<1x768xf32>
      %add3A_72 = vector.broadcast %get3A_71 : vector<1x768xf32> to vector<128x768xf32>
      %add3A_73 = arith.addf %dot_general3A_65, %add3A_72 : vector<128x768xf32>
      %max3A_74 = arith.constant 0.000000e+00 : f32
      %max3A_75 = vector.broadcast %max3A_74 : f32 to vector<128x768xf32>
      %max3A_76 = arith.maximumf %add3A_73, %max3A_75 : vector<128x768xf32>
      %get3A_77 = arith.constant 0 : index
      %get3A_78 = arith.constant 1 : index
      %get3A_79 = arith.constant 0 : index
      %get3A_80 = arith.constant 0 : index
      %get3A_81 = vector.load %arg9[%get3A_77, %get3A_78, %get3A_79, %get3A_80] : memref<1x3x768x768xf32, #tpu.memory_space<vmem>>, vector<1x1x768x768xf32>
      %get3A_82 = vector.shape_cast %get3A_81 : vector<1x1x768x768xf32> to vector<768x768xf32>
      %dot_general3A_83 = arith.constant dense<0.000000e+00> : vector<128x768xf32>
      %dot_general3A_84 = tpu.matmul %max3A_76, %get3A_82, %dot_general3A_83 {dimension_numbers = #tpu.dot_dimension_numbers<[1], [0], [0], [1], [0, 0, 1, 1], [], []>, transpose_lhs_hint = false} : vector<128x768xf32>, vector<768x768xf32>, vector<128x768xf32> -> vector<128x768xf32>
      %get3A_85 = arith.constant 0 : index
      %get3A_86 = arith.constant 1 : index
      %get3A_87 = arith.constant 0 : index
      %get3A_88 = arith.constant 0 : index
      %get3A_89 = vector.load %arg10[%get3A_85, %get3A_86, %get3A_87, %get3A_88] : memref<1x3x1x768xf32, #tpu.memory_space<vmem>>, vector<1x1x1x768xf32>
      %get3A_90 = vector.shape_cast %get3A_89 : vector<1x1x1x768xf32> to vector<1x768xf32>
      %add3A_91 = vector.broadcast %get3A_90 : vector<1x768xf32> to vector<128x768xf32>
      %add3A_92 = arith.addf %dot_general3A_84, %add3A_91 : vector<128x768xf32>
      %max3A_93 = arith.constant 0.000000e+00 : f32
      %max3A_94 = vector.broadcast %max3A_93 : f32 to vector<128x768xf32>
      %max3A_95 = arith.maximumf %add3A_92, %max3A_94 : vector<128x768xf32>
      %get3A_96 = arith.index_cast %get3A_13 : i32 to index
      %get3A_97 = arith.constant 1 : index
      %get3A_98 = memref.load %arg3[%get3A_96, %get3A_97] : memref<12x3xf32, #tpu.memory_space<smem>>
      %mul3A_99 = vector.broadcast %get3A_98 : f32 to vector<128x768xf32>
      %mul3A_100 = arith.mulf %mul3A_99, %max3A_95 : vector<128x768xf32>
      %add3A_101 = arith.addf %mul3A_57, %mul3A_100 : vector<128x768xf32>
      %get3A_102 = arith.constant 0 : index
      %get3A_103 = arith.constant 2 : index
      %get3A_104 = arith.constant 0 : index
      %get3A_105 = arith.constant 0 : index
      %get3A_106 = vector.load %arg7[%get3A_102, %get3A_103, %get3A_104, %get3A_105] : memref<1x3x768x768xf32, #tpu.memory_space<vmem>>, vector<1x1x768x768xf32>
      %get3A_107 = vector.shape_cast %get3A_106 : vector<1x1x768x768xf32> to vector<768x768xf32>
      %dot_general3A_108 = arith.constant dense<0.000000e+00> : vector<128x768xf32>
      %dot_general3A_109 = tpu.matmul %get3A_18, %get3A_107, %dot_general3A_108 {dimension_numbers = #tpu.dot_dimension_numbers<[1], [0], [0], [1], [0, 0, 1, 1], [], []>, transpose_lhs_hint = false} : vector<128x768xf32>, vector<768x768xf32>, vector<128x768xf32> -> vector<128x768xf32>
      %get3A_110 = arith.constant 0 : index
      %get3A_111 = arith.constant 2 : index
      %get3A_112 = arith.constant 0 : index
      %get3A_113 = arith.constant 0 : index
      %get3A_114 = vector.load %arg8[%get3A_110, %get3A_111, %get3A_112, %get3A_113] : memref<1x3x1x768xf32, #tpu.memory_space<vmem>>, vector<1x1x1x768xf32>
      %get3A_115 = vector.shape_cast %get3A_114 : vector<1x1x1x768xf32> to vector<1x768xf32>
      %add3A_116 = vector.broadcast %get3A_115 : vector<1x768xf32> to vector<128x768xf32>
      %add3A_117 = arith.addf %dot_general3A_109, %add3A_116 : vector<128x768xf32>
      %max3A_118 = arith.constant 0.000000e+00 : f32
      %max3A_119 = vector.broadcast %max3A_118 : f32 to vector<128x768xf32>
      %max3A_120 = arith.maximumf %add3A_117, %max3A_119 : vector<128x768xf32>
      %get3A_121 = arith.constant 0 : index
      %get3A_122 = arith.constant 2 : index
      %get3A_123 = arith.constant 0 : index
      %get3A_124 = arith.constant 0 : index
      %get3A_125 = vector.load %arg9[%get3A_121, %get3A_122, %get3A_123, %get3A_124] : memref<1x3x768x768xf32, #tpu.memory_space<vmem>>, vector<1x1x768x768xf32>
      %get3A_126 = vector.shape_cast %get3A_125 : vector<1x1x768x768xf32> to vector<768x768xf32>
      %dot_general3A_127 = arith.constant dense<0.000000e+00> : vector<128x768xf32>
      %dot_general3A_128 = tpu.matmul %max3A_120, %get3A_126, %dot_general3A_127 {dimension_numbers = #tpu.dot_dimension_numbers<[1], [0], [0], [1], [0, 0, 1, 1], [], []>, transpose_lhs_hint = false} : vector<128x768xf32>, vector<768x768xf32>, vector<128x768xf32> -> vector<128x768xf32>
      %get3A_129 = arith.constant 0 : index
      %get3A_130 = arith.constant 2 : index
      %get3A_131 = arith.constant 0 : index
      %get3A_132 = arith.constant 0 : index
      %get3A_133 = vector.load %arg10[%get3A_129, %get3A_130, %get3A_131, %get3A_132] : memref<1x3x1x768xf32, #tpu.memory_space<vmem>>, vector<1x1x1x768xf32>
      %get3A_134 = vector.shape_cast %get3A_133 : vector<1x1x1x768xf32> to vector<1x768xf32>
      %add3A_135 = vector.broadcast %get3A_134 : vector<1x768xf32> to vector<128x768xf32>
      %add3A_136 = arith.addf %dot_general3A_128, %add3A_135 : vector<128x768xf32>
      %max3A_137 = arith.constant 0.000000e+00 : f32
      %max3A_138 = vector.broadcast %max3A_137 : f32 to vector<128x768xf32>
      %max3A_139 = arith.maximumf %add3A_136, %max3A_138 : vector<128x768xf32>
      %get3A_140 = arith.index_cast %get3A_13 : i32 to index
      %get3A_141 = arith.constant 2 : index
      %get3A_142 = memref.load %arg3[%get3A_140, %get3A_141] : memref<12x3xf32, #tpu.memory_space<smem>>
      %mul3A_143 = vector.broadcast %get3A_142 : f32 to vector<128x768xf32>
      %mul3A_144 = arith.mulf %mul3A_143, %max3A_139 : vector<128x768xf32>
      %add3A_145 = arith.addf %add3A_101, %mul3A_144 : vector<128x768xf32>
      %get3A_146 = arith.constant 0 : index
      %get3A_147 = arith.constant 0 : index
      %get3A_148 = arith.constant 0 : index
      %get3A_149 = vector.load %arg11[%get3A_146, %get3A_147, %get3A_148] : memref<1x768x13xf32, #tpu.memory_space<vmem>>, vector<1x768x13xf32>
      %get3A_150 = vector.shape_cast %get3A_149 : vector<1x768x13xf32> to vector<768x13xf32>
      %dot_general3A_151 = arith.constant dense<0.000000e+00> : vector<128x13xf32>
      %dot_general3A_152 = tpu.matmul %add3A_145, %get3A_150, %dot_general3A_151 {dimension_numbers = #tpu.dot_dimension_numbers<[1], [0], [0], [1], [0, 0, 1, 1], [], []>, transpose_lhs_hint = false} : vector<128x768xf32>, vector<768x13xf32>, vector<128x13xf32> -> vector<128x13xf32>
      %get3A_153 = arith.constant 0 : index
      %get3A_154 = arith.constant 0 : index
      %get3A_155 = arith.constant 0 : index
      %get3A_156 = vector.load %arg12[%get3A_153, %get3A_154, %get3A_155] : memref<1x1x13xf32, #tpu.memory_space<vmem>>, vector<1x1x13xf32>
      %get3A_157 = vector.shape_cast %get3A_156 : vector<1x1x13xf32> to vector<1x13xf32>
      %add3A_158 = vector.broadcast %get3A_157 : vector<1x13xf32> to vector<128x13xf32>
      %add3A_159 = arith.addf %dot_general3A_152, %add3A_158 : vector<128x13xf32>
      %get3A_160 = arith.constant 0 : index
      %get3A_161 = arith.constant 0 : index
      %get3A_162 = arith.constant 0 : index
      %get3A_163 = vector.load %arg5[%get3A_160, %get3A_161, %get3A_162] : memref<1x128x128xf32, #tpu.memory_space<vmem>>, vector<1x128x128xf32>
      %get3A_164 = vector.shape_cast %get3A_163 : vector<1x128x128xf32> to vector<128x128xf32>
      %slice3A = vector.extract_strided_slice %get3A_164 {offsets = [0, 0], sizes = [128, 13], strides = [1, 1]} : vector<128x128xf32> to vector<128x13xf32>
      %add3A_165 = arith.addf %add3A_159, %slice3A : vector<128x13xf32>
      %reduce_max3A = arith.constant dense<0xFF800000> : vector<128xf32>
      %reduce_max3A_166 = vector.multi_reduction <maximumf>, %add3A_165, %reduce_max3A [1] : vector<128x13xf32> to vector<128xf32>
      %broadcast_in_dim3A = vector.shape_cast %reduce_max3A_166 : vector<128xf32> to vector<128x1xf32>
      %iota3A = tpu.iota {dimensions = array<i32: 1>} : vector<128x13xi32>
      %ge3A = vector.broadcast %broadcast_in_dim3A : vector<128x1xf32> to vector<128x13xf32>
      %ge3A_167 = arith.cmpf oge, %add3A_165, %ge3A : vector<128x13xf32>
      %jit3A = arith.constant 13 : i32
      %broadcast_in_dim3A_168 = vector.broadcast %jit3A : i32 to vector<128x13xi32>
      %select_n3A = arith.select %ge3A_167, %iota3A, %broadcast_in_dim3A_168 : vector<128x13xi1>, vector<128x13xi32>
      %reduce_min3A = arith.constant dense<2147483647> : vector<128xi32>
      %reduce_min3A_169 = vector.multi_reduction <minsi>, %select_n3A, %reduce_min3A [1] : vector<128x13xi32> to vector<128xi32>
      %broadcast_in_dim3A_170 = vector.shape_cast %reduce_min3A_169 : vector<128xi32> to vector<128x1xi32>
      %swap3A_171 = arith.constant 0 : index
      %swap3A_172 = arith.constant 0 : index
      %swap3A_173 = arith.constant 0 : index
      %swap3A_174 = vector.load %arg13[%swap3A_171, %swap3A_172, %swap3A_173] : memref<1x128x768xf32, #tpu.memory_space<vmem>>, vector<1x128x768xf32>
      %swap3A_175 = vector.shape_cast %swap3A_174 : vector<1x128x768xf32> to vector<128x768xf32>
      %swap3A_176 = vector.shape_cast %add3A_145 : vector<128x768xf32> to vector<1x128x768xf32>
      tpu.vector_store %arg13[%swap3A_171, %swap3A_172, %swap3A_173], %swap3A_176 {strides = array<i32>} : memref<1x128x768xf32, #tpu.memory_space<vmem>>, vector<1x128x768xf32>,
      %swap3A_177 = arith.constant 0 : index
      %swap3A_178 = arith.constant 0 : index
      %swap3A_179 = arith.constant 0 : index
      %swap3A_180 = vector.load %arg14[%swap3A_177, %swap3A_178, %swap3A_179] : memref<1x128x1xi32, #tpu.memory_space<vmem>>, vector<1x128x1xi32>
      %swap3A_181 = vector.shape_cast %swap3A_180 : vector<1x128x1xi32> to vector<128x1xi32>
      %swap3A_182 = vector.shape_cast %broadcast_in_dim3A_170 : vector<128x1xi32> to vector<1x128x1xi32>
      tpu.vector_store %arg14[%swap3A_177, %swap3A_178, %swap3A_179], %swap3A_182 {strides = array<i32>} : memref<1x128x1xi32, #tpu.memory_space<vmem>>, vector<1x128x1xi32>,
      %iota3A_183 = tpu.iota {dimensions = array<i32: 1>} : vector<128x128xi32>
      %eq3A_184 = vector.broadcast %broadcast_in_dim3A_170 : vector<128x1xi32> to vector<128x128xi32>
      %eq3A_185 = arith.cmpi eq, %eq3A_184, %iota3A_183 : vector<128x128xi32>
      %convert_element_type3A_186 = arith.extui %eq3A_185 : vector<128x128xi1> to vector<128x128xi32>
      %convert_element_type3A_187 = arith.sitofp %convert_element_type3A_186 : vector<128x128xi32> to vector<128x128xf32>
      %get3A_188 = arith.constant 0 : index
      %get3A_189 = arith.constant 0 : index
      %get3A_190 = arith.constant 0 : index
      %get3A_191 = vector.load %arg6[%get3A_188, %get3A_189, %get3A_190] : memref<1x128x1xf32, #tpu.memory_space<vmem>>, vector<1x128x1xf32>
      %get3A_192 = vector.shape_cast %get3A_191 : vector<1x128x1xf32> to vector<128x1xf32>
      %mul3A_193 = vector.broadcast %get3A_192 : vector<128x1xf32> to vector<128x128xf32>
      %mul3A_194 = arith.mulf %convert_element_type3A_187, %mul3A_193 : vector<128x128xf32>
      %iota3A_195 = tpu.iota {dimensions = array<i32: 0>} : vector<128x128xi32>
      %iota3A_196 = tpu.iota {dimensions = array<i32: 1>} : vector<128x128xi32>
      %gt3A = arith.cmpi sgt, %iota3A_195, %iota3A_196 : vector<128x128xi32>
      %convert_element_type3A_197 = arith.extui %gt3A : vector<128x128xi1> to vector<128x128xi32>
      %convert_element_type3A_198 = arith.sitofp %convert_element_type3A_197 : vector<128x128xi32> to vector<128x128xf32>
      %dot_general3A_199 = arith.constant dense<0.000000e+00> : vector<128x128xf32>
      %dot_general3A_200 = tpu.matmul %convert_element_type3A_198, %mul3A_194, %dot_general3A_199 {dimension_numbers = #tpu.dot_dimension_numbers<[1], [0], [0], [1], [0, 0, 1, 1], [], []>, transpose_lhs_hint = false} : vector<128x128xf32>, vector<128x128xf32>, vector<128x128xf32> -> vector<128x128xf32>
      %mul3A_201 = arith.mulf %mul3A_194, %dot_general3A_200 : vector<128x128xf32>
      %reduce_sum3A = arith.constant dense<0.000000e+00> : vector<128xf32>
      %reduce_sum3A_202 = vector.multi_reduction <add>, %mul3A_201, %reduce_sum3A [1] : vector<128x128xf32> to vector<128xf32>
      %broadcast_in_dim3A_203 = vector.shape_cast %reduce_sum3A_202 : vector<128xf32> to vector<128x1xf32>
      %get3A_204 = arith.constant 0 : index
      %get3A_205 = arith.constant 0 : index
      %get3A_206 = vector.load %arg17[%get3A_204, %get3A_205] : memref<1x128xf32, #tpu.memory_space<vmem>>, vector<1x128xf32>
      %mul3A_207 = vector.broadcast %get3A_206 : vector<1x128xf32> to vector<128x128xf32>
      %mul3A_208 = arith.mulf %mul3A_194, %mul3A_207 : vector<128x128xf32>
      %reduce_sum3A_209 = arith.constant dense<0.000000e+00> : vector<128xf32>
      %reduce_sum3A_210 = vector.multi_reduction <add>, %mul3A_208, %reduce_sum3A_209 [1] : vector<128x128xf32> to vector<128xf32>
      %broadcast_in_dim3A_211 = vector.shape_cast %reduce_sum3A_210 : vector<128xf32> to vector<128x1xf32>
      %add3A_212 = arith.addf %broadcast_in_dim3A_211, %broadcast_in_dim3A_203 : vector<128x1xf32>
      %convert_element_type3A_213 = arith.fptosi %add3A_212 : vector<128x1xf32> to vector<128x1xi32>
      %swap3A_214 = arith.constant 0 : index
      %swap3A_215 = arith.constant 0 : index
      %swap3A_216 = arith.constant 0 : index
      %swap3A_217 = vector.load %arg15[%swap3A_214, %swap3A_215, %swap3A_216] : memref<1x128x1xi32, #tpu.memory_space<vmem>>, vector<1x128x1xi32>
      %swap3A_218 = vector.shape_cast %swap3A_217 : vector<1x128x1xi32> to vector<128x1xi32>
      %swap3A_219 = vector.shape_cast %convert_element_type3A_213 : vector<128x1xi32> to vector<1x128x1xi32>
      tpu.vector_store %arg15[%swap3A_214, %swap3A_215, %swap3A_216], %swap3A_219 {strides = array<i32>} : memref<1x128x1xi32, #tpu.memory_space<vmem>>, vector<1x128x1xi32>,
      %get3A_220 = arith.constant 0 : index
      %get3A_221 = arith.constant 0 : index
      %get3A_222 = vector.load %arg17[%get3A_220, %get3A_221] : memref<1x128xf32, #tpu.memory_space<vmem>>, vector<1x128xf32>
      %reduce_sum3A_223 = arith.constant dense<0.000000e+00> : vector<128xf32>
      %reduce_sum3A_224 = vector.multi_reduction <add>, %mul3A_194, %reduce_sum3A_223 [0] : vector<128x128xf32> to vector<128xf32>
      %broadcast_in_dim3A_225 = vector.shape_cast %reduce_sum3A_224 : vector<128xf32> to vector<1x128xf32>
      %add3A_226 = arith.addf %get3A_222, %broadcast_in_dim3A_225 : vector<1x128xf32>
      %swap3A_227 = arith.constant 0 : index
      %swap3A_228 = arith.constant 0 : index
      %swap3A_229 = vector.load %arg17[%swap3A_227, %swap3A_228] : memref<1x128xf32, #tpu.memory_space<vmem>>, vector<1x128xf32>
      tpu.vector_store %arg17[%swap3A_227, %swap3A_228], %add3A_226 {strides = array<i32>} : memref<1x128xf32, #tpu.memory_space<vmem>>, vector<1x128xf32>,
    } else {
    }
    %get3A_6 = arith.constant 0 : index
    %get3A_7 = arith.constant 0 : index
    %get3A_8 = vector.load %arg17[%get3A_6, %get3A_7] : memref<1x128xf32, #tpu.memory_space<vmem>>, vector<1x128xf32>
    %convert_element_type3A_9 = arith.fptosi %get3A_8 : vector<1x128xf32> to vector<1x128xi32>
    %swap3A = arith.constant 0 : index
    %swap3A_10 = arith.constant 0 : index
    %swap3A_11 = vector.load %arg16[%swap3A, %swap3A_10] : memref<1x128xi32, #tpu.memory_space<vmem>>, vector<1x128xi32>
    tpu.vector_store %arg16[%swap3A, %swap3A_10], %convert_element_type3A_9 {strides = array<i32>} : memref<1x128xi32, #tpu.memory_space<vmem>>, vector<1x128xi32>,
    return
  }
  func.func @transform_0(%arg0: i32, %arg1: memref<28xi32, #tpu.memory_space<smem>>, %arg2: memref<1xi32, #tpu.memory_space<smem>>) -> (i32, i32) {
    %c0_i32 = arith.constant 0 : i32
    %c0_i32_0 = arith.constant 0 : i32
    %c0_i32_1 = arith.constant 0 : i32
    return %c0_i32, %c0_i32_0 : i32, i32
  }
  func.func @transform_1(%arg0: i32, %arg1: memref<28xi32, #tpu.memory_space<smem>>, %arg2: memref<1xi32, #tpu.memory_space<smem>>) -> (i32, i32, i32) {
    %c0_i32 = arith.constant 0 : i32
    %c0_i32_0 = arith.constant 0 : i32
    %c0_i32_1 = arith.constant 0 : i32
    return %arg0, %c0_i32, %c0_i32_0 : i32, i32, i32
  }
  func.func @transform_2(%arg0: i32, %arg1: memref<28xi32, #tpu.memory_space<smem>>, %arg2: memref<1xi32, #tpu.memory_space<smem>>) -> (i32, i32, i32) {
    %c0_i32 = arith.constant 0 : i32
    %c0_i32_0 = arith.constant 0 : i32
    %c0_i32_1 = arith.constant 0 : i32
    return %arg0, %c0_i32, %c0_i32_0 : i32, i32, i32
  }
  func.func @transform_3(%arg0: i32, %arg1: memref<28xi32, #tpu.memory_space<smem>>, %arg2: memref<1xi32, #tpu.memory_space<smem>>) -> (i32, i32, i32) {
    %c0_i32 = arith.constant 0 : i32
    %c0_i32_0 = arith.constant 0 : i32
    %c0_i32_1 = arith.constant 0 : i32
    return %arg0, %c0_i32, %c0_i32_0 : i32, i32, i32
  }
  func.func @transform_4(%arg0: i32, %arg1: memref<28xi32, #tpu.memory_space<smem>>, %arg2: memref<1xi32, #tpu.memory_space<smem>>) -> (i32, i32, i32, i32) {
    %get3A = arith.index_cast %arg0 : i32 to index
    %get3A_0 = memref.load %arg1[%get3A] : memref<28xi32, #tpu.memory_space<smem>>
    %c0_i32 = arith.constant 0 : i32
    %c0_i32_1 = arith.constant 0 : i32
    %c0_i32_2 = arith.constant 0 : i32
    %c0_i32_3 = arith.constant 0 : i32
    return %get3A_0, %c0_i32, %c0_i32_1, %c0_i32_2 : i32, i32, i32, i32
  }
  func.func @transform_5(%arg0: i32, %arg1: memref<28xi32, #tpu.memory_space<smem>>, %arg2: memref<1xi32, #tpu.memory_space<smem>>) -> (i32, i32, i32, i32) {
    %get3A = arith.index_cast %arg0 : i32 to index
    %get3A_0 = memref.load %arg1[%get3A] : memref<28xi32, #tpu.memory_space<smem>>
    %c0_i32 = arith.constant 0 : i32
    %c0_i32_1 = arith.constant 0 : i32
    %c0_i32_2 = arith.constant 0 : i32
    %c0_i32_3 = arith.constant 0 : i32
    return %get3A_0, %c0_i32, %c0_i32_1, %c0_i32_2 : i32, i32, i32, i32
  }
  func.func @transform_6(%arg0: i32, %arg1: memref<28xi32, #tpu.memory_space<smem>>, %arg2: memref<1xi32, #tpu.memory_space<smem>>) -> (i32, i32, i32, i32) {
    %get3A = arith.index_cast %arg0 : i32 to index
    %get3A_0 = memref.load %arg1[%get3A] : memref<28xi32, #tpu.memory_space<smem>>
    %c0_i32 = arith.constant 0 : i32
    %c0_i32_1 = arith.constant 0 : i32
    %c0_i32_2 = arith.constant 0 : i32
    %c0_i32_3 = arith.constant 0 : i32
    return %get3A_0, %c0_i32, %c0_i32_1, %c0_i32_2 : i32, i32, i32, i32
  }
  func.func @transform_7(%arg0: i32, %arg1: memref<28xi32, #tpu.memory_space<smem>>, %arg2: memref<1xi32, #tpu.memory_space<smem>>) -> (i32, i32, i32, i32) {
    %get3A = arith.index_cast %arg0 : i32 to index
    %get3A_0 = memref.load %arg1[%get3A] : memref<28xi32, #tpu.memory_space<smem>>
    %c0_i32 = arith.constant 0 : i32
    %c0_i32_1 = arith.constant 0 : i32
    %c0_i32_2 = arith.constant 0 : i32
    %c0_i32_3 = arith.constant 0 : i32
    return %get3A_0, %c0_i32, %c0_i32_1, %c0_i32_2 : i32, i32, i32, i32
  }
  func.func @transform_8(%arg0: i32, %arg1: memref<28xi32, #tpu.memory_space<smem>>, %arg2: memref<1xi32, #tpu.memory_space<smem>>) -> (i32, i32, i32) {
    %get3A = arith.index_cast %arg0 : i32 to index
    %get3A_0 = memref.load %arg1[%get3A] : memref<28xi32, #tpu.memory_space<smem>>
    %c0_i32 = arith.constant 0 : i32
    %c0_i32_1 = arith.constant 0 : i32
    %c0_i32_2 = arith.constant 0 : i32
    return %get3A_0, %c0_i32, %c0_i32_1 : i32, i32, i32
  }
  func.func @transform_9(%arg0: i32, %arg1: memref<28xi32, #tpu.memory_space<smem>>, %arg2: memref<1xi32, #tpu.memory_space<smem>>) -> (i32, i32, i32) {
    %get3A = arith.index_cast %arg0 : i32 to index
    %get3A_0 = memref.load %arg1[%get3A] : memref<28xi32, #tpu.memory_space<smem>>
    %c0_i32 = arith.constant 0 : i32
    %c0_i32_1 = arith.constant 0 : i32
    %c0_i32_2 = arith.constant 0 : i32
    return %get3A_0, %c0_i32, %c0_i32_1 : i32, i32, i32
  }
  func.func @transform_10(%arg0: i32, %arg1: memref<28xi32, #tpu.memory_space<smem>>, %arg2: memref<1xi32, #tpu.memory_space<smem>>) -> (i32, i32, i32) {
    %c0_i32 = arith.constant 0 : i32
    %c0_i32_0 = arith.constant 0 : i32
    %c0_i32_1 = arith.constant 0 : i32
    return %arg0, %c0_i32, %c0_i32_0 : i32, i32, i32
  }
  func.func @transform_11(%arg0: i32, %arg1: memref<28xi32, #tpu.memory_space<smem>>, %arg2: memref<1xi32, #tpu.memory_space<smem>>) -> (i32, i32, i32) {
    %c0_i32 = arith.constant 0 : i32
    %c0_i32_0 = arith.constant 0 : i32
    %c0_i32_1 = arith.constant 0 : i32
    return %arg0, %c0_i32, %c0_i32_0 : i32, i32, i32
  }
  func.func @transform_12(%arg0: i32, %arg1: memref<28xi32, #tpu.memory_space<smem>>, %arg2: memref<1xi32, #tpu.memory_space<smem>>) -> (i32, i32, i32) {
    %c0_i32 = arith.constant 0 : i32
    %c0_i32_0 = arith.constant 0 : i32
    %c0_i32_1 = arith.constant 0 : i32
    return %arg0, %c0_i32, %c0_i32_0 : i32, i32, i32
  }
  func.func @transform_13(%arg0: i32, %arg1: memref<28xi32, #tpu.memory_space<smem>>, %arg2: memref<1xi32, #tpu.memory_space<smem>>) -> (i32, i32) {
    %c0_i32 = arith.constant 0 : i32
    %c0_i32_0 = arith.constant 0 : i32
    %c0_i32_1 = arith.constant 0 : i32
    return %c0_i32, %c0_i32_0 : i32, i32
  }
}

module attributes {stable_mosaic.version = 14 : i64} {
  func.func @_proj_kernel(%arg0: memref<2048x768xf32, #tpu.memory_space<vmem>>, %arg1: memref<768x768xf32, #tpu.memory_space<vmem>>, %arg2: memref<1x768xf32, #tpu.memory_space<vmem>>, %arg3: memref<2048x768xf32, #tpu.memory_space<vmem>>) attributes {dimension_semantics = [], scalar_prefetch = 0 : i64, scratch_operands = 0 : i64, tpu.core_type = #tpu.core_type<tc>} {
    %get3A = arith.constant 0 : index
    %get3A_0 = arith.constant 0 : index
    %get3A_1 = vector.load %arg0[%get3A, %get3A_0] : memref<2048x768xf32, #tpu.memory_space<vmem>>, vector<2048x768xf32>
    %get3A_2 = arith.constant 0 : index
    %get3A_3 = arith.constant 0 : index
    %get3A_4 = vector.load %arg1[%get3A_2, %get3A_3] : memref<768x768xf32, #tpu.memory_space<vmem>>, vector<768x768xf32>
    %dot_general3A = arith.constant dense<0.000000e+00> : vector<2048x768xf32>
    %dot_general3A_5 = tpu.matmul %get3A_1, %get3A_4, %dot_general3A {dimension_numbers = #tpu.dot_dimension_numbers<[1], [0], [0], [1], [0, 0, 1, 1], [], []>, transpose_lhs_hint = false} : vector<2048x768xf32>, vector<768x768xf32>, vector<2048x768xf32> -> vector<2048x768xf32>
    %get3A_6 = arith.constant 0 : index
    %get3A_7 = arith.constant 0 : index
    %get3A_8 = vector.load %arg2[%get3A_6, %get3A_7] : memref<1x768xf32, #tpu.memory_space<vmem>>, vector<1x768xf32>
    %add3A = vector.broadcast %get3A_8 : vector<1x768xf32> to vector<2048x768xf32>
    %add3A_9 = arith.addf %dot_general3A_5, %add3A : vector<2048x768xf32>
    %swap3A = arith.constant 0 : index
    %swap3A_10 = arith.constant 0 : index
    %swap3A_11 = vector.load %arg3[%swap3A, %swap3A_10] : memref<2048x768xf32, #tpu.memory_space<vmem>>, vector<2048x768xf32>
    tpu.vector_store %arg3[%swap3A, %swap3A_10], %add3A_9 {strides = array<i32>} : memref<2048x768xf32, #tpu.memory_space<vmem>>, vector<2048x768xf32>,
    return
  }
}

</mosaic_0001>

<sc_bundles>
// kernel: kernel.13.cloned.1.call-start
scs
__scs_entry_jumppad:
0x0: {  	(pc) =	sbr.rel $0x88, $3  }
0x1: {  	(tag) =	ssettag $0x0;
	lr =	simm.s32 $0x1  }
0x2: {  	[smem:$0x3F96] =	sst lr;
	_ =	strace $0xD0000000  }
0x3: {  	_ = 	snop  }
0x4: {  	_ = 	snop  }
0x5: {  	_ = 	snop  }
0x6: {  	_ = 	snop  }
0x7: {  	_ = 	snop  }
__scs_overlays_trampoline_lowered:
0x8: {  	[smem:$0x3FA5] =	sst s0  }
0x9: {  	[smem:$0x3FA6] =	sst s1  }
0xa: {  	[smem:$0x3FA7] =	sst s2  }
0xb: {  	[smem:$0x3FA8] =	sst s3  }
0xc: {  	[smem:$0x3FA9] =	sst s4  }
0xd: {  	[smem:$0x3FAA] =	sst s5  }
0xe: {  	[smem:$0x3FAB] =	sst s6  }
0xf: {  	[smem:$0x3FAC] =	sst s7  }
0x10: {  	[smem:$0x3FAD] =	sst s8  }
0x11: {  	[smem:$0x3FAE] =	sst s9;
	s0 =	simm.s32 @!p0 $0x0  }
0x12: {  	s1 =	sld [smem:$0x3F94];
	s0 =	simm.s32 @p0 $0x1  }
0x13: {  	[smem:$0x3FAF] =	sst s0;
	s0 =	simm.s32 @!p1 $0x0  }
0x14: {  	s2 =	sld [smem:$0x3F93];
	s0 =	simm.s32 @p1 $0x1  }
0x15: {  	[smem:$0x3FB0] =	sst s0;
	s0 =	simm.s32 @!p2 $0x0  }
0x16: {  	s3 =	sld [smem:$0x3FDB];
	s0 =	simm.s32 @p2 $0x1  }
0x17: {  	s4 =	simm.s32 $0x1BF5;
	[smem:$0x3FB2] =	sst s0  }
0x18: {  	s0 =	sld [smem:$0x3F95];
	_ =	swait.ge [sflag:s4], $0x0  }
0x19: {  	s7 =	sld [smem:$0x3F96]  }
0x1a: {  	s8 =	sadd.s32 $0xFFFFE003, lr  }
0x1b: {  	s9 =	sadd.s32 $0xFFFFFEF7, lr;
	s5 =	simm.s32 $0xFFFFFFFF;
	p2 =	slt.u32 s8, $0xFFFFF086  }
0x1c: {  	p1 =	slt.u32 s9, $0xF7A;
	s5 =	simm.s32 @!p2 $0x0  }
0x1d: {  	s5 =	simm.s32 @p1 $0x1;
	p0 =	seq.s32 s7, s2  }
0x1e: {  	s7 =	smul.u32 @!p0 $0xF7A, s2;
	p2 =	seq.s32 @!p0 s5, $0x0  }
0x1f: {  	s9 =	smul.u32 $0xF7A, s1;
	s8 =	simm.s32 @!p0 $0x1BF5;
	p2 =	por !p2, p0  }
0x20: {  	[sflag:s8] =	ssyncset.s32 @!p0 $0xFFFFF086;
	s6 =	sadd.s32 @!p0 s3, s7;
	s7 =	simm.s32 @!p0 $0x108  }
0x21: {  	s3 =	sadd.s32 s3, s9;
	s6 =	sadd.s32 @!p0 $0x88, s6;
	s7 =	simm.s32 @p2 $0x1082  }
0x22: {  	[simem:s7], [sflag:s8] =	dma.local @!p0 [hbm:s6], $0xF7A  }
0x23: {  	s9 =	sor.u32 $0xD0000000, s2;
	s6 =	simm.s32 $0x108;
	_ =	swait.ge @!p0 [sflag:s8], $0x0  }
0x24: {  	s3 =	sadd.s32 $0x88, s3;
	s6 =	simm.s32 @!p1 $0x1082;
	[sflag:s4] =	ssyncset.s32 $0xFFFFF086  }
0x25: {  	[simem:s6], [sflag:s4] =	dma.local [hbm:s3], $0xF7A  }
0x26: {  	[smem:$0x3F96] =	sst s1;
	(tag) =	ssettag s2;
	_ =	strace s9  }
0x27: {  	s1 =	sld [smem:$0x3FA6]  }
0x28: {  	s2 =	sld [smem:$0x3FA7]  }
0x29: {  	s4 =	sld [smem:$0x3FA9]  }
0x2a: {  	p0 =	seq.s32 s5, $0x0;
	s5 =	sld [smem:$0x3FAA]  }
0x2b: {  	s6 =	sld [smem:$0x3FAB]  }
0x2c: {  	s7 =	sld [smem:$0x3FAC]  }
0x2d: {  	s3 =	simm.s32 $0x108;
	s8 =	sld [smem:$0x3FAD]  }
0x2e: {  	s3 =	simm.s32 @!p0 $0x1082;
	s9 =	sld [smem:$0x3FAE]  }
0x2f: {  	lr =	sadd.s32 s0, s3;
	s0 =	sld [smem:$0x3FA5]  }
0x30: {  	s3 =	sld [smem:$0x3FA8]  }
0x31: {  	[smem:$0x3FB1] =	sst s10  }
0x32: {  	s10 =	sld [smem:$0x3FAF];
	_ =	sdelay $0x3  }
0x33: {  	p0 =	seq.s32 s10, $0x1;
	s10 =	sld [smem:$0x3FB1];
	_ =	sdelay $0x3  }
0x34: {  	[smem:$0x3FB1] =	sst s10  }
0x35: {  	s10 =	sld [smem:$0x3FB0];
	_ =	sdelay $0x3  }
0x36: {  	p1 =	seq.s32 s10, $0x1;
	s10 =	sld [smem:$0x3FB1];
	_ =	sdelay $0x3  }
0x37: {  	[smem:$0x3FB1] =	sst s10  }
0x38: {  	s10 =	sld [smem:$0x3FB2]  }
0x39: {  	_ = 	snop;
	(pc) =	sbr.ind lr, $3  }
0x3a: {  	_ = 	snop  }
0x3b: {  	_ = 	snop  }
0x3c: {  	p2 =	seq.s32 s10, $0x1;
	s10 =	sld [smem:$0x3FB1]  }
0x3d: {  	_ =	shalt  }
0x3e: {  	_ =	shalt  }
0x3f: {  	_ =	shalt  }
0x40: {  	_ =	shalt  }
0x41: {  	_ =	shalt  }
0x42: {  	_ =	shalt  }
0x43: {  	_ =	shalt  }
0x44: {  	_ =	shalt  }
0x45: {  	_ =	shalt  }
0x46: {  	_ =	shalt  }
0x47: {  	_ =	shalt  }
0x48: {  	_ =	shalt  }
0x49: {  	_ =	shalt  }
0x4a: {  	_ =	shalt  }
0x4b: {  	_ =	shalt  }
0x4c: {  	_ =	shalt  }
0x4d: {  	_ =	shalt  }
0x4e: {  	_ =	shalt  }
0x4f: {  	_ =	shalt  }
0x50: {  	_ =	shalt  }
0x51: {  	_ =	shalt  }
0x52: {  	_ =	shalt  }
0x53: {  	_ =	shalt  }
0x54: {  	_ =	shalt  }
0x55: {  	_ =	shalt  }
0x56: {  	_ =	shalt  }
0x57: {  	_ =	shalt  }
0x58: {  	_ =	shalt  }
0x59: {  	_ =	shalt  }
0x5a: {  	_ =	shalt  }
0x5b: {  	_ =	shalt  }
0x5c: {  	_ =	shalt  }
0x5d: {  	_ =	shalt  }
0x5e: {  	_ =	shalt  }
0x5f: {  	_ =	shalt  }
0x60: {  	_ =	shalt  }
0x61: {  	_ =	shalt  }
0x62: {  	_ =	shalt  }
0x63: {  	_ =	shalt  }
0x64: {  	_ =	shalt  }
0x65: {  	_ =	shalt  }
0x66: {  	_ =	shalt  }
0x67: {  	_ =	shalt  }
0x68: {  	_ =	shalt  }
0x69: {  	_ =	shalt  }
0x6a: {  	_ =	shalt  }
0x6b: {  	_ =	shalt  }
0x6c: {  	_ =	shalt  }
0x6d: {  	_ =	shalt  }
0x6e: {  	_ =	shalt  }
0x6f: {  	_ =	shalt  }
0x70: {  	_ =	shalt  }
0x71: {  	_ =	shalt  }
0x72: {  	_ =	shalt  }
0x73: {  	_ =	shalt  }
0x74: {  	_ =	shalt  }
0x75: {  	_ =	shalt  }
0x76: {  	_ =	shalt  }
0x77: {  	_ =	shalt  }
0x78: {  	_ =	shalt  }
0x79: {  	_ =	shalt  }
0x7a: {  	_ =	shalt  }
0x7b: {  	_ =	shalt  }
0x7c: {  	_ =	shalt  }
0x7d: {  	_ =	shalt  }
0x7e: {  	_ =	shalt  }
0x7f: {  	_ =	shalt  }
0x80: {  	_ =	shalt  }
0x81: {  	_ =	shalt  }
0x82: {  	_ =	shalt  }
0x83: {  	_ =	shalt  }
0x84: {  	_ =	shalt  }
0x85: {  	_ =	shalt  }
0x86: {  	_ =	shalt  }
0x87: {  	_ =	shalt  }
.Lfunc_end0:
.L_simem_size_0:
called_computation_lowered:
.L_overlay_start_0:
0x88: {  	s2 =	sld [smem:$0x3FD9]  }
0x89: {  	s3 =	sld [smem:$0x3FFE];
	_ =	sdelay $0x1  }
0x8a: {  	s1 =	srdreg.scid  }
0x8b: {  	s0 =	sand.u32 $0x1, s1  }
0x8c: {  	s17 =	sshll.u32 s0, $0xA;
	s2 =	sadd.s32 s3, s2  }
0x8d: {  	s2 =	sadd.s32 s2, s17  }
0x8e: {  	[smem:$0x3FBD] =	sst s2  }
0x8f: {  	_ = 	snop  }
0x90: {  	s2 =	sld [smem:$0x3FD0];
	(tm) =	ssettm $0x1  }
0x91: {  	s18 =	sld [smem:$0x3FFB];
	_ =	sdelay $0x3  }
0x92: {  	_ =	strace s18  }
0x93: {  	s3 =	sld [smem:$0x3FFC];
	_ =	sdelay $0x3  }
0x94: {  	_ =	strace s3  }
0x95: {  	s3 =	sld [smem:$0x3FFD];
	_ =	sdelay $0x3  }
0x96: {  	_ =	strace s3  }
0x97: {  	_ =	strace $0x8FFFFFFF  }
0x98: {  	s19 =	sld [smem:$0x3FDB];
	_ =	sdelay $0x1  }
0x99: {  	s4 =	simm.s32 $_scs_section_size  }
0x9a: {  	s5 =	simm.s32 $_size__tile_overlayer_lowered;
	s6 =	simm.s32 $_tile_overlayer_lowered  }
0x9b: {  	s22 =	simm.s32 $0x1BFF;
	s21 =	sshll.u32 s6, $0x1;
	s3 =	sadd.s32 s4, s19  }
0x9c: {  	s7 =	simm.s32 $0x0;
	s20 =	sshll.u32 s5, $0x1;
	s5 =	sadd.s32 s21, s3  }
0x9d: {  	[timem:s7], [sflag:s22] =	dma.local [hbm:s5], s20  }
0x9e: {  	_ =	swait.ge [sflag:s22], s20  }
0x9f: {  	s4 =	ssub.s32 $0x0, s20;
	[sflag:s22] =	ssyncset.done $0x0  }
0xa0: {  	[sflag:s22] =	ssyncadd.s32 s4;
	_ =	sdelay $0x1  }
0xa1: {  	s23 =	simm.s32 $0x1B8B  }
0xa2: {  	_ =	swait.ge [sflag:s23], $0x1  }
0xa3: {  	[sflag:s23] =	ssyncset.done $0x0  }
0xa4: {  	s25 =	simm.s32 $0x1B8E;
	s24 =	sld [smem:$0x3FFE];
	[sflag:s23] =	ssyncadd.s32 $0xFFFFFFFF  }
0xa5: {  	s26 =	simm.s32 $execute0_lowered;
	[smem:$0x3FD2] =	sst s25  }
0xa6: {  	s5 =	sshll.u32 s26, $0x1;
	_ =	strace $0x80000046;
	[dreg:$0x1] =	wrdreg $0xFFFFFFFF  }
0xa7: {  	s28 =	simm.s32 $_size_execute0_lowered;
	s3 =	sadd.s32 s3, s5;
	[dreg:$0x0] =	wrdreg $0x0  }
0xa8: {  	s5 =	sshll.u32 s28, $0x1;
	[dreg:$0x2] =	wrdreg s3  }
0xa9: {  	[dreg:$0x3] =	wrdreg s5  }
0xaa: {  	[dreg:$0x4] =	wrdreg $0xC0  }
0xab: {  	_ =	task [dreg:s7], $0x5FFFF  }
0xac: {  	[dreg:$0x1] =	wrdreg $0xFFFFFFFF  }
0xad: {  	[dreg:$0x0] =	wrdreg $0x60  }
0xae: {  	[dreg:$0x2] =	wrdreg s2  }
0xaf: {  	[dreg:$0x3] =	wrdreg s24  }
0xb0: {  	[dreg:$0x4] =	wrdreg $0x9  }
0xb1: {  	_ =	task.clear_ibuf [dreg:s7], $0x5FFFF;
	_ =	strace $0x90000046  }
0xb2: {  	s29 =	simm.s32 $0x9;
	_ =	strace $0x80000048  }
0xb3: {  	_ =	swait.ge [sflag:s29], $0x1  }
0xb4: {  	[sflag:s29] =	ssyncadd.s32 $0xFFFFFFFF  }
0xb5: {  	_ =	strace $0x90000048  }
0xb6: {  	_ =	sfence  }
0xb7: {  	s30 =	sld [smem:$0x0];
	_ =	sdelay $0x2  }
0xb8: {  	s31 =	sshll.u32 s1, $0xD;
	s1 =	sshrl.u32 s1, $0x2  }
0xb9: {  	s3 =	sand.u32 $0x4000, s31;
	s1 =	sadd.s32 s1, s30  }
0xba: {  	s0 =	sor.u32 s3, s0;
	s1 =	sshll.u32 s1, $0x11  }
0xbb: {  	s0 =	sor.u32 s1, s0  }
0xbc: {  	s0 =	sadd.s32 $0x8F2B, s0  }
0xbd: {  	[sflag:s0] =	ssyncadd.remote.s32 $0x1  }
0xbe: {  	_ =	sfence.sel $0xFFFF  }
0xbf: {  	[dreg:$0x0] =	wrdreg $0xFFFFFFFF;
	(pc) =	sbr.abs _section_cstart, $3  }
0xc0: {  	[dreg:$0x1] =	wrdreg $0xFFFFFFFF  }
0xc1: {  	_ =	task.clear_ibuf [dreg:s7], $0x2FFFF;
	_ =	strace $0x9FFFFFFF  }
0xc2: {  	(tm) =	ssettm $0x7FFFFFFF  }
0xc3: {  	_ =	shalt  }
tec
execute0_lowered:
.L_overlay_start_1:
0x0: {  	(tag) =	ssettag $0x1  }
0x1: {  	s2 =	rddreg [dreg:$0x0]  }
0x2: {  	s5 =	rddreg [dreg:$0x1];
	s3 =	simm.s32 $0x0  }
0x3: {  	[smem:$0x7FF] =	sst s3;
	s8 =	sadd.s32 $0x800, s5  }
0x4: {  	s24 =	simm.s32 $0x900;
	_ =	strace $0x80000047;
	[dreg:$0x3] =	wrdreg s8  }
0x5: {  	s25 =	simm.s32 $0x1100;
	[dreg:$0x7] =	wrdreg s24  }
0x6: {  	s0 =	stileid.u32;
	s26 =	simm.s32 $0x1900;
	[dreg:$0x8] =	wrdreg s25  }
0x7: {  	s4 =	sshll.u32 s0, $0x1;
	s0 =	simm.s32 $0x2100;
	[dreg:$0x9] =	wrdreg s26  }
0x8: {  	s10 =	simm.s32 $0x4900;
	[dreg:$0xa] =	wrdreg s0  }
0x9: {  	s11 =	simm.s32 $0x5100;
	[dreg:$0xf] =	wrdreg s10  }
0xa: {  	s1 =	srdreg.scid;
	s12 =	simm.s32 $0x5900;
	[dreg:$0x10] =	wrdreg s11  }
0xb: {  	s13 =	simm.s32 $0x6100;
	s14 =	simm.s32 $0x6900;
	[dreg:$0x11] =	wrdreg s12  }
0xc: {  	s15 =	simm.s32 $0x7100;
	s16 =	simm.s32 $0x7900;
	[dreg:$0x12] =	wrdreg s13  }
0xd: {  	s17 =	simm.s32 $0x8100;
	s18 =	simm.s32 $0x8900;
	[dreg:$0x13] =	wrdreg s14  }
0xe: {  	s19 =	simm.s32 $0x9100;
	s21 =	simm.s32 $0x9900;
	[dreg:$0x14] =	wrdreg s15  }
0xf: {  	s28 =	simm.s32 $0x14900;
	s29 =	simm.s32 $0x70;
	[dreg:$0x15] =	wrdreg s16  }
0x10: {  	s30 =	simm.s32 $0x15100;
	s1 =	sand.u32 $0x1, s1;
	[dreg:$0x16] =	wrdreg s17  }
0x11: {  	s31 =	simm.s32 $0x1;
	s4 =	sor.u32 s1, s4;
	[dreg:$0x17] =	wrdreg s18  }
0x12: {  	s8 =	simm.s32 $0x3900;
	s1 =	ssub.s32 $0x2, s1;
	[dreg:$0x18] =	wrdreg s19  }
0x13: {  	[dreg:$0x19] =	wrdreg s21;
	s24 =	simm.s32 $0xB100;
	s25 =	simm.s32 $0xB900  }
0x14: {  	s26 =	simm.s32 $0xC100;
	s10 =	simm.s32 $0x100;
	s12 =	simm.s32 $0xD100  }
0x15: {  	s13 =	simm.s32 $0xD900;
	s14 =	simm.s32 $0xE100;
	s15 =	simm.s32 $0xE900  }
0x16: {  	s16 =	simm.s32 $0xF100;
	s17 =	simm.s32 $0xF900;
	s18 =	simm.s32 $0x10100  }
0x17: {  	s19 =	simm.s32 $0x10900;
	s6 =	smul.u32 $0xE, s4;
	[dreg:$0xd] =	wrdreg s8  }
0x18: {  	s21 =	simm.s32 $0x11900;
	s7 =	smul.u32 $0x2A00, s4;
	[dreg:$0x1c] =	wrdreg s24  }
0x19: {  	s9 =	smul.u32 $0x700, s4;
	s20 =	sshrl.u32 s1, $0x1;
	[dreg:$0x1d] =	wrdreg s25  }
0x1a: {  	s8 =	simm.s32 $0x3;
	[dreg:$0x1e] =	wrdreg s26;
	s24 =	simm.s32 $0x13100  }
0x1b: {  	s25 =	simm.s32 $0x13900;
	s26 =	simm.s32 $0x14100;
	s1 =	ssub.s32 s1, s20  }
0x1c: {  	s4 =	sadd.s32 s5, s6;
	s22 =	sadd.s32 s7, s5;
	s7 =	simm.s32 $0x3100  }
0x1d: {  	s5 =	sadd.s32 s9, s5;
	s9 =	simm.s32 $0x4100;
	[dreg:$0xc] =	wrdreg s7  }
0x1e: {  	s20 =	simm.s32 $0x11100;
	s23 =	sadd.s32 $0x600, s4;
	[dreg:$0xe] =	wrdreg s9  }
0x1f: {  	s6 =	sadd.s32 $0x20800, s22;
	s5 =	sadd.s32 $0x74800, s5;
	[dreg:$0x4] =	wrdreg s23  }
0x20: {  	s22 =	simm.s32 $0xA100;
	s7 =	smax.u32 s1, $0x1;
	[dreg:$0x5] =	wrdreg s6  }
0x21: {  	s9 =	simm.s32 $0x80;
	s1 =	simm.s32 $0x2;
	[dreg:$0x6] =	wrdreg s5  }
0x22: {  	v2 =	vlaneseq.u32;
	s6 =	simm.s32 $0x2900;
	s5 =	sadd.s32 $0x100, s2;
	[dreg:$0x1a] =	wrdreg s22  }
0x23: {  	vm0 =	vmmov $0xffff;
	v1 =	vshrl.u32 v2, $0x3;
	s23 =	simm.s32 $0xA900;
	s22 =	simm.s32 $0x12100;
	[dreg:$0xb] =	wrdreg s6  }
0x24: {  	v0 =	vand.u32 $0x7, v2;
	v2 =	vor.u32 $0x8, v2;
	v1 =	vmul.u32 $0x8, v1;
	s6 =	sadd.s32 $0x200, s2;
	[dreg:$0x1b] =	wrdreg s23;
	s23 =	simm.s32 $0x12900  }
.LBB2_1:
0x25: {  	s0 =	rddreg [dreg:$0x4]  }
0x26: {  	[tilespmem:s3], [sflag:$0x3] =	stream.linear.gather [hbm4b:s0+s3], $0x70, $0x38;
	[tilespmem:$0x18900] =	vst v63  }
0x27: {  	_ =	swait.ge [sflag:s8], $0x70  }
0x28: {  	[sflag:s8] =	ssyncset.done $0x0  }
0x29: {  	[sflag:s8] =	ssyncadd.s32 $0xFFFFFF90  }
0x2a: {  	[tilespmem:s9], [sflag:$0x3] =	stream.linear.gather [hbm4b:s4+s3], $0x70, $0x38;
	[tilespmem:$0x18900] =	vst v63  }
0x2b: {  	_ =	swait.ge [sflag:s8], $0x70  }
0x2c: {  	[sflag:s8] =	ssyncset.done $0x0  }
0x2d: {  	[sflag:s8] =	ssyncadd.s32 $0xFFFFFF90  }
0x2e: {  	v3 =	vld [tilespmem:$0x0];
	_ =	sdelay $0x4  }
0x2f: {  	v4 =	vshrl.u32 v3, $0x3  }
0x30: {  	v4 =	vmul.u32 $0x30, v4  }
0x31: {  	v3 =	vand.u32 $0x7, v3  }
0x32: {  	v3 =	vor.u32 v3, v4  }
0x33: {  	v4 =	vperm.xlane v3, v0;
	_ =	sdelay $0x1  }
0x34: {  	v4 =	vadd.s32 v1, v4;
	_ =	sdelay $0x3  }
0x35: {  	v3 =	vperm.xlane v3, v2  }
0x36: {  	[tilespmem:s10], [sflag:$0x1] =	stream.indirect_vreg.gather [hbm4b:s2+s3], $0x80, v4, vm0, $0xb8;
	[tilespmem:$0x18900] =	vst v63  }
0x37: {  	s0 =	rddreg [dreg:$0x7];
	v3 =	vadd.s32 v1, v3  }
0x38: {  	[tilespmem:s0], [sflag:$0x1] =	stream.indirect_vreg.gather [hbm4b:s5+s3], $0x80, v4, vm0, $0xb8;
	[tilespmem:$0x18900] =	vst v63  }
0x39: {  	s11 =	rddreg [dreg:$0x8]  }
0x3a: {  	[tilespmem:s11], [sflag:$0x1] =	stream.indirect_vreg.gather [hbm4b:s6+s3], $0x80, v4, vm0, $0xb8;
	[tilespmem:$0x18900] =	vst v63  }
0x3b: {  	s0 =	rddreg [dreg:$0x9]  }
0x3c: {  	[tilespmem:s0], [sflag:$0x1] =	stream.indirect_vreg.gather [hbm4b:s2+s3], $0x80, v3, vm0, $0xb8;
	[tilespmem:$0x18900] =	vst v63  }
0x3d: {  	s11 =	rddreg [dreg:$0xa]  }
0x3e: {  	[tilespmem:s11], [sflag:$0x1] =	stream.indirect_vreg.gather [hbm4b:s5+s3], $0x80, v3, vm0, $0xb8;
	[tilespmem:$0x18900] =	vst v63  }
0x3f: {  	s0 =	rddreg [dreg:$0xb]  }
0x40: {  	[tilespmem:s0], [sflag:$0x1] =	stream.indirect_vreg.gather [hbm4b:s6+s3], $0x80, v3, vm0, $0xb8;
	[tilespmem:$0x18900] =	vst v63  }
0x41: {  	v3 =	vld [tilespmem:$0x10];
	_ =	sdelay $0x4  }
0x42: {  	v58 =	vshrl.u32 v3, $0x3  }
0x43: {  	v4 =	vmul.u32 $0x30, v58  }
0x44: {  	v3 =	vand.u32 $0x7, v3  }
0x45: {  	v3 =	vor.u32 v3, v4  }
0x46: {  	v4 =	vperm.xlane v3, v0;
	_ =	sdelay $0x1  }
0x47: {  	v4 =	vadd.s32 v1, v4;
	_ =	sdelay $0x3  }
0x48: {  	s0 =	rddreg [dreg:$0xc];
	v3 =	vperm.xlane v3, v2  }
0x49: {  	[tilespmem:s0], [sflag:$0x1] =	stream.indirect_vreg.gather [hbm4b:s2+s3], $0x80, v4, vm0, $0xb8;
	[tilespmem:$0x18900] =	vst v63  }
0x4a: {  	s11 =	rddreg [dreg:$0xd];
	v3 =	vadd.s32 v1, v3  }
0x4b: {  	[tilespmem:s11], [sflag:$0x1] =	stream.indirect_vreg.gather [hbm4b:s5+s3], $0x80, v4, vm0, $0xb8;
	[tilespmem:$0x18900] =	vst v63  }
0x4c: {  	s0 =	rddreg [dreg:$0xe]  }
0x4d: {  	[tilespmem:s0], [sflag:$0x1] =	stream.indirect_vreg.gather [hbm4b:s6+s3], $0x80, v4, vm0, $0xb8;
	[tilespmem:$0x18900] =	vst v63  }
0x4e: {  	s11 =	rddreg [dreg:$0xf]  }
0x4f: {  	[tilespmem:s11], [sflag:$0x1] =	stream.indirect_vreg.gather [hbm4b:s2+s3], $0x80, v3, vm0, $0xb8;
	[tilespmem:$0x18900] =	vst v63  }
0x50: {  	s0 =	rddreg [dreg:$0x10]  }
0x51: {  	[tilespmem:s0], [sflag:$0x1] =	stream.indirect_vreg.gather [hbm4b:s5+s3], $0x80, v3, vm0, $0xb8;
	[tilespmem:$0x18900] =	vst v63  }
0x52: {  	s11 =	rddreg [dreg:$0x11]  }
0x53: {  	[tilespmem:s11], [sflag:$0x1] =	stream.indirect_vreg.gather [hbm4b:s6+s3], $0x80, v3, vm0, $0xb8;
	[tilespmem:$0x18900] =	vst v63  }
0x54: {  	v3 =	vld [tilespmem:$0x20];
	_ =	sdelay $0x4  }
0x55: {  	v59 =	vshrl.u32 v3, $0x3  }
0x56: {  	v4 =	vmul.u32 $0x30, v59  }
0x57: {  	v3 =	vand.u32 $0x7, v3  }
0x58: {  	v3 =	vor.u32 v3, v4  }
0x59: {  	v4 =	vperm.xlane v3, v0;
	_ =	sdelay $0x1  }
0x5a: {  	v4 =	vadd.s32 v1, v4;
	_ =	sdelay $0x3  }
0x5b: {  	s0 =	rddreg [dreg:$0x12];
	v3 =	vperm.xlane v3, v2  }
0x5c: {  	[tilespmem:s0], [sflag:$0x1] =	stream.indirect_vreg.gather [hbm4b:s2+s3], $0x80, v4, vm0, $0xb8;
	[tilespmem:$0x18900] =	vst v63  }
0x5d: {  	s11 =	rddreg [dreg:$0x13];
	v3 =	vadd.s32 v1, v3  }
0x5e: {  	[tilespmem:s11], [sflag:$0x1] =	stream.indirect_vreg.gather [hbm4b:s5+s3], $0x80, v4, vm0, $0xb8;
	[tilespmem:$0x18900] =	vst v63  }
0x5f: {  	s0 =	rddreg [dreg:$0x14]  }
0x60: {  	[tilespmem:s0], [sflag:$0x1] =	stream.indirect_vreg.gather [hbm4b:s6+s3], $0x80, v4, vm0, $0xb8;
	[tilespmem:$0x18900] =	vst v63  }
0x61: {  	s11 =	rddreg [dreg:$0x15]  }
0x62: {  	[tilespmem:s11], [sflag:$0x1] =	stream.indirect_vreg.gather [hbm4b:s2+s3], $0x80, v3, vm0, $0xb8;
	[tilespmem:$0x18900] =	vst v63  }
0x63: {  	s0 =	rddreg [dreg:$0x16]  }
0x64: {  	[tilespmem:s0], [sflag:$0x1] =	stream.indirect_vreg.gather [hbm4b:s5+s3], $0x80, v3, vm0, $0xb8;
	[tilespmem:$0x18900] =	vst v63  }
0x65: {  	s11 =	rddreg [dreg:$0x17]  }
0x66: {  	[tilespmem:s11], [sflag:$0x1] =	stream.indirect_vreg.gather [hbm4b:s6+s3], $0x80, v3, vm0, $0xb8;
	[tilespmem:$0x18900] =	vst v63  }
0x67: {  	v3 =	vld [tilespmem:$0x30];
	_ =	sdelay $0x4  }
0x68: {  	v60 =	vshrl.u32 v3, $0x3  }
0x69: {  	v4 =	vmul.u32 $0x30, v60  }
0x6a: {  	v3 =	vand.u32 $0x7, v3  }
0x6b: {  	v3 =	vor.u32 v3, v4  }
0x6c: {  	v4 =	vperm.xlane v3, v0;
	_ =	sdelay $0x1  }
0x6d: {  	v4 =	vadd.s32 v1, v4;
	_ =	sdelay $0x3  }
0x6e: {  	s0 =	rddreg [dreg:$0x18];
	v3 =	vperm.xlane v3, v2  }
0x6f: {  	[tilespmem:s0], [sflag:$0x1] =	stream.indirect_vreg.gather [hbm4b:s2+s3], $0x80, v4, vm0, $0xb8;
	[tilespmem:$0x18900] =	vst v63  }
0x70: {  	s11 =	rddreg [dreg:$0x19];
	v3 =	vadd.s32 v1, v3  }
0x71: {  	[tilespmem:s11], [sflag:$0x1] =	stream.indirect_vreg.gather [hbm4b:s5+s3], $0x80, v4, vm0, $0xb8;
	[tilespmem:$0x18900] =	vst v63  }
0x72: {  	s0 =	rddreg [dreg:$0x1a]  }
0x73: {  	[tilespmem:s0], [sflag:$0x1] =	stream.indirect_vreg.gather [hbm4b:s6+s3], $0x80, v4, vm0, $0xb8;
	[tilespmem:$0x18900] =	vst v63  }
0x74: {  	s11 =	rddreg [dreg:$0x1b]  }
0x75: {  	[tilespmem:s11], [sflag:$0x1] =	stream.indirect_vreg.gather [hbm4b:s2+s3], $0x80, v3, vm0, $0xb8;
	[tilespmem:$0x18900] =	vst v63  }
0x76: {  	s0 =	rddreg [dreg:$0x1c]  }
0x77: {  	[tilespmem:s0], [sflag:$0x1] =	stream.indirect_vreg.gather [hbm4b:s5+s3], $0x80, v3, vm0, $0xb8;
	[tilespmem:$0x18900] =	vst v63  }
0x78: {  	s11 =	rddreg [dreg:$0x1d]  }
0x79: {  	[tilespmem:s11], [sflag:$0x1] =	stream.indirect_vreg.gather [hbm4b:s6+s3], $0x80, v3, vm0, $0xb8;
	[tilespmem:$0x18900] =	vst v63  }
0x7a: {  	v3 =	vld [tilespmem:$0x40];
	_ =	sdelay $0x4  }
0x7b: {  	v61 =	vshrl.u32 v3, $0x3  }
0x7c: {  	v4 =	vmul.u32 $0x30, v61  }
0x7d: {  	v3 =	vand.u32 $0x7, v3  }
0x7e: {  	v3 =	vor.u32 v3, v4  }
0x7f: {  	v4 =	vperm.xlane v3, v0;
	_ =	sdelay $0x1  }
0x80: {  	v4 =	vadd.s32 v1, v4;
	_ =	sdelay $0x3  }
0x81: {  	s11 =	rddreg [dreg:$0x1e];
	v3 =	vperm.xlane v3, v2  }
0x82: {  	[tilespmem:s11], [sflag:$0x1] =	stream.indirect_vreg.gather [hbm4b:s2+s3], $0x80, v4, vm0, $0xb8;
	[tilespmem:$0x18900] =	vst v63  }
0x83: {  	v3 =	vadd.s32 v1, v3;
	s11 =	simm.s32 $0xC900  }
0x84: {  	[tilespmem:s11], [sflag:$0x1] =	stream.indirect_vreg.gather [hbm4b:s5+s3], $0x80, v4, vm0, $0xb8;
	[tilespmem:$0x18900] =	vst v63  }
0x85: {  	_ = 	snop  }
0x86: {  	[tilespmem:s12], [sflag:$0x1] =	stream.indirect_vreg.gather [hbm4b:s6+s3], $0x80, v4, vm0, $0xb8;
	[tilespmem:$0x18900] =	vst v63  }
0x87: {  	_ = 	snop  }
0x88: {  	[tilespmem:s13], [sflag:$0x1] =	stream.indirect_vreg.gather [hbm4b:s2+s3], $0x80, v3, vm0, $0xb8;
	[tilespmem:$0x18900] =	vst v63  }
0x89: {  	_ = 	snop  }
0x8a: {  	[tilespmem:s14], [sflag:$0x1] =	stream.indirect_vreg.gather [hbm4b:s5+s3], $0x80, v3, vm0, $0xb8;
	[tilespmem:$0x18900] =	vst v63  }
0x8b: {  	_ = 	snop  }
0x8c: {  	[tilespmem:s15], [sflag:$0x1] =	stream.indirect_vreg.gather [hbm4b:s6+s3], $0x80, v3, vm0, $0xb8;
	[tilespmem:$0x18900] =	vst v63  }
0x8d: {  	v3 =	vld [tilespmem:$0x50];
	_ =	sdelay $0x4  }
0x8e: {  	v62 =	vshrl.u32 v3, $0x3  }
0x8f: {  	v4 =	vmul.u32 $0x30, v62  }
0x90: {  	v3 =	vand.u32 $0x7, v3  }
0x91: {  	v3 =	vor.u32 v3, v4  }
0x92: {  	v4 =	vperm.xlane v3, v0;
	_ =	sdelay $0x1  }
0x93: {  	v4 =	vadd.s32 v1, v4;
	_ =	sdelay $0x3  }
0x94: {  	v3 =	vperm.xlane v3, v2  }
0x95: {  	[tilespmem:s16], [sflag:$0x1] =	stream.indirect_vreg.gather [hbm4b:s2+s3], $0x80, v4, vm0, $0xb8;
	[tilespmem:$0x18900] =	vst v63  }
0x96: {  	v3 =	vadd.s32 v1, v3  }
0x97: {  	[tilespmem:s17], [sflag:$0x1] =	stream.indirect_vreg.gather [hbm4b:s5+s3], $0x80, v4, vm0, $0xb8;
	[tilespmem:$0x18900] =	vst v63  }
0x98: {  	_ = 	snop  }
0x99: {  	[tilespmem:s18], [sflag:$0x1] =	stream.indirect_vreg.gather [hbm4b:s6+s3], $0x80, v4, vm0, $0xb8;
	[tilespmem:$0x18900] =	vst v63  }
0x9a: {  	_ = 	snop  }
0x9b: {  	[tilespmem:s19], [sflag:$0x1] =	stream.indirect_vreg.gather [hbm4b:s2+s3], $0x80, v3, vm0, $0xb8;
	[tilespmem:$0x18900] =	vst v63  }
0x9c: {  	_ = 	snop  }
0x9d: {  	[tilespmem:s20], [sflag:$0x1] =	stream.indirect_vreg.gather [hbm4b:s5+s3], $0x80, v3, vm0, $0xb8;
	[tilespmem:$0x18900] =	vst v63  }
0x9e: {  	_ = 	snop  }
0x9f: {  	[tilespmem:s21], [sflag:$0x1] =	stream.indirect_vreg.gather [hbm4b:s6+s3], $0x80, v3, vm0, $0xb8;
	[tilespmem:$0x18900] =	vst v63  }
0xa0: {  	v3 =	vld [tilespmem:$0x60];
	_ =	sdelay $0x4  }
0xa1: {  	v63 =	vshrl.u32 v3, $0x3  }
0xa2: {  	v4 =	vmul.u32 $0x30, v63  }
0xa3: {  	v3 =	vand.u32 $0x7, v3  }
0xa4: {  	v3 =	vor.u32 v3, v4  }
0xa5: {  	v4 =	vperm.xlane v3, v0;
	_ =	sdelay $0x1  }
0xa6: {  	v4 =	vadd.s32 v1, v4;
	_ =	sdelay $0x3  }
0xa7: {  	v3 =	vperm.xlane v3, v2  }
0xa8: {  	[tilespmem:s22], [sflag:$0x1] =	stream.indirect_vreg.gather [hbm4b:s2+s3], $0x80, v4, vm0, $0xb8;
	[tilespmem:$0x18900] =	vst v63  }
0xa9: {  	v3 =	vadd.s32 v1, v3  }
0xaa: {  	[tilespmem:s23], [sflag:$0x1] =	stream.indirect_vreg.gather [hbm4b:s5+s3], $0x80, v4, vm0, $0xb8;
	[tilespmem:$0x18900] =	vst v63  }
0xab: {  	_ = 	snop  }
0xac: {  	[tilespmem:s24], [sflag:$0x1] =	stream.indirect_vreg.gather [hbm4b:s6+s3], $0x80, v4, vm0, $0xb8;
	[tilespmem:$0x18900] =	vst v63  }
0xad: {  	_ = 	snop  }
0xae: {  	[tilespmem:s25], [sflag:$0x1] =	stream.indirect_vreg.gather [hbm4b:s2+s3], $0x80, v3, vm0, $0xb8;
	[tilespmem:$0x18900] =	vst v63  }
0xaf: {  	_ = 	snop  }
0xb0: {  	[tilespmem:s26], [sflag:$0x1] =	stream.indirect_vreg.gather [hbm4b:s5+s3], $0x80, v3, vm0, $0xb8;
	[tilespmem:$0x18900] =	vst v63  }
0xb1: {  	_ = 	snop  }
0xb2: {  	[tilespmem:s28], [sflag:$0x1] =	stream.indirect_vreg.gather [hbm4b:s6+s3], $0x80, v3, vm0, $0xb8;
	[tilespmem:$0x18900] =	vst v63  }
0xb3: {  	s11 =	rddreg [dreg:$0x3]  }
0xb4: {  	[tilespmem:s30], [sflag:$0x2] =	stream.indirect.gather [hbm4b:s11+s29], $0x80, s9, s29, $0xb8;
	[tilespmem:$0x18900] =	vst v63  }
0xb5: {  	_ =	swait.ge [sflag:s31], $0x15000  }
0xb6: {  	[sflag:s31] =	ssyncset.done $0x0  }
0xb7: {  	[sflag:s31] =	ssyncadd.s32 $0xFFFEB000  }
0xb8: {  	_ =	swait.ge [sflag:s1], $0x3800  }
0xb9: {  	[sflag:s1] =	ssyncset.done $0x0  }
0xba: {  	s11 =	rddreg [dreg:$0x5];
	[sflag:s1] =	ssyncadd.s32 $0xFFFFC800  }
0xbb: {  	[hbm4b:s11+s3] =	stream.linear.scatter [tilespmem:s10], [sflag:$0x3], $0x15000, $0x38;
	[tilespmem:$0x18900] =	vst v63  }
0xbc: {  	_ =	swait.ge [sflag:s8], $0x15000  }
0xbd: {  	p0 =	sne.s32 s7, $0x1;
	[sflag:s8] =	ssyncset.done $0x0  }
.Ltmp0:
0xbe: {  	s11 =	rddreg [dreg:$0x6];
	[sflag:s8] =	ssyncadd.s32 $0xFFFEB000;
	(pc) =	sbr.rel @p0 .LBB2_1-.Ltmp0, $4  }
0xbf: {  	[hbm4b:s11+s3] =	stream.linear.scatter [tilespmem:s30], [sflag:$0x3], $0x3800, $0x38;
	[tilespmem:$0x18900] =	vst v63  }
0xc0: {  	_ =	swait.ge [sflag:s8], $0x3800  }
0xc1: {  	[sflag:s8] =	ssyncset.done $0x0  }
0xc2: {  	s7 =	sadd.s32 $0xFFFFFFFF, s7;
	[sflag:s8] =	ssyncadd.s32 $0xFFFFC800  }
0xc3: {  	_ =	sfence.sel $0x180000  }
0xc4: {  	[bflag:$0x0] =	sbarrier.arrive $0xFFFF  }
0xc5: {  	_ =	strace $0x90000047  }
0xc6: {  	s0 =	stileid.u32;
	[bflag:$0x2] =	sbarrier.arrive $0xFFFF  }
0xc7: {  	p0 =	sne.s32 s0, $0x0;
	s0 =	rddreg [dreg:$0x2]  }
0xc8: {  	s0 =	sadd.s32 @!p0 $0x100000, s0  }
0xc9: {  	[sflag:s0] =	ssyncadd.tile.s32 @!p0 $0x1;
	_ =	shalt  }
.Lfunc_end2:
_tile_overlayer_lowered:
.L_overlay_start_2:
0xca: {  	(tag) =	ssettag $0x2  }
0xcb: {  	s0 =	rddreg [dreg:$0x0];
	s2 =	stileid.u32  }
0xcc: {  	s1 =	rddreg [dreg:$0x1];
	p0 =	sne.s32 s2, $0x0  }
0xcd: {  	s3 =	rddreg [dreg:$0x2];
	[bflag:$0x3] =	sbarrier.arrive $0xFFFF;
	s2 =	simm.s32 @!p0 $0x1C03  }
0xce: {  	[timem:s3], [sflag:s2] =	dma.local @!p0 [hbm:s0], s1  }
0xcf: {  	s0 =	simm.s32 @!p0 $0x3  }
0xd0: {  	_ =	swait.ge @!p0 [sflag:s0], s1  }
0xd1: {  	s1 =	ssub.s32 @!p0 $0x0, s1;
	[sflag:s0] =	ssyncset.done @!p0 $0x0  }
0xd2: {  	[sflag:s0] =	ssyncadd.s32 @!p0 s1  }
0xd3: {  	[bflag:$0x3] =	sbarrier.arrive $0xFFFF  }
0xd4: {  	_ =	shalt  }

// kernel: kernel.16.cloned.1.call-start
scs
__scs_entry_jumppad:
0x0: {  	(pc) =	sbr.rel $0x88, $3  }
0x1: {  	(tag) =	ssettag $0x0;
	lr =	simm.s32 $0x1  }
0x2: {  	[smem:$0x3F96] =	sst lr;
	_ =	strace $0xD0000000  }
0x3: {  	_ = 	snop  }
0x4: {  	_ = 	snop  }
0x5: {  	_ = 	snop  }
0x6: {  	_ = 	snop  }
0x7: {  	_ = 	snop  }
__scs_overlays_trampoline_lowered:
0x8: {  	[smem:$0x3FA5] =	sst s0  }
0x9: {  	[smem:$0x3FA6] =	sst s1  }
0xa: {  	[smem:$0x3FA7] =	sst s2  }
0xb: {  	[smem:$0x3FA8] =	sst s3  }
0xc: {  	[smem:$0x3FA9] =	sst s4  }
0xd: {  	[smem:$0x3FAA] =	sst s5  }
0xe: {  	[smem:$0x3FAB] =	sst s6  }
0xf: {  	[smem:$0x3FAC] =	sst s7  }
0x10: {  	[smem:$0x3FAD] =	sst s8  }
0x11: {  	[smem:$0x3FAE] =	sst s9;
	s0 =	simm.s32 @!p0 $0x0  }
0x12: {  	s1 =	sld [smem:$0x3F94];
	s0 =	simm.s32 @p0 $0x1  }
0x13: {  	[smem:$0x3FAF] =	sst s0;
	s0 =	simm.s32 @!p1 $0x0  }
0x14: {  	s2 =	sld [smem:$0x3F93];
	s0 =	simm.s32 @p1 $0x1  }
0x15: {  	[smem:$0x3FB0] =	sst s0;
	s0 =	simm.s32 @!p2 $0x0  }
0x16: {  	s3 =	sld [smem:$0x3FDB];
	s0 =	simm.s32 @p2 $0x1  }
0x17: {  	s4 =	simm.s32 $0x1BF5;
	[smem:$0x3FB2] =	sst s0  }
0x18: {  	s0 =	sld [smem:$0x3F95];
	_ =	swait.ge [sflag:s4], $0x0  }
0x19: {  	s7 =	sld [smem:$0x3F96]  }
0x1a: {  	s8 =	sadd.s32 $0xFFFFE003, lr  }
0x1b: {  	s9 =	sadd.s32 $0xFFFFFEF7, lr;
	s5 =	simm.s32 $0xFFFFFFFF;
	p2 =	slt.u32 s8, $0xFFFFF086  }
0x1c: {  	p1 =	slt.u32 s9, $0xF7A;
	s5 =	simm.s32 @!p2 $0x0  }
0x1d: {  	s5 =	simm.s32 @p1 $0x1;
	p0 =	seq.s32 s7, s2  }
0x1e: {  	s7 =	smul.u32 @!p0 $0xF7A, s2;
	p2 =	seq.s32 @!p0 s5, $0x0  }
0x1f: {  	s9 =	smul.u32 $0xF7A, s1;
	s8 =	simm.s32 @!p0 $0x1BF5;
	p2 =	por !p2, p0  }
0x20: {  	[sflag:s8] =	ssyncset.s32 @!p0 $0xFFFFF086;
	s6 =	sadd.s32 @!p0 s3, s7;
	s7 =	simm.s32 @!p0 $0x108  }
0x21: {  	s3 =	sadd.s32 s3, s9;
	s6 =	sadd.s32 @!p0 $0x88, s6;
	s7 =	simm.s32 @p2 $0x1082  }
0x22: {  	[simem:s7], [sflag:s8] =	dma.local @!p0 [hbm:s6], $0xF7A  }
0x23: {  	s9 =	sor.u32 $0xD0000000, s2;
	s6 =	simm.s32 $0x108;
	_ =	swait.ge @!p0 [sflag:s8], $0x0  }
0x24: {  	s3 =	sadd.s32 $0x88, s3;
	s6 =	simm.s32 @!p1 $0x1082;
	[sflag:s4] =	ssyncset.s32 $0xFFFFF086  }
0x25: {  	[simem:s6], [sflag:s4] =	dma.local [hbm:s3], $0xF7A  }
0x26: {  	[smem:$0x3F96] =	sst s1;
	(tag) =	ssettag s2;
	_ =	strace s9  }
0x27: {  	s1 =	sld [smem:$0x3FA6]  }
0x28: {  	s2 =	sld [smem:$0x3FA7]  }
0x29: {  	s4 =	sld [smem:$0x3FA9]  }
0x2a: {  	p0 =	seq.s32 s5, $0x0;
	s5 =	sld [smem:$0x3FAA]  }
0x2b: {  	s6 =	sld [smem:$0x3FAB]  }
0x2c: {  	s7 =	sld [smem:$0x3FAC]  }
0x2d: {  	s3 =	simm.s32 $0x108;
	s8 =	sld [smem:$0x3FAD]  }
0x2e: {  	s3 =	simm.s32 @!p0 $0x1082;
	s9 =	sld [smem:$0x3FAE]  }
0x2f: {  	lr =	sadd.s32 s0, s3;
	s0 =	sld [smem:$0x3FA5]  }
0x30: {  	s3 =	sld [smem:$0x3FA8]  }
0x31: {  	[smem:$0x3FB1] =	sst s10  }
0x32: {  	s10 =	sld [smem:$0x3FAF];
	_ =	sdelay $0x3  }
0x33: {  	p0 =	seq.s32 s10, $0x1;
	s10 =	sld [smem:$0x3FB1];
	_ =	sdelay $0x3  }
0x34: {  	[smem:$0x3FB1] =	sst s10  }
0x35: {  	s10 =	sld [smem:$0x3FB0];
	_ =	sdelay $0x3  }
0x36: {  	p1 =	seq.s32 s10, $0x1;
	s10 =	sld [smem:$0x3FB1];
	_ =	sdelay $0x3  }
0x37: {  	[smem:$0x3FB1] =	sst s10  }
0x38: {  	s10 =	sld [smem:$0x3FB2]  }
0x39: {  	_ = 	snop;
	(pc) =	sbr.ind lr, $3  }
0x3a: {  	_ = 	snop  }
0x3b: {  	_ = 	snop  }
0x3c: {  	p2 =	seq.s32 s10, $0x1;
	s10 =	sld [smem:$0x3FB1]  }
0x3d: {  	_ =	shalt  }
0x3e: {  	_ =	shalt  }
0x3f: {  	_ =	shalt  }
0x40: {  	_ =	shalt  }
0x41: {  	_ =	shalt  }
0x42: {  	_ =	shalt  }
0x43: {  	_ =	shalt  }
0x44: {  	_ =	shalt  }
0x45: {  	_ =	shalt  }
0x46: {  	_ =	shalt  }
0x47: {  	_ =	shalt  }
0x48: {  	_ =	shalt  }
0x49: {  	_ =	shalt  }
0x4a: {  	_ =	shalt  }
0x4b: {  	_ =	shalt  }
0x4c: {  	_ =	shalt  }
0x4d: {  	_ =	shalt  }
0x4e: {  	_ =	shalt  }
0x4f: {  	_ =	shalt  }
0x50: {  	_ =	shalt  }
0x51: {  	_ =	shalt  }
0x52: {  	_ =	shalt  }
0x53: {  	_ =	shalt  }
0x54: {  	_ =	shalt  }
0x55: {  	_ =	shalt  }
0x56: {  	_ =	shalt  }
0x57: {  	_ =	shalt  }
0x58: {  	_ =	shalt  }
0x59: {  	_ =	shalt  }
0x5a: {  	_ =	shalt  }
0x5b: {  	_ =	shalt  }
0x5c: {  	_ =	shalt  }
0x5d: {  	_ =	shalt  }
0x5e: {  	_ =	shalt  }
0x5f: {  	_ =	shalt  }
0x60: {  	_ =	shalt  }
0x61: {  	_ =	shalt  }
0x62: {  	_ =	shalt  }
0x63: {  	_ =	shalt  }
0x64: {  	_ =	shalt  }
0x65: {  	_ =	shalt  }
0x66: {  	_ =	shalt  }
0x67: {  	_ =	shalt  }
0x68: {  	_ =	shalt  }
0x69: {  	_ =	shalt  }
0x6a: {  	_ =	shalt  }
0x6b: {  	_ =	shalt  }
0x6c: {  	_ =	shalt  }
0x6d: {  	_ =	shalt  }
0x6e: {  	_ =	shalt  }
0x6f: {  	_ =	shalt  }
0x70: {  	_ =	shalt  }
0x71: {  	_ =	shalt  }
0x72: {  	_ =	shalt  }
0x73: {  	_ =	shalt  }
0x74: {  	_ =	shalt  }
0x75: {  	_ =	shalt  }
0x76: {  	_ =	shalt  }
0x77: {  	_ =	shalt  }
0x78: {  	_ =	shalt  }
0x79: {  	_ =	shalt  }
0x7a: {  	_ =	shalt  }
0x7b: {  	_ =	shalt  }
0x7c: {  	_ =	shalt  }
0x7d: {  	_ =	shalt  }
0x7e: {  	_ =	shalt  }
0x7f: {  	_ =	shalt  }
0x80: {  	_ =	shalt  }
0x81: {  	_ =	shalt  }
0x82: {  	_ =	shalt  }
0x83: {  	_ =	shalt  }
0x84: {  	_ =	shalt  }
0x85: {  	_ =	shalt  }
0x86: {  	_ =	shalt  }
0x87: {  	_ =	shalt  }
.Lfunc_end0:
.L_simem_size_0:
called_computation.1_lowered:
.L_overlay_start_0:
0x88: {  	s2 =	sld [smem:$0x3FD9]  }
0x89: {  	s3 =	sld [smem:$0x3FFE];
	_ =	sdelay $0x1  }
0x8a: {  	s1 =	srdreg.scid  }
0x8b: {  	s0 =	sand.u32 $0x1, s1  }
0x8c: {  	s16 =	sshll.u32 s0, $0xA;
	s2 =	sadd.s32 s3, s2  }
0x8d: {  	s2 =	sadd.s32 s2, s16  }
0x8e: {  	[smem:$0x3FBD] =	sst s2  }
0x8f: {  	_ = 	snop  }
0x90: {  	(tm) =	ssettm $0x1  }
0x91: {  	s17 =	sld [smem:$0x3FFB];
	_ =	sdelay $0x3  }
0x92: {  	_ =	strace s17  }
0x93: {  	s2 =	sld [smem:$0x3FFC];
	_ =	sdelay $0x3  }
0x94: {  	_ =	strace s2  }
0x95: {  	s2 =	sld [smem:$0x3FFD];
	_ =	sdelay $0x3  }
0x96: {  	_ =	strace s2  }
0x97: {  	_ =	strace $0x8FFFFFFF  }
0x98: {  	s18 =	sld [smem:$0x3FDB];
	_ =	sdelay $0x1  }
0x99: {  	s19 =	simm.s32 $_scs_section_size  }
0x9a: {  	s4 =	simm.s32 $_size__tile_overlayer_lowered;
	s5 =	simm.s32 $_tile_overlayer_lowered  }
0x9b: {  	s22 =	simm.s32 $0x1BFF;
	s21 =	sshll.u32 s5, $0x1;
	s2 =	sadd.s32 s19, s18  }
0x9c: {  	s6 =	simm.s32 $0x0;
	s20 =	sshll.u32 s4, $0x1;
	s4 =	sadd.s32 s21, s2  }
0x9d: {  	[timem:s6], [sflag:s22] =	dma.local [hbm:s4], s20  }
0x9e: {  	_ =	swait.ge [sflag:s22], s20  }
0x9f: {  	s3 =	ssub.s32 $0x0, s20;
	[sflag:s22] =	ssyncset.done $0x0  }
0xa0: {  	[sflag:s22] =	ssyncadd.s32 s3;
	_ =	sdelay $0x1  }
0xa1: {  	s23 =	simm.s32 $0x1B8B  }
0xa2: {  	_ =	swait.ge [sflag:s23], $0x1  }
0xa3: {  	[sflag:s23] =	ssyncset.done $0x0  }
0xa4: {  	s25 =	simm.s32 $0x1B8E;
	s24 =	sld [smem:$0x3FFE];
	[sflag:s23] =	ssyncadd.s32 $0xFFFFFFFF  }
0xa5: {  	s26 =	simm.s32 $execute0_lowered;
	[smem:$0x3FD2] =	sst s25  }
0xa6: {  	s4 =	sshll.u32 s26, $0x1;
	_ =	strace $0x80000049;
	[dreg:$0x1] =	wrdreg $0xFFFFFFFF  }
0xa7: {  	s28 =	simm.s32 $_size_execute0_lowered;
	s2 =	sadd.s32 s2, s4;
	[dreg:$0x0] =	wrdreg $0x0  }
0xa8: {  	s4 =	sshll.u32 s28, $0x1;
	[dreg:$0x2] =	wrdreg s2  }
0xa9: {  	[dreg:$0x3] =	wrdreg s4  }
0xaa: {  	[dreg:$0x4] =	wrdreg $0xC0  }
0xab: {  	_ =	task [dreg:s6], $0x5FFFF  }
0xac: {  	[dreg:$0x1] =	wrdreg $0xFFFFFFFF  }
0xad: {  	[dreg:$0x0] =	wrdreg $0x60  }
0xae: {  	[dreg:$0x2] =	wrdreg s24  }
0xaf: {  	[dreg:$0x3] =	wrdreg $0x9  }
0xb0: {  	_ =	task.clear_ibuf [dreg:s6], $0x4FFFF;
	_ =	strace $0x90000049  }
0xb1: {  	s29 =	simm.s32 $0x9;
	_ =	strace $0x8000004B  }
0xb2: {  	_ =	swait.ge [sflag:s29], $0x1  }
0xb3: {  	[sflag:s29] =	ssyncadd.s32 $0xFFFFFFFF  }
0xb4: {  	_ =	strace $0x9000004B  }
0xb5: {  	_ =	sfence  }
0xb6: {  	s30 =	sld [smem:$0x0];
	_ =	sdelay $0x2  }
0xb7: {  	s31 =	sshll.u32 s1, $0xD;
	s1 =	sshrl.u32 s1, $0x2  }
0xb8: {  	s3 =	sand.u32 $0x4000, s31;
	s1 =	sadd.s32 s1, s30  }
0xb9: {  	s0 =	sor.u32 s3, s0;
	s1 =	sshll.u32 s1, $0x11  }
0xba: {  	s0 =	sor.u32 s1, s0  }
0xbb: {  	s0 =	sadd.s32 $0x8F2B, s0  }
0xbc: {  	[sflag:s0] =	ssyncadd.remote.s32 $0x1  }
0xbd: {  	_ =	sfence.sel $0xFFFF  }
0xbe: {  	[dreg:$0x0] =	wrdreg $0xFFFFFFFF;
	(pc) =	sbr.abs _section_cstart, $3  }
0xbf: {  	[dreg:$0x1] =	wrdreg $0xFFFFFFFF  }
0xc0: {  	_ =	task.clear_ibuf [dreg:s6], $0x2FFFF;
	_ =	strace $0x9FFFFFFF  }
0xc1: {  	(tm) =	ssettm $0x7FFFFFFF  }
tec
execute0_lowered:
.L_overlay_start_1:
0x0: {  	(tag) =	ssettag $0x1  }
0x1: {  	s2 =	srdreg.scid  }
0x2: {  	s1 =	rddreg [dreg:$0x0];
	s5 =	sand.u32 $0x1, s2;
	s2 =	simm.s32 $0x0  }
0x3: {  	s7 =	sadd.s32 $0x8800, s1;
	[smem:$0x7FF] =	sst s2  }
0x4: {  	s24 =	simm.s32 $0x900;
	_ =	strace $0x8000004A;
	[dreg:$0x2] =	wrdreg s7  }
0x5: {  	s25 =	simm.s32 $0x1100;
	[dreg:$0x6] =	wrdreg s24  }
0x6: {  	s0 =	stileid.u32;
	s26 =	simm.s32 $0x1900;
	[dreg:$0x7] =	wrdreg s25  }
0x7: {  	s3 =	sshll.u32 s0, $0x1;
	s0 =	simm.s32 $0x2100;
	[dreg:$0x8] =	wrdreg s26  }
0x8: {  	s9 =	simm.s32 $0x4100;
	[dreg:$0x9] =	wrdreg s0  }
0x9: {  	s10 =	simm.s32 $0x4900;
	[dreg:$0xd] =	wrdreg s9  }
0xa: {  	s11 =	simm.s32 $0x5100;
	[dreg:$0xe] =	wrdreg s10  }
0xb: {  	s12 =	simm.s32 $0x5900;
	s13 =	simm.s32 $0x6100;
	[dreg:$0xf] =	wrdreg s11  }
0xc: {  	s14 =	simm.s32 $0x6900;
	s15 =	simm.s32 $0x7100;
	[dreg:$0x10] =	wrdreg s12  }
0xd: {  	s16 =	simm.s32 $0x7900;
	s17 =	simm.s32 $0x8100;
	[dreg:$0x11] =	wrdreg s13  }
0xe: {  	s18 =	simm.s32 $0x8900;
	s19 =	simm.s32 $0x9100;
	[dreg:$0x12] =	wrdreg s14  }
0xf: {  	s28 =	simm.s32 $0x14900;
	s29 =	simm.s32 $0x70;
	[dreg:$0x13] =	wrdreg s15  }
0x10: {  	s30 =	simm.s32 $0x15100;
	s3 =	sor.u32 s5, s3;
	[dreg:$0x14] =	wrdreg s16  }
0x11: {  	s31 =	simm.s32 $0x1;
	s4 =	smul.u32 $0xE, s3;
	[dreg:$0x15] =	wrdreg s17  }
0x12: {  	s5 =	ssub.s32 $0x2, s5;
	s6 =	smul.u32 $0x2A00, s3;
	[dreg:$0x16] =	wrdreg s18  }
0x13: {  	s8 =	smul.u32 $0x700, s3;
	s7 =	simm.s32 $0x3100;
	[dreg:$0x17] =	wrdreg s19  }
0x14: {  	s24 =	simm.s32 $0xB100;
	s25 =	simm.s32 $0xB900;
	s26 =	simm.s32 $0xC100  }
0x15: {  	s9 =	simm.s32 $0x80;
	s10 =	simm.s32 $0x100;
	s12 =	simm.s32 $0xD100  }
0x16: {  	s13 =	simm.s32 $0xD900;
	s14 =	simm.s32 $0xE100;
	[dreg:$0xb] =	wrdreg s7  }
0x17: {  	s15 =	simm.s32 $0xE900;
	s16 =	simm.s32 $0xF100;
	[dreg:$0x1b] =	wrdreg s24  }
0x18: {  	s17 =	simm.s32 $0xF900;
	s18 =	simm.s32 $0x10100;
	[dreg:$0x1c] =	wrdreg s25  }
0x19: {  	s19 =	simm.s32 $0x10900;
	[dreg:$0x1d] =	wrdreg s26;
	s24 =	simm.s32 $0x13100  }
0x1a: {  	s25 =	simm.s32 $0x13900;
	s26 =	simm.s32 $0x14100;
	s3 =	sadd.s32 s1, s4  }
0x1b: {  	s20 =	sadd.s32 s6, s1;
	s22 =	sadd.s32 s8, s1;
	s6 =	simm.s32 $0x2900  }
0x1c: {  	s8 =	simm.s32 $0x3900;
	s21 =	sadd.s32 $0x800, s3;
	[dreg:$0xa] =	wrdreg s6  }
0x1d: {  	s4 =	sadd.s32 $0x20800, s20;
	s23 =	sadd.s32 $0xB9A00, s22;
	[dreg:$0xc] =	wrdreg s8  }
0x1e: {  	s20 =	sshrl.u32 s5, $0x1;
	s22 =	simm.s32 $0xA100;
	[dreg:$0x3] =	wrdreg s21  }
0x1f: {  	s6 =	sadd.s32 $0xC7C00, s1;
	s8 =	simm.s32 $0x3;
	[dreg:$0x4] =	wrdreg s4  }
0x20: {  	[dreg:$0x5] =	wrdreg s23;
	s4 =	sadd.s32 $0xC7A00, s1;
	s21 =	simm.s32 $0x9900  }
0x21: {  	s7 =	ssub.s32 s5, s20;
	s5 =	sadd.s32 $0xC7B00, s1;
	[dreg:$0x19] =	wrdreg s22  }
0x22: {  	v2 =	vlaneseq.u32;
	s23 =	simm.s32 $0xA900;
	s20 =	simm.s32 $0x11100;
	[dreg:$0x18] =	wrdreg s21  }
0x23: {  	vm0 =	vmmov $0xffff;
	v1 =	vshrl.u32 v2, $0x3;
	s22 =	simm.s32 $0x12100;
	s1 =	simm.s32 $0x2;
	[dreg:$0x1a] =	wrdreg s23  }
0x24: {  	v0 =	vand.u32 $0x7, v2;
	v2 =	vor.u32 $0x8, v2;
	v1 =	vmul.u32 $0x8, v1;
	s7 =	smax.u32 s7, $0x1;
	s21 =	simm.s32 $0x11900;
	s23 =	simm.s32 $0x12900  }
.LBB2_1:
0x25: {  	s0 =	rddreg [dreg:$0x3]  }
0x26: {  	[tilespmem:s2], [sflag:$0x3] =	stream.linear.gather [hbm4b:s0+s2], $0x70, $0x38;
	[tilespmem:$0x18900] =	vst v63  }
0x27: {  	_ =	swait.ge [sflag:s8], $0x70  }
0x28: {  	[sflag:s8] =	ssyncset.done $0x0  }
0x29: {  	[sflag:s8] =	ssyncadd.s32 $0xFFFFFF90  }
0x2a: {  	[tilespmem:s9], [sflag:$0x3] =	stream.linear.gather [hbm4b:s3+s2], $0x70, $0x38;
	[tilespmem:$0x18900] =	vst v63  }
0x2b: {  	_ =	swait.ge [sflag:s8], $0x70  }
0x2c: {  	[sflag:s8] =	ssyncset.done $0x0  }
0x2d: {  	[sflag:s8] =	ssyncadd.s32 $0xFFFFFF90  }
0x2e: {  	v3 =	vld [tilespmem:$0x0];
	_ =	sdelay $0x4  }
0x2f: {  	v4 =	vshrl.u32 v3, $0x3  }
0x30: {  	v4 =	vmul.u32 $0x30, v4  }
0x31: {  	v3 =	vand.u32 $0x7, v3  }
0x32: {  	v3 =	vor.u32 v3, v4  }
0x33: {  	v4 =	vperm.xlane v3, v0;
	_ =	sdelay $0x1  }
0x34: {  	v4 =	vadd.s32 v1, v4;
	_ =	sdelay $0x3  }
0x35: {  	v3 =	vperm.xlane v3, v2  }
0x36: {  	[tilespmem:s10], [sflag:$0x1] =	stream.indirect_vreg.gather [hbm4b:s4+s2], $0x80, v4, vm0, $0xb8;
	[tilespmem:$0x18900] =	vst v63  }
0x37: {  	s0 =	rddreg [dreg:$0x6];
	v3 =	vadd.s32 v1, v3  }
0x38: {  	[tilespmem:s0], [sflag:$0x1] =	stream.indirect_vreg.gather [hbm4b:s5+s2], $0x80, v4, vm0, $0xb8;
	[tilespmem:$0x18900] =	vst v63  }
0x39: {  	s11 =	rddreg [dreg:$0x7]  }
0x3a: {  	[tilespmem:s11], [sflag:$0x1] =	stream.indirect_vreg.gather [hbm4b:s6+s2], $0x80, v4, vm0, $0xb8;
	[tilespmem:$0x18900] =	vst v63  }
0x3b: {  	s0 =	rddreg [dreg:$0x8]  }
0x3c: {  	[tilespmem:s0], [sflag:$0x1] =	stream.indirect_vreg.gather [hbm4b:s4+s2], $0x80, v3, vm0, $0xb8;
	[tilespmem:$0x18900] =	vst v63  }
0x3d: {  	s11 =	rddreg [dreg:$0x9]  }
0x3e: {  	[tilespmem:s11], [sflag:$0x1] =	stream.indirect_vreg.gather [hbm4b:s5+s2], $0x80, v3, vm0, $0xb8;
	[tilespmem:$0x18900] =	vst v63  }
0x3f: {  	s0 =	rddreg [dreg:$0xa]  }
0x40: {  	[tilespmem:s0], [sflag:$0x1] =	stream.indirect_vreg.gather [hbm4b:s6+s2], $0x80, v3, vm0, $0xb8;
	[tilespmem:$0x18900] =	vst v63  }
0x41: {  	v3 =	vld [tilespmem:$0x10];
	_ =	sdelay $0x4  }
0x42: {  	v58 =	vshrl.u32 v3, $0x3  }
0x43: {  	v4 =	vmul.u32 $0x30, v58  }
0x44: {  	v3 =	vand.u32 $0x7, v3  }
0x45: {  	v3 =	vor.u32 v3, v4  }
0x46: {  	v4 =	vperm.xlane v3, v0;
	_ =	sdelay $0x1  }
0x47: {  	v4 =	vadd.s32 v1, v4;
	_ =	sdelay $0x3  }
0x48: {  	s0 =	rddreg [dreg:$0xb];
	v3 =	vperm.xlane v3, v2  }
0x49: {  	[tilespmem:s0], [sflag:$0x1] =	stream.indirect_vreg.gather [hbm4b:s4+s2], $0x80, v4, vm0, $0xb8;
	[tilespmem:$0x18900] =	vst v63  }
0x4a: {  	s11 =	rddreg [dreg:$0xc];
	v3 =	vadd.s32 v1, v3  }
0x4b: {  	[tilespmem:s11], [sflag:$0x1] =	stream.indirect_vreg.gather [hbm4b:s5+s2], $0x80, v4, vm0, $0xb8;
	[tilespmem:$0x18900] =	vst v63  }
0x4c: {  	s0 =	rddreg [dreg:$0xd]  }
0x4d: {  	[tilespmem:s0], [sflag:$0x1] =	stream.indirect_vreg.gather [hbm4b:s6+s2], $0x80, v4, vm0, $0xb8;
	[tilespmem:$0x18900] =	vst v63  }
0x4e: {  	s11 =	rddreg [dreg:$0xe]  }
0x4f: {  	[tilespmem:s11], [sflag:$0x1] =	stream.indirect_vreg.gather [hbm4b:s4+s2], $0x80, v3, vm0, $0xb8;
	[tilespmem:$0x18900] =	vst v63  }
0x50: {  	s0 =	rddreg [dreg:$0xf]  }
0x51: {  	[tilespmem:s0], [sflag:$0x1] =	stream.indirect_vreg.gather [hbm4b:s5+s2], $0x80, v3, vm0, $0xb8;
	[tilespmem:$0x18900] =	vst v63  }
0x52: {  	s11 =	rddreg [dreg:$0x10]  }
0x53: {  	[tilespmem:s11], [sflag:$0x1] =	stream.indirect_vreg.gather [hbm4b:s6+s2], $0x80, v3, vm0, $0xb8;
	[tilespmem:$0x18900] =	vst v63  }
0x54: {  	v3 =	vld [tilespmem:$0x20];
	_ =	sdelay $0x4  }
0x55: {  	v59 =	vshrl.u32 v3, $0x3  }
0x56: {  	v4 =	vmul.u32 $0x30, v59  }
0x57: {  	v3 =	vand.u32 $0x7, v3  }
0x58: {  	v3 =	vor.u32 v3, v4  }
0x59: {  	v4 =	vperm.xlane v3, v0;
	_ =	sdelay $0x1  }
0x5a: {  	v4 =	vadd.s32 v1, v4;
	_ =	sdelay $0x3  }
0x5b: {  	s0 =	rddreg [dreg:$0x11];
	v3 =	vperm.xlane v3, v2  }
0x5c: {  	[tilespmem:s0], [sflag:$0x1] =	stream.indirect_vreg.gather [hbm4b:s4+s2], $0x80, v4, vm0, $0xb8;
	[tilespmem:$0x18900] =	vst v63  }
0x5d: {  	s11 =	rddreg [dreg:$0x12];
	v3 =	vadd.s32 v1, v3  }
0x5e: {  	[tilespmem:s11], [sflag:$0x1] =	stream.indirect_vreg.gather [hbm4b:s5+s2], $0x80, v4, vm0, $0xb8;
	[tilespmem:$0x18900] =	vst v63  }
0x5f: {  	s0 =	rddreg [dreg:$0x13]  }
0x60: {  	[tilespmem:s0], [sflag:$0x1] =	stream.indirect_vreg.gather [hbm4b:s6+s2], $0x80, v4, vm0, $0xb8;
	[tilespmem:$0x18900] =	vst v63  }
0x61: {  	s11 =	rddreg [dreg:$0x14]  }
0x62: {  	[tilespmem:s11], [sflag:$0x1] =	stream.indirect_vreg.gather [hbm4b:s4+s2], $0x80, v3, vm0, $0xb8;
	[tilespmem:$0x18900] =	vst v63  }
0x63: {  	s0 =	rddreg [dreg:$0x15]  }
0x64: {  	[tilespmem:s0], [sflag:$0x1] =	stream.indirect_vreg.gather [hbm4b:s5+s2], $0x80, v3, vm0, $0xb8;
	[tilespmem:$0x18900] =	vst v63  }
0x65: {  	s11 =	rddreg [dreg:$0x16]  }
0x66: {  	[tilespmem:s11], [sflag:$0x1] =	stream.indirect_vreg.gather [hbm4b:s6+s2], $0x80, v3, vm0, $0xb8;
	[tilespmem:$0x18900] =	vst v63  }
0x67: {  	v3 =	vld [tilespmem:$0x30];
	_ =	sdelay $0x4  }
0x68: {  	v60 =	vshrl.u32 v3, $0x3  }
0x69: {  	v4 =	vmul.u32 $0x30, v60  }
0x6a: {  	v3 =	vand.u32 $0x7, v3  }
0x6b: {  	v3 =	vor.u32 v3, v4  }
0x6c: {  	v4 =	vperm.xlane v3, v0;
	_ =	sdelay $0x1  }
0x6d: {  	v4 =	vadd.s32 v1, v4;
	_ =	sdelay $0x3  }
0x6e: {  	s0 =	rddreg [dreg:$0x17];
	v3 =	vperm.xlane v3, v2  }
0x6f: {  	[tilespmem:s0], [sflag:$0x1] =	stream.indirect_vreg.gather [hbm4b:s4+s2], $0x80, v4, vm0, $0xb8;
	[tilespmem:$0x18900] =	vst v63  }
0x70: {  	s11 =	rddreg [dreg:$0x18];
	v3 =	vadd.s32 v1, v3  }
0x71: {  	[tilespmem:s11], [sflag:$0x1] =	stream.indirect_vreg.gather [hbm4b:s5+s2], $0x80, v4, vm0, $0xb8;
	[tilespmem:$0x18900] =	vst v63  }
0x72: {  	s0 =	rddreg [dreg:$0x19]  }
0x73: {  	[tilespmem:s0], [sflag:$0x1] =	stream.indirect_vreg.gather [hbm4b:s6+s2], $0x80, v4, vm0, $0xb8;
	[tilespmem:$0x18900] =	vst v63  }
0x74: {  	s11 =	rddreg [dreg:$0x1a]  }
0x75: {  	[tilespmem:s11], [sflag:$0x1] =	stream.indirect_vreg.gather [hbm4b:s4+s2], $0x80, v3, vm0, $0xb8;
	[tilespmem:$0x18900] =	vst v63  }
0x76: {  	s0 =	rddreg [dreg:$0x1b]  }
0x77: {  	[tilespmem:s0], [sflag:$0x1] =	stream.indirect_vreg.gather [hbm4b:s5+s2], $0x80, v3, vm0, $0xb8;
	[tilespmem:$0x18900] =	vst v63  }
0x78: {  	s11 =	rddreg [dreg:$0x1c]  }
0x79: {  	[tilespmem:s11], [sflag:$0x1] =	stream.indirect_vreg.gather [hbm4b:s6+s2], $0x80, v3, vm0, $0xb8;
	[tilespmem:$0x18900] =	vst v63  }
0x7a: {  	v3 =	vld [tilespmem:$0x40];
	_ =	sdelay $0x4  }
0x7b: {  	v61 =	vshrl.u32 v3, $0x3  }
0x7c: {  	v4 =	vmul.u32 $0x30, v61  }
0x7d: {  	v3 =	vand.u32 $0x7, v3  }
0x7e: {  	v3 =	vor.u32 v3, v4  }
0x7f: {  	v4 =	vperm.xlane v3, v0;
	_ =	sdelay $0x1  }
0x80: {  	v4 =	vadd.s32 v1, v4;
	_ =	sdelay $0x3  }
0x81: {  	s11 =	rddreg [dreg:$0x1d];
	v3 =	vperm.xlane v3, v2  }
0x82: {  	[tilespmem:s11], [sflag:$0x1] =	stream.indirect_vreg.gather [hbm4b:s4+s2], $0x80, v4, vm0, $0xb8;
	[tilespmem:$0x18900] =	vst v63  }
0x83: {  	v3 =	vadd.s32 v1, v3;
	s11 =	simm.s32 $0xC900  }
0x84: {  	[tilespmem:s11], [sflag:$0x1] =	stream.indirect_vreg.gather [hbm4b:s5+s2], $0x80, v4, vm0, $0xb8;
	[tilespmem:$0x18900] =	vst v63  }
0x85: {  	_ = 	snop  }
0x86: {  	[tilespmem:s12], [sflag:$0x1] =	stream.indirect_vreg.gather [hbm4b:s6+s2], $0x80, v4, vm0, $0xb8;
	[tilespmem:$0x18900] =	vst v63  }
0x87: {  	_ = 	snop  }
0x88: {  	[tilespmem:s13], [sflag:$0x1] =	stream.indirect_vreg.gather [hbm4b:s4+s2], $0x80, v3, vm0, $0xb8;
	[tilespmem:$0x18900] =	vst v63  }
0x89: {  	_ = 	snop  }
0x8a: {  	[tilespmem:s14], [sflag:$0x1] =	stream.indirect_vreg.gather [hbm4b:s5+s2], $0x80, v3, vm0, $0xb8;
	[tilespmem:$0x18900] =	vst v63  }
0x8b: {  	_ = 	snop  }
0x8c: {  	[tilespmem:s15], [sflag:$0x1] =	stream.indirect_vreg.gather [hbm4b:s6+s2], $0x80, v3, vm0, $0xb8;
	[tilespmem:$0x18900] =	vst v63  }
0x8d: {  	v3 =	vld [tilespmem:$0x50];
	_ =	sdelay $0x4  }
0x8e: {  	v62 =	vshrl.u32 v3, $0x3  }
0x8f: {  	v4 =	vmul.u32 $0x30, v62  }
0x90: {  	v3 =	vand.u32 $0x7, v3  }
0x91: {  	v3 =	vor.u32 v3, v4  }
0x92: {  	v4 =	vperm.xlane v3, v0;
	_ =	sdelay $0x1  }
0x93: {  	v4 =	vadd.s32 v1, v4;
	_ =	sdelay $0x3  }
0x94: {  	v3 =	vperm.xlane v3, v2  }
0x95: {  	[tilespmem:s16], [sflag:$0x1] =	stream.indirect_vreg.gather [hbm4b:s4+s2], $0x80, v4, vm0, $0xb8;
	[tilespmem:$0x18900] =	vst v63  }
0x96: {  	v3 =	vadd.s32 v1, v3  }
0x97: {  	[tilespmem:s17], [sflag:$0x1] =	stream.indirect_vreg.gather [hbm4b:s5+s2], $0x80, v4, vm0, $0xb8;
	[tilespmem:$0x18900] =	vst v63  }
0x98: {  	_ = 	snop  }
0x99: {  	[tilespmem:s18], [sflag:$0x1] =	stream.indirect_vreg.gather [hbm4b:s6+s2], $0x80, v4, vm0, $0xb8;
	[tilespmem:$0x18900] =	vst v63  }
0x9a: {  	_ = 	snop  }
0x9b: {  	[tilespmem:s19], [sflag:$0x1] =	stream.indirect_vreg.gather [hbm4b:s4+s2], $0x80, v3, vm0, $0xb8;
	[tilespmem:$0x18900] =	vst v63  }
0x9c: {  	_ = 	snop  }
0x9d: {  	[tilespmem:s20], [sflag:$0x1] =	stream.indirect_vreg.gather [hbm4b:s5+s2], $0x80, v3, vm0, $0xb8;
	[tilespmem:$0x18900] =	vst v63  }
0x9e: {  	_ = 	snop  }
0x9f: {  	[tilespmem:s21], [sflag:$0x1] =	stream.indirect_vreg.gather [hbm4b:s6+s2], $0x80, v3, vm0, $0xb8;
	[tilespmem:$0x18900] =	vst v63  }
0xa0: {  	v3 =	vld [tilespmem:$0x60];
	_ =	sdelay $0x4  }
0xa1: {  	v63 =	vshrl.u32 v3, $0x3  }
0xa2: {  	v4 =	vmul.u32 $0x30, v63  }
0xa3: {  	v3 =	vand.u32 $0x7, v3  }
0xa4: {  	v3 =	vor.u32 v3, v4  }
0xa5: {  	v4 =	vperm.xlane v3, v0;
	_ =	sdelay $0x1  }
0xa6: {  	v4 =	vadd.s32 v1, v4;
	_ =	sdelay $0x3  }
0xa7: {  	v3 =	vperm.xlane v3, v2  }
0xa8: {  	[tilespmem:s22], [sflag:$0x1] =	stream.indirect_vreg.gather [hbm4b:s4+s2], $0x80, v4, vm0, $0xb8;
	[tilespmem:$0x18900] =	vst v63  }
0xa9: {  	v3 =	vadd.s32 v1, v3  }
0xaa: {  	[tilespmem:s23], [sflag:$0x1] =	stream.indirect_vreg.gather [hbm4b:s5+s2], $0x80, v4, vm0, $0xb8;
	[tilespmem:$0x18900] =	vst v63  }
0xab: {  	_ = 	snop  }
0xac: {  	[tilespmem:s24], [sflag:$0x1] =	stream.indirect_vreg.gather [hbm4b:s6+s2], $0x80, v4, vm0, $0xb8;
	[tilespmem:$0x18900] =	vst v63  }
0xad: {  	_ = 	snop  }
0xae: {  	[tilespmem:s25], [sflag:$0x1] =	stream.indirect_vreg.gather [hbm4b:s4+s2], $0x80, v3, vm0, $0xb8;
	[tilespmem:$0x18900] =	vst v63  }
0xaf: {  	_ = 	snop  }
0xb0: {  	[tilespmem:s26], [sflag:$0x1] =	stream.indirect_vreg.gather [hbm4b:s5+s2], $0x80, v3, vm0, $0xb8;
	[tilespmem:$0x18900] =	vst v63  }
0xb1: {  	_ = 	snop  }
0xb2: {  	[tilespmem:s28], [sflag:$0x1] =	stream.indirect_vreg.gather [hbm4b:s6+s2], $0x80, v3, vm0, $0xb8;
	[tilespmem:$0x18900] =	vst v63  }
0xb3: {  	s11 =	rddreg [dreg:$0x2]  }
0xb4: {  	[tilespmem:s30], [sflag:$0x2] =	stream.indirect.gather [hbm4b:s11+s29], $0x80, s9, s29, $0xb8;
	[tilespmem:$0x18900] =	vst v63  }
0xb5: {  	_ =	swait.ge [sflag:s31], $0x15000  }
0xb6: {  	[sflag:s31] =	ssyncset.done $0x0  }
0xb7: {  	[sflag:s31] =	ssyncadd.s32 $0xFFFEB000  }
0xb8: {  	_ =	swait.ge [sflag:s1], $0x3800  }
0xb9: {  	[sflag:s1] =	ssyncset.done $0x0  }
0xba: {  	s11 =	rddreg [dreg:$0x4];
	[sflag:s1] =	ssyncadd.s32 $0xFFFFC800  }
0xbb: {  	[hbm4b:s11+s2] =	stream.linear.scatter [tilespmem:s10], [sflag:$0x3], $0x15000, $0x38;
	[tilespmem:$0x18900] =	vst v63  }
0xbc: {  	_ =	swait.ge [sflag:s8], $0x15000  }
0xbd: {  	p0 =	sne.s32 s7, $0x1;
	[sflag:s8] =	ssyncset.done $0x0  }
.Ltmp0:
0xbe: {  	s11 =	rddreg [dreg:$0x5];
	[sflag:s8] =	ssyncadd.s32 $0xFFFEB000;
	(pc) =	sbr.rel @p0 .LBB2_1-.Ltmp0, $4  }
0xbf: {  	[hbm4b:s11+s2] =	stream.linear.scatter [tilespmem:s30], [sflag:$0x3], $0x3800, $0x38;
	[tilespmem:$0x18900] =	vst v63  }
0xc0: {  	_ =	swait.ge [sflag:s8], $0x3800  }
0xc1: {  	[sflag:s8] =	ssyncset.done $0x0  }
0xc2: {  	s7 =	sadd.s32 $0xFFFFFFFF, s7;
	[sflag:s8] =	ssyncadd.s32 $0xFFFFC800  }
0xc3: {  	_ =	sfence.sel $0x180000  }
0xc4: {  	[bflag:$0x0] =	sbarrier.arrive $0xFFFF  }
0xc5: {  	_ =	strace $0x9000004A  }
0xc6: {  	s0 =	stileid.u32;
	[bflag:$0x2] =	sbarrier.arrive $0xFFFF  }
0xc7: {  	p0 =	sne.s32 s0, $0x0;
	s0 =	rddreg [dreg:$0x1]  }
0xc8: {  	s0 =	sadd.s32 @!p0 $0x100000, s0  }
0xc9: {  	[sflag:s0] =	ssyncadd.tile.s32 @!p0 $0x1;
	_ =	shalt  }
.Lfunc_end2:
_tile_overlayer_lowered:
.L_overlay_start_2:
0xca: {  	(tag) =	ssettag $0x2  }
0xcb: {  	s0 =	rddreg [dreg:$0x0];
	s2 =	stileid.u32  }
0xcc: {  	s1 =	rddreg [dreg:$0x1];
	p0 =	sne.s32 s2, $0x0  }
0xcd: {  	s3 =	rddreg [dreg:$0x2];
	[bflag:$0x3] =	sbarrier.arrive $0xFFFF;
	s2 =	simm.s32 @!p0 $0x1C03  }
0xce: {  	[timem:s3], [sflag:s2] =	dma.local @!p0 [hbm:s0], s1  }
0xcf: {  	s0 =	simm.s32 @!p0 $0x3  }
0xd0: {  	_ =	swait.ge @!p0 [sflag:s0], s1  }
0xd1: {  	s1 =	ssub.s32 @!p0 $0x0, s1;
	[sflag:s0] =	ssyncset.done @!p0 $0x0  }
0xd2: {  	[sflag:s0] =	ssyncadd.s32 @!p0 s1  }
0xd3: {  	[bflag:$0x3] =	sbarrier.arrive $0xFFFF  }
0xd4: {  	_ =	shalt  }

// kernel: kernel.19.cloned.1.call-start
scs
__scs_entry_jumppad:
0x0: {  	(pc) =	sbr.rel $0x88, $3  }
0x1: {  	(tag) =	ssettag $0x0;
	lr =	simm.s32 $0x1  }
0x2: {  	[smem:$0x3F96] =	sst lr;
	_ =	strace $0xD0000000  }
0x3: {  	_ = 	snop  }
0x4: {  	_ = 	snop  }
0x5: {  	_ = 	snop  }
0x6: {  	_ = 	snop  }
0x7: {  	_ = 	snop  }
__scs_overlays_trampoline_lowered:
0x8: {  	[smem:$0x3FA5] =	sst s0  }
0x9: {  	[smem:$0x3FA6] =	sst s1  }
0xa: {  	[smem:$0x3FA7] =	sst s2  }
0xb: {  	[smem:$0x3FA8] =	sst s3  }
0xc: {  	[smem:$0x3FA9] =	sst s4  }
0xd: {  	[smem:$0x3FAA] =	sst s5  }
0xe: {  	[smem:$0x3FAB] =	sst s6  }
0xf: {  	[smem:$0x3FAC] =	sst s7  }
0x10: {  	[smem:$0x3FAD] =	sst s8  }
0x11: {  	[smem:$0x3FAE] =	sst s9;
	s0 =	simm.s32 @!p0 $0x0  }
0x12: {  	s1 =	sld [smem:$0x3F94];
	s0 =	simm.s32 @p0 $0x1  }
0x13: {  	[smem:$0x3FAF] =	sst s0;
	s0 =	simm.s32 @!p1 $0x0  }
0x14: {  	s2 =	sld [smem:$0x3F93];
	s0 =	simm.s32 @p1 $0x1  }
0x15: {  	[smem:$0x3FB0] =	sst s0;
	s0 =	simm.s32 @!p2 $0x0  }
0x16: {  	s3 =	sld [smem:$0x3FDB];
	s0 =	simm.s32 @p2 $0x1  }
0x17: {  	s4 =	simm.s32 $0x1BF5;
	[smem:$0x3FB2] =	sst s0  }
0x18: {  	s0 =	sld [smem:$0x3F95];
	_ =	swait.ge [sflag:s4], $0x0  }
0x19: {  	s7 =	sld [smem:$0x3F96]  }
0x1a: {  	s8 =	sadd.s32 $0xFFFFE003, lr  }
0x1b: {  	s9 =	sadd.s32 $0xFFFFFEF7, lr;
	s5 =	simm.s32 $0xFFFFFFFF;
	p2 =	slt.u32 s8, $0xFFFFF086  }
0x1c: {  	p1 =	slt.u32 s9, $0xF7A;
	s5 =	simm.s32 @!p2 $0x0  }
0x1d: {  	s5 =	simm.s32 @p1 $0x1;
	p0 =	seq.s32 s7, s2  }
0x1e: {  	s7 =	smul.u32 @!p0 $0xF7A, s2;
	p2 =	seq.s32 @!p0 s5, $0x0  }
0x1f: {  	s9 =	smul.u32 $0xF7A, s1;
	s8 =	simm.s32 @!p0 $0x1BF5;
	p2 =	por !p2, p0  }
0x20: {  	[sflag:s8] =	ssyncset.s32 @!p0 $0xFFFFF086;
	s6 =	sadd.s32 @!p0 s3, s7;
	s7 =	simm.s32 @!p0 $0x108  }
0x21: {  	s3 =	sadd.s32 s3, s9;
	s6 =	sadd.s32 @!p0 $0x88, s6;
	s7 =	simm.s32 @p2 $0x1082  }
0x22: {  	[simem:s7], [sflag:s8] =	dma.local @!p0 [hbm:s6], $0xF7A  }
0x23: {  	s9 =	sor.u32 $0xD0000000, s2;
	s6 =	simm.s32 $0x108;
	_ =	swait.ge @!p0 [sflag:s8], $0x0  }
0x24: {  	s3 =	sadd.s32 $0x88, s3;
	s6 =	simm.s32 @!p1 $0x1082;
	[sflag:s4] =	ssyncset.s32 $0xFFFFF086  }
0x25: {  	[simem:s6], [sflag:s4] =	dma.local [hbm:s3], $0xF7A  }
0x26: {  	[smem:$0x3F96] =	sst s1;
	(tag) =	ssettag s2;
	_ =	strace s9  }
0x27: {  	s1 =	sld [smem:$0x3FA6]  }
0x28: {  	s2 =	sld [smem:$0x3FA7]  }
0x29: {  	s4 =	sld [smem:$0x3FA9]  }
0x2a: {  	p0 =	seq.s32 s5, $0x0;
	s5 =	sld [smem:$0x3FAA]  }
0x2b: {  	s6 =	sld [smem:$0x3FAB]  }
0x2c: {  	s7 =	sld [smem:$0x3FAC]  }
0x2d: {  	s3 =	simm.s32 $0x108;
	s8 =	sld [smem:$0x3FAD]  }
0x2e: {  	s3 =	simm.s32 @!p0 $0x1082;
	s9 =	sld [smem:$0x3FAE]  }
0x2f: {  	lr =	sadd.s32 s0, s3;
	s0 =	sld [smem:$0x3FA5]  }
0x30: {  	s3 =	sld [smem:$0x3FA8]  }
0x31: {  	[smem:$0x3FB1] =	sst s10  }
0x32: {  	s10 =	sld [smem:$0x3FAF];
	_ =	sdelay $0x3  }
0x33: {  	p0 =	seq.s32 s10, $0x1;
	s10 =	sld [smem:$0x3FB1];
	_ =	sdelay $0x3  }
0x34: {  	[smem:$0x3FB1] =	sst s10  }
0x35: {  	s10 =	sld [smem:$0x3FB0];
	_ =	sdelay $0x3  }
0x36: {  	p1 =	seq.s32 s10, $0x1;
	s10 =	sld [smem:$0x3FB1];
	_ =	sdelay $0x3  }
0x37: {  	[smem:$0x3FB1] =	sst s10  }
0x38: {  	s10 =	sld [smem:$0x3FB2]  }
0x39: {  	_ = 	snop;
	(pc) =	sbr.ind lr, $3  }
0x3a: {  	_ = 	snop  }
0x3b: {  	_ = 	snop  }
0x3c: {  	p2 =	seq.s32 s10, $0x1;
	s10 =	sld [smem:$0x3FB1]  }
0x3d: {  	_ =	shalt  }
0x3e: {  	_ =	shalt  }
0x3f: {  	_ =	shalt  }
0x40: {  	_ =	shalt  }
0x41: {  	_ =	shalt  }
0x42: {  	_ =	shalt  }
0x43: {  	_ =	shalt  }
0x44: {  	_ =	shalt  }
0x45: {  	_ =	shalt  }
0x46: {  	_ =	shalt  }
0x47: {  	_ =	shalt  }
0x48: {  	_ =	shalt  }
0x49: {  	_ =	shalt  }
0x4a: {  	_ =	shalt  }
0x4b: {  	_ =	shalt  }
0x4c: {  	_ =	shalt  }
0x4d: {  	_ =	shalt  }
0x4e: {  	_ =	shalt  }
0x4f: {  	_ =	shalt  }
0x50: {  	_ =	shalt  }
0x51: {  	_ =	shalt  }
0x52: {  	_ =	shalt  }
0x53: {  	_ =	shalt  }
0x54: {  	_ =	shalt  }
0x55: {  	_ =	shalt  }
0x56: {  	_ =	shalt  }
0x57: {  	_ =	shalt  }
0x58: {  	_ =	shalt  }
0x59: {  	_ =	shalt  }
0x5a: {  	_ =	shalt  }
0x5b: {  	_ =	shalt  }
0x5c: {  	_ =	shalt  }
0x5d: {  	_ =	shalt  }
0x5e: {  	_ =	shalt  }
0x5f: {  	_ =	shalt  }
0x60: {  	_ =	shalt  }
0x61: {  	_ =	shalt  }
0x62: {  	_ =	shalt  }
0x63: {  	_ =	shalt  }
0x64: {  	_ =	shalt  }
0x65: {  	_ =	shalt  }
0x66: {  	_ =	shalt  }
0x67: {  	_ =	shalt  }
0x68: {  	_ =	shalt  }
0x69: {  	_ =	shalt  }
0x6a: {  	_ =	shalt  }
0x6b: {  	_ =	shalt  }
0x6c: {  	_ =	shalt  }
0x6d: {  	_ =	shalt  }
0x6e: {  	_ =	shalt  }
0x6f: {  	_ =	shalt  }
0x70: {  	_ =	shalt  }
0x71: {  	_ =	shalt  }
0x72: {  	_ =	shalt  }
0x73: {  	_ =	shalt  }
0x74: {  	_ =	shalt  }
0x75: {  	_ =	shalt  }
0x76: {  	_ =	shalt  }
0x77: {  	_ =	shalt  }
0x78: {  	_ =	shalt  }
0x79: {  	_ =	shalt  }
0x7a: {  	_ =	shalt  }
0x7b: {  	_ =	shalt  }
0x7c: {  	_ =	shalt  }
0x7d: {  	_ =	shalt  }
0x7e: {  	_ =	shalt  }
0x7f: {  	_ =	shalt  }
0x80: {  	_ =	shalt  }
0x81: {  	_ =	shalt  }
0x82: {  	_ =	shalt  }
0x83: {  	_ =	shalt  }
0x84: {  	_ =	shalt  }
0x85: {  	_ =	shalt  }
0x86: {  	_ =	shalt  }
0x87: {  	_ =	shalt  }
.Lfunc_end0:
.L_simem_size_0:
called_computation.2_lowered:
.L_overlay_start_0:
0x88: {  	s2 =	sld [smem:$0x3FD9]  }
0x89: {  	s3 =	sld [smem:$0x3FFE];
	_ =	sdelay $0x1  }
0x8a: {  	s1 =	srdreg.scid  }
0x8b: {  	s0 =	sand.u32 $0x1, s1  }
0x8c: {  	s16 =	sshll.u32 s0, $0xA;
	s2 =	sadd.s32 s3, s2  }
0x8d: {  	s2 =	sadd.s32 s2, s16  }
0x8e: {  	[smem:$0x3FBD] =	sst s2  }
0x8f: {  	_ = 	snop  }
0x90: {  	(tm) =	ssettm $0x1  }
0x91: {  	s17 =	sld [smem:$0x3FFB];
	_ =	sdelay $0x3  }
0x92: {  	_ =	strace s17  }
0x93: {  	s2 =	sld [smem:$0x3FFC];
	_ =	sdelay $0x3  }
0x94: {  	_ =	strace s2  }
0x95: {  	s2 =	sld [smem:$0x3FFD];
	_ =	sdelay $0x3  }
0x96: {  	_ =	strace s2  }
0x97: {  	_ =	strace $0x8FFFFFFF  }
0x98: {  	s18 =	sld [smem:$0x3FDB];
	_ =	sdelay $0x1  }
0x99: {  	s19 =	simm.s32 $_scs_section_size  }
0x9a: {  	s4 =	simm.s32 $_size__tile_overlayer_lowered;
	s5 =	simm.s32 $_tile_overlayer_lowered  }
0x9b: {  	s22 =	simm.s32 $0x1BFF;
	s21 =	sshll.u32 s5, $0x1;
	s2 =	sadd.s32 s19, s18  }
0x9c: {  	s6 =	simm.s32 $0x0;
	s20 =	sshll.u32 s4, $0x1;
	s4 =	sadd.s32 s21, s2  }
0x9d: {  	[timem:s6], [sflag:s22] =	dma.local [hbm:s4], s20  }
0x9e: {  	_ =	swait.ge [sflag:s22], s20  }
0x9f: {  	s3 =	ssub.s32 $0x0, s20;
	[sflag:s22] =	ssyncset.done $0x0  }
0xa0: {  	[sflag:s22] =	ssyncadd.s32 s3;
	_ =	sdelay $0x1  }
0xa1: {  	s23 =	simm.s32 $0x1B8B  }
0xa2: {  	_ =	swait.ge [sflag:s23], $0x1  }
0xa3: {  	[sflag:s23] =	ssyncset.done $0x0  }
0xa4: {  	s25 =	simm.s32 $0x1B8E;
	s24 =	sld [smem:$0x3FFE];
	[sflag:s23] =	ssyncadd.s32 $0xFFFFFFFF  }
0xa5: {  	s26 =	simm.s32 $execute0_lowered;
	[smem:$0x3FD2] =	sst s25  }
0xa6: {  	s4 =	sshll.u32 s26, $0x1;
	_ =	strace $0x8000004C;
	[dreg:$0x1] =	wrdreg $0xFFFFFFFF  }
0xa7: {  	s28 =	simm.s32 $_size_execute0_lowered;
	s2 =	sadd.s32 s2, s4;
	[dreg:$0x0] =	wrdreg $0x0  }
0xa8: {  	s4 =	sshll.u32 s28, $0x1;
	[dreg:$0x2] =	wrdreg s2  }
0xa9: {  	[dreg:$0x3] =	wrdreg s4  }
0xaa: {  	[dreg:$0x4] =	wrdreg $0xC0  }
0xab: {  	_ =	task [dreg:s6], $0x5FFFF  }
0xac: {  	[dreg:$0x1] =	wrdreg $0xFFFFFFFF  }
0xad: {  	[dreg:$0x0] =	wrdreg $0x60  }
0xae: {  	[dreg:$0x2] =	wrdreg s24  }
0xaf: {  	[dreg:$0x3] =	wrdreg $0x9  }
0xb0: {  	_ =	task.clear_ibuf [dreg:s6], $0x4FFFF;
	_ =	strace $0x9000004C  }
0xb1: {  	s29 =	simm.s32 $0x9;
	_ =	strace $0x8000004E  }
0xb2: {  	_ =	swait.ge [sflag:s29], $0x1  }
0xb3: {  	[sflag:s29] =	ssyncadd.s32 $0xFFFFFFFF  }
0xb4: {  	_ =	strace $0x9000004E  }
0xb5: {  	_ =	sfence  }
0xb6: {  	s30 =	sld [smem:$0x0];
	_ =	sdelay $0x2  }
0xb7: {  	s31 =	sshll.u32 s1, $0xD;
	s1 =	sshrl.u32 s1, $0x2  }
0xb8: {  	s3 =	sand.u32 $0x4000, s31;
	s1 =	sadd.s32 s1, s30  }
0xb9: {  	s0 =	sor.u32 s3, s0;
	s1 =	sshll.u32 s1, $0x11  }
0xba: {  	s0 =	sor.u32 s1, s0  }
0xbb: {  	s0 =	sadd.s32 $0x8F2B, s0  }
0xbc: {  	[sflag:s0] =	ssyncadd.remote.s32 $0x1  }
0xbd: {  	_ =	sfence.sel $0xFFFF  }
0xbe: {  	[dreg:$0x0] =	wrdreg $0xFFFFFFFF;
	(pc) =	sbr.abs _section_cstart, $3  }
0xbf: {  	[dreg:$0x1] =	wrdreg $0xFFFFFFFF  }
0xc0: {  	_ =	task.clear_ibuf [dreg:s6], $0x2FFFF;
	_ =	strace $0x9FFFFFFF  }
0xc1: {  	(tm) =	ssettm $0x7FFFFFFF  }
tec
execute0_lowered:
.L_overlay_start_1:
0x0: {  	(tag) =	ssettag $0x1  }
0x1: {  	s2 =	srdreg.scid  }
0x2: {  	s1 =	rddreg [dreg:$0x0];
	s5 =	sand.u32 $0x1, s2;
	s2 =	simm.s32 $0x0  }
0x3: {  	s7 =	sadd.s32 $0x10800, s1;
	[smem:$0x7FF] =	sst s2  }
0x4: {  	s24 =	simm.s32 $0x900;
	_ =	strace $0x8000004D;
	[dreg:$0x2] =	wrdreg s7  }
0x5: {  	s25 =	simm.s32 $0x1100;
	[dreg:$0x6] =	wrdreg s24  }
0x6: {  	s0 =	stileid.u32;
	s26 =	simm.s32 $0x1900;
	[dreg:$0x7] =	wrdreg s25  }
0x7: {  	s3 =	sshll.u32 s0, $0x1;
	s0 =	simm.s32 $0x2100;
	[dreg:$0x8] =	wrdreg s26  }
0x8: {  	s9 =	simm.s32 $0x4100;
	[dreg:$0x9] =	wrdreg s0  }
0x9: {  	s10 =	simm.s32 $0x4900;
	[dreg:$0xd] =	wrdreg s9  }
0xa: {  	s11 =	simm.s32 $0x5100;
	[dreg:$0xe] =	wrdreg s10  }
0xb: {  	s12 =	simm.s32 $0x5900;
	s13 =	simm.s32 $0x6100;
	[dreg:$0xf] =	wrdreg s11  }
0xc: {  	s14 =	simm.s32 $0x6900;
	s15 =	simm.s32 $0x7100;
	[dreg:$0x10] =	wrdreg s12  }
0xd: {  	s16 =	simm.s32 $0x7900;
	s17 =	simm.s32 $0x8100;
	[dreg:$0x11] =	wrdreg s13  }
0xe: {  	s18 =	simm.s32 $0x8900;
	s19 =	simm.s32 $0x9100;
	[dreg:$0x12] =	wrdreg s14  }
0xf: {  	s28 =	simm.s32 $0x14900;
	s29 =	simm.s32 $0x70;
	[dreg:$0x13] =	wrdreg s15  }
0x10: {  	s30 =	simm.s32 $0x15100;
	s3 =	sor.u32 s5, s3;
	[dreg:$0x14] =	wrdreg s16  }
0x11: {  	s31 =	simm.s32 $0x1;
	s4 =	smul.u32 $0xE, s3;
	[dreg:$0x15] =	wrdreg s17  }
0x12: {  	s5 =	ssub.s32 $0x2, s5;
	s6 =	smul.u32 $0x2A00, s3;
	[dreg:$0x16] =	wrdreg s18  }
0x13: {  	s8 =	smul.u32 $0x700, s3;
	s7 =	simm.s32 $0x3100;
	[dreg:$0x17] =	wrdreg s19  }
0x14: {  	s24 =	simm.s32 $0xB100;
	s25 =	simm.s32 $0xB900;
	s26 =	simm.s32 $0xC100  }
0x15: {  	s9 =	simm.s32 $0x80;
	s10 =	simm.s32 $0x100;
	s12 =	simm.s32 $0xD100  }
0x16: {  	s13 =	simm.s32 $0xD900;
	s14 =	simm.s32 $0xE100;
	[dreg:$0xb] =	wrdreg s7  }
0x17: {  	s15 =	simm.s32 $0xE900;
	s16 =	simm.s32 $0xF100;
	[dreg:$0x1b] =	wrdreg s24  }
0x18: {  	s17 =	simm.s32 $0xF900;
	s18 =	simm.s32 $0x10100;
	[dreg:$0x1c] =	wrdreg s25  }
0x19: {  	s19 =	simm.s32 $0x10900;
	[dreg:$0x1d] =	wrdreg s26;
	s24 =	simm.s32 $0x13100  }
0x1a: {  	s25 =	simm.s32 $0x13900;
	s26 =	simm.s32 $0x14100;
	s3 =	sadd.s32 s1, s4  }
0x1b: {  	s20 =	sadd.s32 s6, s1;
	s22 =	sadd.s32 s8, s1;
	s6 =	simm.s32 $0x2900  }
0x1c: {  	s8 =	simm.s32 $0x3900;
	s21 =	sadd.s32 $0xB9C00, s3;
	[dreg:$0xa] =	wrdreg s6  }
0x1d: {  	s4 =	sadd.s32 $0x20800, s20;
	s23 =	sadd.s32 $0xA00, s22;
	[dreg:$0xc] =	wrdreg s8  }
0x1e: {  	s20 =	sshrl.u32 s5, $0x1;
	s22 =	simm.s32 $0xA100;
	[dreg:$0x3] =	wrdreg s21  }
0x1f: {  	s6 =	sadd.s32 $0x11BC00, s1;
	s8 =	simm.s32 $0x3;
	[dreg:$0x4] =	wrdreg s4  }
0x20: {  	[dreg:$0x5] =	wrdreg s23;
	s4 =	sadd.s32 $0x11BA00, s1;
	s21 =	simm.s32 $0x9900  }
0x21: {  	s7 =	ssub.s32 s5, s20;
	s5 =	sadd.s32 $0x11BB00, s1;
	[dreg:$0x19] =	wrdreg s22  }
0x22: {  	v2 =	vlaneseq.u32;
	s23 =	simm.s32 $0xA900;
	s20 =	simm.s32 $0x11100;
	[dreg:$0x18] =	wrdreg s21  }
0x23: {  	vm0 =	vmmov $0xffff;
	v1 =	vshrl.u32 v2, $0x3;
	s22 =	simm.s32 $0x12100;
	s1 =	simm.s32 $0x2;
	[dreg:$0x1a] =	wrdreg s23  }
0x24: {  	v0 =	vand.u32 $0x7, v2;
	v2 =	vor.u32 $0x8, v2;
	v1 =	vmul.u32 $0x8, v1;
	s7 =	smax.u32 s7, $0x1;
	s21 =	simm.s32 $0x11900;
	s23 =	simm.s32 $0x12900  }
.LBB2_1:
0x25: {  	s0 =	rddreg [dreg:$0x3]  }
0x26: {  	[tilespmem:s2], [sflag:$0x3] =	stream.linear.gather [hbm4b:s0+s2], $0x70, $0x38;
	[tilespmem:$0x18900] =	vst v63  }
0x27: {  	_ =	swait.ge [sflag:s8], $0x70  }
0x28: {  	[sflag:s8] =	ssyncset.done $0x0  }
0x29: {  	[sflag:s8] =	ssyncadd.s32 $0xFFFFFF90  }
0x2a: {  	[tilespmem:s9], [sflag:$0x3] =	stream.linear.gather [hbm4b:s3+s2], $0x70, $0x38;
	[tilespmem:$0x18900] =	vst v63  }
0x2b: {  	_ =	swait.ge [sflag:s8], $0x70  }
0x2c: {  	[sflag:s8] =	ssyncset.done $0x0  }
0x2d: {  	[sflag:s8] =	ssyncadd.s32 $0xFFFFFF90  }
0x2e: {  	v3 =	vld [tilespmem:$0x0];
	_ =	sdelay $0x4  }
0x2f: {  	v4 =	vshrl.u32 v3, $0x3  }
0x30: {  	v4 =	vmul.u32 $0x30, v4  }
0x31: {  	v3 =	vand.u32 $0x7, v3  }
0x32: {  	v3 =	vor.u32 v3, v4  }
0x33: {  	v4 =	vperm.xlane v3, v0;
	_ =	sdelay $0x1  }
0x34: {  	v4 =	vadd.s32 v1, v4;
	_ =	sdelay $0x3  }
0x35: {  	v3 =	vperm.xlane v3, v2  }
0x36: {  	[tilespmem:s10], [sflag:$0x1] =	stream.indirect_vreg.gather [hbm4b:s4+s2], $0x80, v4, vm0, $0xb8;
	[tilespmem:$0x18900] =	vst v63  }
0x37: {  	s0 =	rddreg [dreg:$0x6];
	v3 =	vadd.s32 v1, v3  }
0x38: {  	[tilespmem:s0], [sflag:$0x1] =	stream.indirect_vreg.gather [hbm4b:s5+s2], $0x80, v4, vm0, $0xb8;
	[tilespmem:$0x18900] =	vst v63  }
0x39: {  	s11 =	rddreg [dreg:$0x7]  }
0x3a: {  	[tilespmem:s11], [sflag:$0x1] =	stream.indirect_vreg.gather [hbm4b:s6+s2], $0x80, v4, vm0, $0xb8;
	[tilespmem:$0x18900] =	vst v63  }
0x3b: {  	s0 =	rddreg [dreg:$0x8]  }
0x3c: {  	[tilespmem:s0], [sflag:$0x1] =	stream.indirect_vreg.gather [hbm4b:s4+s2], $0x80, v3, vm0, $0xb8;
	[tilespmem:$0x18900] =	vst v63  }
0x3d: {  	s11 =	rddreg [dreg:$0x9]  }
0x3e: {  	[tilespmem:s11], [sflag:$0x1] =	stream.indirect_vreg.gather [hbm4b:s5+s2], $0x80, v3, vm0, $0xb8;
	[tilespmem:$0x18900] =	vst v63  }
0x3f: {  	s0 =	rddreg [dreg:$0xa]  }
0x40: {  	[tilespmem:s0], [sflag:$0x1] =	stream.indirect_vreg.gather [hbm4b:s6+s2], $0x80, v3, vm0, $0xb8;
	[tilespmem:$0x18900] =	vst v63  }
0x41: {  	v3 =	vld [tilespmem:$0x10];
	_ =	sdelay $0x4  }
0x42: {  	v58 =	vshrl.u32 v3, $0x3  }
0x43: {  	v4 =	vmul.u32 $0x30, v58  }
0x44: {  	v3 =	vand.u32 $0x7, v3  }
0x45: {  	v3 =	vor.u32 v3, v4  }
0x46: {  	v4 =	vperm.xlane v3, v0;
	_ =	sdelay $0x1  }
0x47: {  	v4 =	vadd.s32 v1, v4;
	_ =	sdelay $0x3  }
0x48: {  	s0 =	rddreg [dreg:$0xb];
	v3 =	vperm.xlane v3, v2  }
0x49: {  	[tilespmem:s0], [sflag:$0x1] =	stream.indirect_vreg.gather [hbm4b:s4+s2], $0x80, v4, vm0, $0xb8;
	[tilespmem:$0x18900] =	vst v63  }
0x4a: {  	s11 =	rddreg [dreg:$0xc];
	v3 =	vadd.s32 v1, v3  }
0x4b: {  	[tilespmem:s11], [sflag:$0x1] =	stream.indirect_vreg.gather [hbm4b:s5+s2], $0x80, v4, vm0, $0xb8;
	[tilespmem:$0x18900] =	vst v63  }
0x4c: {  	s0 =	rddreg [dreg:$0xd]  }
0x4d: {  	[tilespmem:s0], [sflag:$0x1] =	stream.indirect_vreg.gather [hbm4b:s6+s2], $0x80, v4, vm0, $0xb8;
	[tilespmem:$0x18900] =	vst v63  }
0x4e: {  	s11 =	rddreg [dreg:$0xe]  }
0x4f: {  	[tilespmem:s11], [sflag:$0x1] =	stream.indirect_vreg.gather [hbm4b:s4+s2], $0x80, v3, vm0, $0xb8;
	[tilespmem:$0x18900] =	vst v63  }
0x50: {  	s0 =	rddreg [dreg:$0xf]  }
0x51: {  	[tilespmem:s0], [sflag:$0x1] =	stream.indirect_vreg.gather [hbm4b:s5+s2], $0x80, v3, vm0, $0xb8;
	[tilespmem:$0x18900] =	vst v63  }
0x52: {  	s11 =	rddreg [dreg:$0x10]  }
0x53: {  	[tilespmem:s11], [sflag:$0x1] =	stream.indirect_vreg.gather [hbm4b:s6+s2], $0x80, v3, vm0, $0xb8;
	[tilespmem:$0x18900] =	vst v63  }
0x54: {  	v3 =	vld [tilespmem:$0x20];
	_ =	sdelay $0x4  }
0x55: {  	v59 =	vshrl.u32 v3, $0x3  }
0x56: {  	v4 =	vmul.u32 $0x30, v59  }
0x57: {  	v3 =	vand.u32 $0x7, v3  }
0x58: {  	v3 =	vor.u32 v3, v4  }
0x59: {  	v4 =	vperm.xlane v3, v0;
	_ =	sdelay $0x1  }
0x5a: {  	v4 =	vadd.s32 v1, v4;
	_ =	sdelay $0x3  }
0x5b: {  	s0 =	rddreg [dreg:$0x11];
	v3 =	vperm.xlane v3, v2  }
0x5c: {  	[tilespmem:s0], [sflag:$0x1] =	stream.indirect_vreg.gather [hbm4b:s4+s2], $0x80, v4, vm0, $0xb8;
	[tilespmem:$0x18900] =	vst v63  }
0x5d: {  	s11 =	rddreg [dreg:$0x12];
	v3 =	vadd.s32 v1, v3  }
0x5e: {  	[tilespmem:s11], [sflag:$0x1] =	stream.indirect_vreg.gather [hbm4b:s5+s2], $0x80, v4, vm0, $0xb8;
	[tilespmem:$0x18900] =	vst v63  }
0x5f: {  	s0 =	rddreg [dreg:$0x13]  }
0x60: {  	[tilespmem:s0], [sflag:$0x1] =	stream.indirect_vreg.gather [hbm4b:s6+s2], $0x80, v4, vm0, $0xb8;
	[tilespmem:$0x18900] =	vst v63  }
0x61: {  	s11 =	rddreg [dreg:$0x14]  }
0x62: {  	[tilespmem:s11], [sflag:$0x1] =	stream.indirect_vreg.gather [hbm4b:s4+s2], $0x80, v3, vm0, $0xb8;
	[tilespmem:$0x18900] =	vst v63  }
0x63: {  	s0 =	rddreg [dreg:$0x15]  }
0x64: {  	[tilespmem:s0], [sflag:$0x1] =	stream.indirect_vreg.gather [hbm4b:s5+s2], $0x80, v3, vm0, $0xb8;
	[tilespmem:$0x18900] =	vst v63  }
0x65: {  	s11 =	rddreg [dreg:$0x16]  }
0x66: {  	[tilespmem:s11], [sflag:$0x1] =	stream.indirect_vreg.gather [hbm4b:s6+s2], $0x80, v3, vm0, $0xb8;
	[tilespmem:$0x18900] =	vst v63  }
0x67: {  	v3 =	vld [tilespmem:$0x30];
	_ =	sdelay $0x4  }
0x68: {  	v60 =	vshrl.u32 v3, $0x3  }
0x69: {  	v4 =	vmul.u32 $0x30, v60  }
0x6a: {  	v3 =	vand.u32 $0x7, v3  }
0x6b: {  	v3 =	vor.u32 v3, v4  }
0x6c: {  	v4 =	vperm.xlane v3, v0;
	_ =	sdelay $0x1  }
0x6d: {  	v4 =	vadd.s32 v1, v4;
	_ =	sdelay $0x3  }
0x6e: {  	s0 =	rddreg [dreg:$0x17];
	v3 =	vperm.xlane v3, v2  }
0x6f: {  	[tilespmem:s0], [sflag:$0x1] =	stream.indirect_vreg.gather [hbm4b:s4+s2], $0x80, v4, vm0, $0xb8;
	[tilespmem:$0x18900] =	vst v63  }
0x70: {  	s11 =	rddreg [dreg:$0x18];
	v3 =	vadd.s32 v1, v3  }
0x71: {  	[tilespmem:s11], [sflag:$0x1] =	stream.indirect_vreg.gather [hbm4b:s5+s2], $0x80, v4, vm0, $0xb8;
	[tilespmem:$0x18900] =	vst v63  }
0x72: {  	s0 =	rddreg [dreg:$0x19]  }
0x73: {  	[tilespmem:s0], [sflag:$0x1] =	stream.indirect_vreg.gather [hbm4b:s6+s2], $0x80, v4, vm0, $0xb8;
	[tilespmem:$0x18900] =	vst v63  }
0x74: {  	s11 =	rddreg [dreg:$0x1a]  }
0x75: {  	[tilespmem:s11], [sflag:$0x1] =	stream.indirect_vreg.gather [hbm4b:s4+s2], $0x80, v3, vm0, $0xb8;
	[tilespmem:$0x18900] =	vst v63  }
0x76: {  	s0 =	rddreg [dreg:$0x1b]  }
0x77: {  	[tilespmem:s0], [sflag:$0x1] =	stream.indirect_vreg.gather [hbm4b:s5+s2], $0x80, v3, vm0, $0xb8;
	[tilespmem:$0x18900] =	vst v63  }
0x78: {  	s11 =	rddreg [dreg:$0x1c]  }
0x79: {  	[tilespmem:s11], [sflag:$0x1] =	stream.indirect_vreg.gather [hbm4b:s6+s2], $0x80, v3, vm0, $0xb8;
	[tilespmem:$0x18900] =	vst v63  }
0x7a: {  	v3 =	vld [tilespmem:$0x40];
	_ =	sdelay $0x4  }
0x7b: {  	v61 =	vshrl.u32 v3, $0x3  }
0x7c: {  	v4 =	vmul.u32 $0x30, v61  }
0x7d: {  	v3 =	vand.u32 $0x7, v3  }
0x7e: {  	v3 =	vor.u32 v3, v4  }
0x7f: {  	v4 =	vperm.xlane v3, v0;
	_ =	sdelay $0x1  }
0x80: {  	v4 =	vadd.s32 v1, v4;
	_ =	sdelay $0x3  }
0x81: {  	s11 =	rddreg [dreg:$0x1d];
	v3 =	vperm.xlane v3, v2  }
0x82: {  	[tilespmem:s11], [sflag:$0x1] =	stream.indirect_vreg.gather [hbm4b:s4+s2], $0x80, v4, vm0, $0xb8;
	[tilespmem:$0x18900] =	vst v63  }
0x83: {  	v3 =	vadd.s32 v1, v3;
	s11 =	simm.s32 $0xC900  }
0x84: {  	[tilespmem:s11], [sflag:$0x1] =	stream.indirect_vreg.gather [hbm4b:s5+s2], $0x80, v4, vm0, $0xb8;
	[tilespmem:$0x18900] =	vst v63  }
0x85: {  	_ = 	snop  }
0x86: {  	[tilespmem:s12], [sflag:$0x1] =	stream.indirect_vreg.gather [hbm4b:s6+s2], $0x80, v4, vm0, $0xb8;
	[tilespmem:$0x18900] =	vst v63  }
0x87: {  	_ = 	snop  }
0x88: {  	[tilespmem:s13], [sflag:$0x1] =	stream.indirect_vreg.gather [hbm4b:s4+s2], $0x80, v3, vm0, $0xb8;
	[tilespmem:$0x18900] =	vst v63  }
0x89: {  	_ = 	snop  }
0x8a: {  	[tilespmem:s14], [sflag:$0x1] =	stream.indirect_vreg.gather [hbm4b:s5+s2], $0x80, v3, vm0, $0xb8;
	[tilespmem:$0x18900] =	vst v63  }
0x8b: {  	_ = 	snop  }
0x8c: {  	[tilespmem:s15], [sflag:$0x1] =	stream.indirect_vreg.gather [hbm4b:s6+s2], $0x80, v3, vm0, $0xb8;
	[tilespmem:$0x18900] =	vst v63  }
0x8d: {  	v3 =	vld [tilespmem:$0x50];
	_ =	sdelay $0x4  }
0x8e: {  	v62 =	vshrl.u32 v3, $0x3  }
0x8f: {  	v4 =	vmul.u32 $0x30, v62  }
0x90: {  	v3 =	vand.u32 $0x7, v3  }
0x91: {  	v3 =	vor.u32 v3, v4  }
0x92: {  	v4 =	vperm.xlane v3, v0;
	_ =	sdelay $0x1  }
0x93: {  	v4 =	vadd.s32 v1, v4;
	_ =	sdelay $0x3  }
0x94: {  	v3 =	vperm.xlane v3, v2  }
0x95: {  	[tilespmem:s16], [sflag:$0x1] =	stream.indirect_vreg.gather [hbm4b:s4+s2], $0x80, v4, vm0, $0xb8;
	[tilespmem:$0x18900] =	vst v63  }
0x96: {  	v3 =	vadd.s32 v1, v3  }
0x97: {  	[tilespmem:s17], [sflag:$0x1] =	stream.indirect_vreg.gather [hbm4b:s5+s2], $0x80, v4, vm0, $0xb8;
	[tilespmem:$0x18900] =	vst v63  }
0x98: {  	_ = 	snop  }
0x99: {  	[tilespmem:s18], [sflag:$0x1] =	stream.indirect_vreg.gather [hbm4b:s6+s2], $0x80, v4, vm0, $0xb8;
	[tilespmem:$0x18900] =	vst v63  }
0x9a: {  	_ = 	snop  }
0x9b: {  	[tilespmem:s19], [sflag:$0x1] =	stream.indirect_vreg.gather [hbm4b:s4+s2], $0x80, v3, vm0, $0xb8;
	[tilespmem:$0x18900] =	vst v63  }
0x9c: {  	_ = 	snop  }
0x9d: {  	[tilespmem:s20], [sflag:$0x1] =	stream.indirect_vreg.gather [hbm4b:s5+s2], $0x80, v3, vm0, $0xb8;
	[tilespmem:$0x18900] =	vst v63  }
0x9e: {  	_ = 	snop  }
0x9f: {  	[tilespmem:s21], [sflag:$0x1] =	stream.indirect_vreg.gather [hbm4b:s6+s2], $0x80, v3, vm0, $0xb8;
	[tilespmem:$0x18900] =	vst v63  }
0xa0: {  	v3 =	vld [tilespmem:$0x60];
	_ =	sdelay $0x4  }
0xa1: {  	v63 =	vshrl.u32 v3, $0x3  }
0xa2: {  	v4 =	vmul.u32 $0x30, v63  }
0xa3: {  	v3 =	vand.u32 $0x7, v3  }
0xa4: {  	v3 =	vor.u32 v3, v4  }
0xa5: {  	v4 =	vperm.xlane v3, v0;
	_ =	sdelay $0x1  }
0xa6: {  	v4 =	vadd.s32 v1, v4;
	_ =	sdelay $0x3  }
0xa7: {  	v3 =	vperm.xlane v3, v2  }
0xa8: {  	[tilespmem:s22], [sflag:$0x1] =	stream.indirect_vreg.gather [hbm4b:s4+s2], $0x80, v4, vm0, $0xb8;
	[tilespmem:$0x18900] =	vst v63  }
0xa9: {  	v3 =	vadd.s32 v1, v3  }
0xaa: {  	[tilespmem:s23], [sflag:$0x1] =	stream.indirect_vreg.gather [hbm4b:s5+s2], $0x80, v4, vm0, $0xb8;
	[tilespmem:$0x18900] =	vst v63  }
0xab: {  	_ = 	snop  }
0xac: {  	[tilespmem:s24], [sflag:$0x1] =	stream.indirect_vreg.gather [hbm4b:s6+s2], $0x80, v4, vm0, $0xb8;
	[tilespmem:$0x18900] =	vst v63  }
0xad: {  	_ = 	snop  }
0xae: {  	[tilespmem:s25], [sflag:$0x1] =	stream.indirect_vreg.gather [hbm4b:s4+s2], $0x80, v3, vm0, $0xb8;
	[tilespmem:$0x18900] =	vst v63  }
0xaf: {  	_ = 	snop  }
0xb0: {  	[tilespmem:s26], [sflag:$0x1] =	stream.indirect_vreg.gather [hbm4b:s5+s2], $0x80, v3, vm0, $0xb8;
	[tilespmem:$0x18900] =	vst v63  }
0xb1: {  	_ = 	snop  }
0xb2: {  	[tilespmem:s28], [sflag:$0x1] =	stream.indirect_vreg.gather [hbm4b:s6+s2], $0x80, v3, vm0, $0xb8;
	[tilespmem:$0x18900] =	vst v63  }
0xb3: {  	s11 =	rddreg [dreg:$0x2]  }
0xb4: {  	[tilespmem:s30], [sflag:$0x2] =	stream.indirect.gather [hbm4b:s11+s29], $0x80, s9, s29, $0xb8;
	[tilespmem:$0x18900] =	vst v63  }
0xb5: {  	_ =	swait.ge [sflag:s31], $0x15000  }
0xb6: {  	[sflag:s31] =	ssyncset.done $0x0  }
0xb7: {  	[sflag:s31] =	ssyncadd.s32 $0xFFFEB000  }
0xb8: {  	_ =	swait.ge [sflag:s1], $0x3800  }
0xb9: {  	[sflag:s1] =	ssyncset.done $0x0  }
0xba: {  	s11 =	rddreg [dreg:$0x4];
	[sflag:s1] =	ssyncadd.s32 $0xFFFFC800  }
0xbb: {  	[hbm4b:s11+s2] =	stream.linear.scatter [tilespmem:s10], [sflag:$0x3], $0x15000, $0x38;
	[tilespmem:$0x18900] =	vst v63  }
0xbc: {  	_ =	swait.ge [sflag:s8], $0x15000  }
0xbd: {  	p0 =	sne.s32 s7, $0x1;
	[sflag:s8] =	ssyncset.done $0x0  }
.Ltmp0:
0xbe: {  	s11 =	rddreg [dreg:$0x5];
	[sflag:s8] =	ssyncadd.s32 $0xFFFEB000;
	(pc) =	sbr.rel @p0 .LBB2_1-.Ltmp0, $4  }
0xbf: {  	[hbm4b:s11+s2] =	stream.linear.scatter [tilespmem:s30], [sflag:$0x3], $0x3800, $0x38;
	[tilespmem:$0x18900] =	vst v63  }
0xc0: {  	_ =	swait.ge [sflag:s8], $0x3800  }
0xc1: {  	[sflag:s8] =	ssyncset.done $0x0  }
0xc2: {  	s7 =	sadd.s32 $0xFFFFFFFF, s7;
	[sflag:s8] =	ssyncadd.s32 $0xFFFFC800  }
0xc3: {  	_ =	sfence.sel $0x180000  }
0xc4: {  	[bflag:$0x0] =	sbarrier.arrive $0xFFFF  }
0xc5: {  	_ =	strace $0x9000004D  }
0xc6: {  	s0 =	stileid.u32;
	[bflag:$0x2] =	sbarrier.arrive $0xFFFF  }
0xc7: {  	p0 =	sne.s32 s0, $0x0;
	s0 =	rddreg [dreg:$0x1]  }
0xc8: {  	s0 =	sadd.s32 @!p0 $0x100000, s0  }
0xc9: {  	[sflag:s0] =	ssyncadd.tile.s32 @!p0 $0x1;
	_ =	shalt  }
.Lfunc_end2:
_tile_overlayer_lowered:
.L_overlay_start_2:
0xca: {  	(tag) =	ssettag $0x2  }
0xcb: {  	s0 =	rddreg [dreg:$0x0];
	s2 =	stileid.u32  }
0xcc: {  	s1 =	rddreg [dreg:$0x1];
	p0 =	sne.s32 s2, $0x0  }
0xcd: {  	s3 =	rddreg [dreg:$0x2];
	[bflag:$0x3] =	sbarrier.arrive $0xFFFF;
	s2 =	simm.s32 @!p0 $0x1C03  }
0xce: {  	[timem:s3], [sflag:s2] =	dma.local @!p0 [hbm:s0], s1  }
0xcf: {  	s0 =	simm.s32 @!p0 $0x3  }
0xd0: {  	_ =	swait.ge @!p0 [sflag:s0], s1  }
0xd1: {  	s1 =	ssub.s32 @!p0 $0x0, s1;
	[sflag:s0] =	ssyncset.done @!p0 $0x0  }
0xd2: {  	[sflag:s0] =	ssyncadd.s32 @!p0 s1  }
0xd3: {  	[bflag:$0x3] =	sbarrier.arrive $0xFFFF  }
0xd4: {  	_ =	shalt  }

// kernel: kernel.22.cloned.1.call-start
scs
__scs_entry_jumppad:
0x0: {  	(pc) =	sbr.rel $0x88, $3  }
0x1: {  	(tag) =	ssettag $0x0;
	lr =	simm.s32 $0x1  }
0x2: {  	[smem:$0x3F96] =	sst lr;
	_ =	strace $0xD0000000  }
0x3: {  	_ = 	snop  }
0x4: {  	_ = 	snop  }
0x5: {  	_ = 	snop  }
0x6: {  	_ = 	snop  }
0x7: {  	_ = 	snop  }
__scs_overlays_trampoline_lowered:
0x8: {  	[smem:$0x3FA5] =	sst s0  }
0x9: {  	[smem:$0x3FA6] =	sst s1  }
0xa: {  	[smem:$0x3FA7] =	sst s2  }
0xb: {  	[smem:$0x3FA8] =	sst s3  }
0xc: {  	[smem:$0x3FA9] =	sst s4  }
0xd: {  	[smem:$0x3FAA] =	sst s5  }
0xe: {  	[smem:$0x3FAB] =	sst s6  }
0xf: {  	[smem:$0x3FAC] =	sst s7  }
0x10: {  	[smem:$0x3FAD] =	sst s8  }
0x11: {  	[smem:$0x3FAE] =	sst s9;
	s0 =	simm.s32 @!p0 $0x0  }
0x12: {  	s1 =	sld [smem:$0x3F94];
	s0 =	simm.s32 @p0 $0x1  }
0x13: {  	[smem:$0x3FAF] =	sst s0;
	s0 =	simm.s32 @!p1 $0x0  }
0x14: {  	s2 =	sld [smem:$0x3F93];
	s0 =	simm.s32 @p1 $0x1  }
0x15: {  	[smem:$0x3FB0] =	sst s0;
	s0 =	simm.s32 @!p2 $0x0  }
0x16: {  	s3 =	sld [smem:$0x3FDB];
	s0 =	simm.s32 @p2 $0x1  }
0x17: {  	s4 =	simm.s32 $0x1BF5;
	[smem:$0x3FB2] =	sst s0  }
0x18: {  	s0 =	sld [smem:$0x3F95];
	_ =	swait.ge [sflag:s4], $0x0  }
0x19: {  	s7 =	sld [smem:$0x3F96]  }
0x1a: {  	s8 =	sadd.s32 $0xFFFFE003, lr  }
0x1b: {  	s9 =	sadd.s32 $0xFFFFFEF7, lr;
	s5 =	simm.s32 $0xFFFFFFFF;
	p2 =	slt.u32 s8, $0xFFFFF086  }
0x1c: {  	p1 =	slt.u32 s9, $0xF7A;
	s5 =	simm.s32 @!p2 $0x0  }
0x1d: {  	s5 =	simm.s32 @p1 $0x1;
	p0 =	seq.s32 s7, s2  }
0x1e: {  	s7 =	smul.u32 @!p0 $0xF7A, s2;
	p2 =	seq.s32 @!p0 s5, $0x0  }
0x1f: {  	s9 =	smul.u32 $0xF7A, s1;
	s8 =	simm.s32 @!p0 $0x1BF5;
	p2 =	por !p2, p0  }
0x20: {  	[sflag:s8] =	ssyncset.s32 @!p0 $0xFFFFF086;
	s6 =	sadd.s32 @!p0 s3, s7;
	s7 =	simm.s32 @!p0 $0x108  }
0x21: {  	s3 =	sadd.s32 s3, s9;
	s6 =	sadd.s32 @!p0 $0x88, s6;
	s7 =	simm.s32 @p2 $0x1082  }
0x22: {  	[simem:s7], [sflag:s8] =	dma.local @!p0 [hbm:s6], $0xF7A  }
0x23: {  	s9 =	sor.u32 $0xD0000000, s2;
	s6 =	simm.s32 $0x108;
	_ =	swait.ge @!p0 [sflag:s8], $0x0  }
0x24: {  	s3 =	sadd.s32 $0x88, s3;
	s6 =	simm.s32 @!p1 $0x1082;
	[sflag:s4] =	ssyncset.s32 $0xFFFFF086  }
0x25: {  	[simem:s6], [sflag:s4] =	dma.local [hbm:s3], $0xF7A  }
0x26: {  	[smem:$0x3F96] =	sst s1;
	(tag) =	ssettag s2;
	_ =	strace s9  }
0x27: {  	s1 =	sld [smem:$0x3FA6]  }
0x28: {  	s2 =	sld [smem:$0x3FA7]  }
0x29: {  	s4 =	sld [smem:$0x3FA9]  }
0x2a: {  	p0 =	seq.s32 s5, $0x0;
	s5 =	sld [smem:$0x3FAA]  }
0x2b: {  	s6 =	sld [smem:$0x3FAB]  }
0x2c: {  	s7 =	sld [smem:$0x3FAC]  }
0x2d: {  	s3 =	simm.s32 $0x108;
	s8 =	sld [smem:$0x3FAD]  }
0x2e: {  	s3 =	simm.s32 @!p0 $0x1082;
	s9 =	sld [smem:$0x3FAE]  }
0x2f: {  	lr =	sadd.s32 s0, s3;
	s0 =	sld [smem:$0x3FA5]  }
0x30: {  	s3 =	sld [smem:$0x3FA8]  }
0x31: {  	[smem:$0x3FB1] =	sst s10  }
0x32: {  	s10 =	sld [smem:$0x3FAF];
	_ =	sdelay $0x3  }
0x33: {  	p0 =	seq.s32 s10, $0x1;
	s10 =	sld [smem:$0x3FB1];
	_ =	sdelay $0x3  }
0x34: {  	[smem:$0x3FB1] =	sst s10  }
0x35: {  	s10 =	sld [smem:$0x3FB0];
	_ =	sdelay $0x3  }
0x36: {  	p1 =	seq.s32 s10, $0x1;
	s10 =	sld [smem:$0x3FB1];
	_ =	sdelay $0x3  }
0x37: {  	[smem:$0x3FB1] =	sst s10  }
0x38: {  	s10 =	sld [smem:$0x3FB2]  }
0x39: {  	_ = 	snop;
	(pc) =	sbr.ind lr, $3  }
0x3a: {  	_ = 	snop  }
0x3b: {  	_ = 	snop  }
0x3c: {  	p2 =	seq.s32 s10, $0x1;
	s10 =	sld [smem:$0x3FB1]  }
0x3d: {  	_ =	shalt  }
0x3e: {  	_ =	shalt  }
0x3f: {  	_ =	shalt  }
0x40: {  	_ =	shalt  }
0x41: {  	_ =	shalt  }
0x42: {  	_ =	shalt  }
0x43: {  	_ =	shalt  }
0x44: {  	_ =	shalt  }
0x45: {  	_ =	shalt  }
0x46: {  	_ =	shalt  }
0x47: {  	_ =	shalt  }
0x48: {  	_ =	shalt  }
0x49: {  	_ =	shalt  }
0x4a: {  	_ =	shalt  }
0x4b: {  	_ =	shalt  }
0x4c: {  	_ =	shalt  }
0x4d: {  	_ =	shalt  }
0x4e: {  	_ =	shalt  }
0x4f: {  	_ =	shalt  }
0x50: {  	_ =	shalt  }
0x51: {  	_ =	shalt  }
0x52: {  	_ =	shalt  }
0x53: {  	_ =	shalt  }
0x54: {  	_ =	shalt  }
0x55: {  	_ =	shalt  }
0x56: {  	_ =	shalt  }
0x57: {  	_ =	shalt  }
0x58: {  	_ =	shalt  }
0x59: {  	_ =	shalt  }
0x5a: {  	_ =	shalt  }
0x5b: {  	_ =	shalt  }
0x5c: {  	_ =	shalt  }
0x5d: {  	_ =	shalt  }
0x5e: {  	_ =	shalt  }
0x5f: {  	_ =	shalt  }
0x60: {  	_ =	shalt  }
0x61: {  	_ =	shalt  }
0x62: {  	_ =	shalt  }
0x63: {  	_ =	shalt  }
0x64: {  	_ =	shalt  }
0x65: {  	_ =	shalt  }
0x66: {  	_ =	shalt  }
0x67: {  	_ =	shalt  }
0x68: {  	_ =	shalt  }
0x69: {  	_ =	shalt  }
0x6a: {  	_ =	shalt  }
0x6b: {  	_ =	shalt  }
0x6c: {  	_ =	shalt  }
0x6d: {  	_ =	shalt  }
0x6e: {  	_ =	shalt  }
0x6f: {  	_ =	shalt  }
0x70: {  	_ =	shalt  }
0x71: {  	_ =	shalt  }
0x72: {  	_ =	shalt  }
0x73: {  	_ =	shalt  }
0x74: {  	_ =	shalt  }
0x75: {  	_ =	shalt  }
0x76: {  	_ =	shalt  }
0x77: {  	_ =	shalt  }
0x78: {  	_ =	shalt  }
0x79: {  	_ =	shalt  }
0x7a: {  	_ =	shalt  }
0x7b: {  	_ =	shalt  }
0x7c: {  	_ =	shalt  }
0x7d: {  	_ =	shalt  }
0x7e: {  	_ =	shalt  }
0x7f: {  	_ =	shalt  }
0x80: {  	_ =	shalt  }
0x81: {  	_ =	shalt  }
0x82: {  	_ =	shalt  }
0x83: {  	_ =	shalt  }
0x84: {  	_ =	shalt  }
0x85: {  	_ =	shalt  }
0x86: {  	_ =	shalt  }
0x87: {  	_ =	shalt  }
.Lfunc_end0:
.L_simem_size_0:
called_computation.3_lowered:
.L_overlay_start_0:
0x88: {  	s2 =	sld [smem:$0x3FD9]  }
0x89: {  	s3 =	sld [smem:$0x3FFE];
	_ =	sdelay $0x1  }
0x8a: {  	s1 =	srdreg.scid  }
0x8b: {  	s0 =	sand.u32 $0x1, s1  }
0x8c: {  	s16 =	sshll.u32 s0, $0xA;
	s2 =	sadd.s32 s3, s2  }
0x8d: {  	s2 =	sadd.s32 s2, s16  }
0x8e: {  	[smem:$0x3FBD] =	sst s2  }
0x8f: {  	_ = 	snop  }
0x90: {  	(tm) =	ssettm $0x1  }
0x91: {  	s17 =	sld [smem:$0x3FFB];
	_ =	sdelay $0x3  }
0x92: {  	_ =	strace s17  }
0x93: {  	s2 =	sld [smem:$0x3FFC];
	_ =	sdelay $0x3  }
0x94: {  	_ =	strace s2  }
0x95: {  	s2 =	sld [smem:$0x3FFD];
	_ =	sdelay $0x3  }
0x96: {  	_ =	strace s2  }
0x97: {  	_ =	strace $0x8FFFFFFF  }
0x98: {  	s18 =	sld [smem:$0x3FDB];
	_ =	sdelay $0x1  }
0x99: {  	s19 =	simm.s32 $_scs_section_size  }
0x9a: {  	s4 =	simm.s32 $_size__tile_overlayer_lowered;
	s5 =	simm.s32 $_tile_overlayer_lowered  }
0x9b: {  	s22 =	simm.s32 $0x1BFF;
	s21 =	sshll.u32 s5, $0x1;
	s2 =	sadd.s32 s19, s18  }
0x9c: {  	s6 =	simm.s32 $0x0;
	s20 =	sshll.u32 s4, $0x1;
	s4 =	sadd.s32 s21, s2  }
0x9d: {  	[timem:s6], [sflag:s22] =	dma.local [hbm:s4], s20  }
0x9e: {  	_ =	swait.ge [sflag:s22], s20  }
0x9f: {  	s3 =	ssub.s32 $0x0, s20;
	[sflag:s22] =	ssyncset.done $0x0  }
0xa0: {  	[sflag:s22] =	ssyncadd.s32 s3;
	_ =	sdelay $0x1  }
0xa1: {  	s23 =	simm.s32 $0x1B8B  }
0xa2: {  	_ =	swait.ge [sflag:s23], $0x1  }
0xa3: {  	[sflag:s23] =	ssyncset.done $0x0  }
0xa4: {  	s25 =	simm.s32 $0x1B8E;
	s24 =	sld [smem:$0x3FFE];
	[sflag:s23] =	ssyncadd.s32 $0xFFFFFFFF  }
0xa5: {  	s26 =	simm.s32 $execute0_lowered;
	[smem:$0x3FD2] =	sst s25  }
0xa6: {  	s4 =	sshll.u32 s26, $0x1;
	_ =	strace $0x8000004F;
	[dreg:$0x1] =	wrdreg $0xFFFFFFFF  }
0xa7: {  	s28 =	simm.s32 $_size_execute0_lowered;
	s2 =	sadd.s32 s2, s4;
	[dreg:$0x0] =	wrdreg $0x0  }
0xa8: {  	s4 =	sshll.u32 s28, $0x1;
	[dreg:$0x2] =	wrdreg s2  }
0xa9: {  	[dreg:$0x3] =	wrdreg s4  }
0xaa: {  	[dreg:$0x4] =	wrdreg $0xC0  }
0xab: {  	_ =	task [dreg:s6], $0x5FFFF  }
0xac: {  	[dreg:$0x1] =	wrdreg $0xFFFFFFFF  }
0xad: {  	[dreg:$0x0] =	wrdreg $0x60  }
0xae: {  	[dreg:$0x2] =	wrdreg s24  }
0xaf: {  	[dreg:$0x3] =	wrdreg $0x9  }
0xb0: {  	_ =	task.clear_ibuf [dreg:s6], $0x4FFFF;
	_ =	strace $0x9000004F  }
0xb1: {  	s29 =	simm.s32 $0x9;
	_ =	strace $0x80000051  }
0xb2: {  	_ =	swait.ge [sflag:s29], $0x1  }
0xb3: {  	[sflag:s29] =	ssyncadd.s32 $0xFFFFFFFF  }
0xb4: {  	_ =	strace $0x90000051  }
0xb5: {  	_ =	sfence  }
0xb6: {  	s30 =	sld [smem:$0x0];
	_ =	sdelay $0x2  }
0xb7: {  	s31 =	sshll.u32 s1, $0xD;
	s1 =	sshrl.u32 s1, $0x2  }
0xb8: {  	s3 =	sand.u32 $0x4000, s31;
	s1 =	sadd.s32 s1, s30  }
0xb9: {  	s0 =	sor.u32 s3, s0;
	s1 =	sshll.u32 s1, $0x11  }
0xba: {  	s0 =	sor.u32 s1, s0  }
0xbb: {  	s0 =	sadd.s32 $0x8F2B, s0  }
0xbc: {  	[sflag:s0] =	ssyncadd.remote.s32 $0x1  }
0xbd: {  	_ =	sfence.sel $0xFFFF  }
0xbe: {  	[dreg:$0x0] =	wrdreg $0xFFFFFFFF;
	(pc) =	sbr.abs _section_cstart, $3  }
0xbf: {  	[dreg:$0x1] =	wrdreg $0xFFFFFFFF  }
0xc0: {  	_ =	task.clear_ibuf [dreg:s6], $0x2FFFF;
	_ =	strace $0x9FFFFFFF  }
0xc1: {  	(tm) =	ssettm $0x7FFFFFFF  }
tec
execute0_lowered:
.L_overlay_start_1:
0x0: {  	(tag) =	ssettag $0x1  }
0x1: {  	s2 =	srdreg.scid  }
0x2: {  	s1 =	rddreg [dreg:$0x0];
	s5 =	sand.u32 $0x1, s2;
	s2 =	simm.s32 $0x0  }
0x3: {  	s7 =	sadd.s32 $0x18800, s1;
	[smem:$0x7FF] =	sst s2  }
0x4: {  	s24 =	simm.s32 $0x900;
	_ =	strace $0x80000050;
	[dreg:$0x2] =	wrdreg s7  }
0x5: {  	s25 =	simm.s32 $0x1100;
	[dreg:$0x6] =	wrdreg s24  }
0x6: {  	s0 =	stileid.u32;
	s26 =	simm.s32 $0x1900;
	[dreg:$0x7] =	wrdreg s25  }
0x7: {  	s3 =	sshll.u32 s0, $0x1;
	s0 =	simm.s32 $0x2100;
	[dreg:$0x8] =	wrdreg s26  }
0x8: {  	s9 =	simm.s32 $0x4100;
	[dreg:$0x9] =	wrdreg s0  }
0x9: {  	s10 =	simm.s32 $0x4900;
	[dreg:$0xd] =	wrdreg s9  }
0xa: {  	s11 =	simm.s32 $0x5100;
	[dreg:$0xe] =	wrdreg s10  }
0xb: {  	s12 =	simm.s32 $0x5900;
	s13 =	simm.s32 $0x6100;
	[dreg:$0xf] =	wrdreg s11  }
0xc: {  	s14 =	simm.s32 $0x6900;
	s15 =	simm.s32 $0x7100;
	[dreg:$0x10] =	wrdreg s12  }
0xd: {  	s16 =	simm.s32 $0x7900;
	s17 =	simm.s32 $0x8100;
	[dreg:$0x11] =	wrdreg s13  }
0xe: {  	s18 =	simm.s32 $0x8900;
	s19 =	simm.s32 $0x9100;
	[dreg:$0x12] =	wrdreg s14  }
0xf: {  	s28 =	simm.s32 $0x14900;
	s29 =	simm.s32 $0x70;
	[dreg:$0x13] =	wrdreg s15  }
0x10: {  	s30 =	simm.s32 $0x15100;
	s3 =	sor.u32 s5, s3;
	[dreg:$0x14] =	wrdreg s16  }
0x11: {  	s31 =	simm.s32 $0x1;
	s4 =	smul.u32 $0xE, s3;
	[dreg:$0x15] =	wrdreg s17  }
0x12: {  	s5 =	ssub.s32 $0x2, s5;
	s6 =	smul.u32 $0x2A00, s3;
	[dreg:$0x16] =	wrdreg s18  }
0x13: {  	s8 =	smul.u32 $0x700, s3;
	s7 =	simm.s32 $0x3100;
	[dreg:$0x17] =	wrdreg s19  }
0x14: {  	s24 =	simm.s32 $0xB100;
	s25 =	simm.s32 $0xB900;
	s26 =	simm.s32 $0xC100  }
0x15: {  	s9 =	simm.s32 $0x80;
	s10 =	simm.s32 $0x100;
	s12 =	simm.s32 $0xD100  }
0x16: {  	s13 =	simm.s32 $0xD900;
	s14 =	simm.s32 $0xE100;
	[dreg:$0xb] =	wrdreg s7  }
0x17: {  	s15 =	simm.s32 $0xE900;
	s16 =	simm.s32 $0xF100;
	[dreg:$0x1b] =	wrdreg s24  }
0x18: {  	s17 =	simm.s32 $0xF900;
	s18 =	simm.s32 $0x10100;
	[dreg:$0x1c] =	wrdreg s25  }
0x19: {  	s19 =	simm.s32 $0x10900;
	[dreg:$0x1d] =	wrdreg s26;
	s24 =	simm.s32 $0x13100  }
0x1a: {  	s25 =	simm.s32 $0x13900;
	s26 =	simm.s32 $0x14100;
	s3 =	sadd.s32 s1, s4  }
0x1b: {  	s20 =	sadd.s32 s6, s1;
	s22 =	sadd.s32 s8, s1;
	s6 =	simm.s32 $0x2900  }
0x1c: {  	s8 =	simm.s32 $0x3900;
	s21 =	sadd.s32 $0x200, s3;
	[dreg:$0xa] =	wrdreg s6  }
0x1d: {  	s4 =	sadd.s32 $0x20800, s20;
	s23 =	sadd.s32 $0xA00, s22;
	[dreg:$0xc] =	wrdreg s8  }
0x1e: {  	s20 =	sshrl.u32 s5, $0x1;
	s22 =	simm.s32 $0xA100;
	[dreg:$0x3] =	wrdreg s21  }
0x1f: {  	s6 =	sadd.s32 $0x16FC00, s1;
	s8 =	simm.s32 $0x3;
	[dreg:$0x4] =	wrdreg s4  }
0x20: {  	[dreg:$0x5] =	wrdreg s23;
	s4 =	sadd.s32 $0x16FA00, s1;
	s21 =	simm.s32 $0x9900  }
0x21: {  	s7 =	ssub.s32 s5, s20;
	s5 =	sadd.s32 $0x16FB00, s1;
	[dreg:$0x19] =	wrdreg s22  }
0x22: {  	v2 =	vlaneseq.u32;
	s23 =	simm.s32 $0xA900;
	s20 =	simm.s32 $0x11100;
	[dreg:$0x18] =	wrdreg s21  }
0x23: {  	vm0 =	vmmov $0xffff;
	v1 =	vshrl.u32 v2, $0x3;
	s22 =	simm.s32 $0x12100;
	s1 =	simm.s32 $0x2;
	[dreg:$0x1a] =	wrdreg s23  }
0x24: {  	v0 =	vand.u32 $0x7, v2;
	v2 =	vor.u32 $0x8, v2;
	v1 =	vmul.u32 $0x8, v1;
	s7 =	smax.u32 s7, $0x1;
	s21 =	simm.s32 $0x11900;
	s23 =	simm.s32 $0x12900  }
.LBB2_1:
0x25: {  	s0 =	rddreg [dreg:$0x3]  }
0x26: {  	[tilespmem:s2], [sflag:$0x3] =	stream.linear.gather [hbm4b:s0+s2], $0x70, $0x38;
	[tilespmem:$0x18900] =	vst v63  }
0x27: {  	_ =	swait.ge [sflag:s8], $0x70  }
0x28: {  	[sflag:s8] =	ssyncset.done $0x0  }
0x29: {  	[sflag:s8] =	ssyncadd.s32 $0xFFFFFF90  }
0x2a: {  	[tilespmem:s9], [sflag:$0x3] =	stream.linear.gather [hbm4b:s3+s2], $0x70, $0x38;
	[tilespmem:$0x18900] =	vst v63  }
0x2b: {  	_ =	swait.ge [sflag:s8], $0x70  }
0x2c: {  	[sflag:s8] =	ssyncset.done $0x0  }
0x2d: {  	[sflag:s8] =	ssyncadd.s32 $0xFFFFFF90  }
0x2e: {  	v3 =	vld [tilespmem:$0x0];
	_ =	sdelay $0x4  }
0x2f: {  	v4 =	vshrl.u32 v3, $0x3  }
0x30: {  	v4 =	vmul.u32 $0x30, v4  }
0x31: {  	v3 =	vand.u32 $0x7, v3  }
0x32: {  	v3 =	vor.u32 v3, v4  }
0x33: {  	v4 =	vperm.xlane v3, v0;
	_ =	sdelay $0x1  }
0x34: {  	v4 =	vadd.s32 v1, v4;
	_ =	sdelay $0x3  }
0x35: {  	v3 =	vperm.xlane v3, v2  }
0x36: {  	[tilespmem:s10], [sflag:$0x1] =	stream.indirect_vreg.gather [hbm4b:s4+s2], $0x80, v4, vm0, $0xb8;
	[tilespmem:$0x18900] =	vst v63  }
0x37: {  	s0 =	rddreg [dreg:$0x6];
	v3 =	vadd.s32 v1, v3  }
0x38: {  	[tilespmem:s0], [sflag:$0x1] =	stream.indirect_vreg.gather [hbm4b:s5+s2], $0x80, v4, vm0, $0xb8;
	[tilespmem:$0x18900] =	vst v63  }
0x39: {  	s11 =	rddreg [dreg:$0x7]  }
0x3a: {  	[tilespmem:s11], [sflag:$0x1] =	stream.indirect_vreg.gather [hbm4b:s6+s2], $0x80, v4, vm0, $0xb8;
	[tilespmem:$0x18900] =	vst v63  }
0x3b: {  	s0 =	rddreg [dreg:$0x8]  }
0x3c: {  	[tilespmem:s0], [sflag:$0x1] =	stream.indirect_vreg.gather [hbm4b:s4+s2], $0x80, v3, vm0, $0xb8;
	[tilespmem:$0x18900] =	vst v63  }
0x3d: {  	s11 =	rddreg [dreg:$0x9]  }
0x3e: {  	[tilespmem:s11], [sflag:$0x1] =	stream.indirect_vreg.gather [hbm4b:s5+s2], $0x80, v3, vm0, $0xb8;
	[tilespmem:$0x18900] =	vst v63  }
0x3f: {  	s0 =	rddreg [dreg:$0xa]  }
0x40: {  	[tilespmem:s0], [sflag:$0x1] =	stream.indirect_vreg.gather [hbm4b:s6+s2], $0x80, v3, vm0, $0xb8;
	[tilespmem:$0x18900] =	vst v63  }
0x41: {  	v3 =	vld [tilespmem:$0x10];
	_ =	sdelay $0x4  }
0x42: {  	v58 =	vshrl.u32 v3, $0x3  }
0x43: {  	v4 =	vmul.u32 $0x30, v58  }
0x44: {  	v3 =	vand.u32 $0x7, v3  }
0x45: {  	v3 =	vor.u32 v3, v4  }
0x46: {  	v4 =	vperm.xlane v3, v0;
	_ =	sdelay $0x1  }
0x47: {  	v4 =	vadd.s32 v1, v4;
	_ =	sdelay $0x3  }
0x48: {  	s0 =	rddreg [dreg:$0xb];
	v3 =	vperm.xlane v3, v2  }
0x49: {  	[tilespmem:s0], [sflag:$0x1] =	stream.indirect_vreg.gather [hbm4b:s4+s2], $0x80, v4, vm0, $0xb8;
	[tilespmem:$0x18900] =	vst v63  }
0x4a: {  	s11 =	rddreg [dreg:$0xc];
	v3 =	vadd.s32 v1, v3  }
0x4b: {  	[tilespmem:s11], [sflag:$0x1] =	stream.indirect_vreg.gather [hbm4b:s5+s2], $0x80, v4, vm0, $0xb8;
	[tilespmem:$0x18900] =	vst v63  }
0x4c: {  	s0 =	rddreg [dreg:$0xd]  }
0x4d: {  	[tilespmem:s0], [sflag:$0x1] =	stream.indirect_vreg.gather [hbm4b:s6+s2], $0x80, v4, vm0, $0xb8;
	[tilespmem:$0x18900] =	vst v63  }
0x4e: {  	s11 =	rddreg [dreg:$0xe]  }
0x4f: {  	[tilespmem:s11], [sflag:$0x1] =	stream.indirect_vreg.gather [hbm4b:s4+s2], $0x80, v3, vm0, $0xb8;
	[tilespmem:$0x18900] =	vst v63  }
0x50: {  	s0 =	rddreg [dreg:$0xf]  }
0x51: {  	[tilespmem:s0], [sflag:$0x1] =	stream.indirect_vreg.gather [hbm4b:s5+s2], $0x80, v3, vm0, $0xb8;
	[tilespmem:$0x18900] =	vst v63  }
0x52: {  	s11 =	rddreg [dreg:$0x10]  }
0x53: {  	[tilespmem:s11], [sflag:$0x1] =	stream.indirect_vreg.gather [hbm4b:s6+s2], $0x80, v3, vm0, $0xb8;
	[tilespmem:$0x18900] =	vst v63  }
0x54: {  	v3 =	vld [tilespmem:$0x20];
	_ =	sdelay $0x4  }
0x55: {  	v59 =	vshrl.u32 v3, $0x3  }
0x56: {  	v4 =	vmul.u32 $0x30, v59  }
0x57: {  	v3 =	vand.u32 $0x7, v3  }
0x58: {  	v3 =	vor.u32 v3, v4  }
0x59: {  	v4 =	vperm.xlane v3, v0;
	_ =	sdelay $0x1  }
0x5a: {  	v4 =	vadd.s32 v1, v4;
	_ =	sdelay $0x3  }
0x5b: {  	s0 =	rddreg [dreg:$0x11];
	v3 =	vperm.xlane v3, v2  }
0x5c: {  	[tilespmem:s0], [sflag:$0x1] =	stream.indirect_vreg.gather [hbm4b:s4+s2], $0x80, v4, vm0, $0xb8;
	[tilespmem:$0x18900] =	vst v63  }
0x5d: {  	s11 =	rddreg [dreg:$0x12];
	v3 =	vadd.s32 v1, v3  }
0x5e: {  	[tilespmem:s11], [sflag:$0x1] =	stream.indirect_vreg.gather [hbm4b:s5+s2], $0x80, v4, vm0, $0xb8;
	[tilespmem:$0x18900] =	vst v63  }
0x5f: {  	s0 =	rddreg [dreg:$0x13]  }
0x60: {  	[tilespmem:s0], [sflag:$0x1] =	stream.indirect_vreg.gather [hbm4b:s6+s2], $0x80, v4, vm0, $0xb8;
	[tilespmem:$0x18900] =	vst v63  }
0x61: {  	s11 =	rddreg [dreg:$0x14]  }
0x62: {  	[tilespmem:s11], [sflag:$0x1] =	stream.indirect_vreg.gather [hbm4b:s4+s2], $0x80, v3, vm0, $0xb8;
	[tilespmem:$0x18900] =	vst v63  }
0x63: {  	s0 =	rddreg [dreg:$0x15]  }
0x64: {  	[tilespmem:s0], [sflag:$0x1] =	stream.indirect_vreg.gather [hbm4b:s5+s2], $0x80, v3, vm0, $0xb8;
	[tilespmem:$0x18900] =	vst v63  }
0x65: {  	s11 =	rddreg [dreg:$0x16]  }
0x66: {  	[tilespmem:s11], [sflag:$0x1] =	stream.indirect_vreg.gather [hbm4b:s6+s2], $0x80, v3, vm0, $0xb8;
	[tilespmem:$0x18900] =	vst v63  }
0x67: {  	v3 =	vld [tilespmem:$0x30];
	_ =	sdelay $0x4  }
0x68: {  	v60 =	vshrl.u32 v3, $0x3  }
0x69: {  	v4 =	vmul.u32 $0x30, v60  }
0x6a: {  	v3 =	vand.u32 $0x7, v3  }
0x6b: {  	v3 =	vor.u32 v3, v4  }
0x6c: {  	v4 =	vperm.xlane v3, v0;
	_ =	sdelay $0x1  }
0x6d: {  	v4 =	vadd.s32 v1, v4;
	_ =	sdelay $0x3  }
0x6e: {  	s0 =	rddreg [dreg:$0x17];
	v3 =	vperm.xlane v3, v2  }
0x6f: {  	[tilespmem:s0], [sflag:$0x1] =	stream.indirect_vreg.gather [hbm4b:s4+s2], $0x80, v4, vm0, $0xb8;
	[tilespmem:$0x18900] =	vst v63  }
0x70: {  	s11 =	rddreg [dreg:$0x18];
	v3 =	vadd.s32 v1, v3  }
0x71: {  	[tilespmem:s11], [sflag:$0x1] =	stream.indirect_vreg.gather [hbm4b:s5+s2], $0x80, v4, vm0, $0xb8;
	[tilespmem:$0x18900] =	vst v63  }
0x72: {  	s0 =	rddreg [dreg:$0x19]  }
0x73: {  	[tilespmem:s0], [sflag:$0x1] =	stream.indirect_vreg.gather [hbm4b:s6+s2], $0x80, v4, vm0, $0xb8;
	[tilespmem:$0x18900] =	vst v63  }
0x74: {  	s11 =	rddreg [dreg:$0x1a]  }
0x75: {  	[tilespmem:s11], [sflag:$0x1] =	stream.indirect_vreg.gather [hbm4b:s4+s2], $0x80, v3, vm0, $0xb8;
	[tilespmem:$0x18900] =	vst v63  }
0x76: {  	s0 =	rddreg [dreg:$0x1b]  }
0x77: {  	[tilespmem:s0], [sflag:$0x1] =	stream.indirect_vreg.gather [hbm4b:s5+s2], $0x80, v3, vm0, $0xb8;
	[tilespmem:$0x18900] =	vst v63  }
0x78: {  	s11 =	rddreg [dreg:$0x1c]  }
0x79: {  	[tilespmem:s11], [sflag:$0x1] =	stream.indirect_vreg.gather [hbm4b:s6+s2], $0x80, v3, vm0, $0xb8;
	[tilespmem:$0x18900] =	vst v63  }
0x7a: {  	v3 =	vld [tilespmem:$0x40];
	_ =	sdelay $0x4  }
0x7b: {  	v61 =	vshrl.u32 v3, $0x3  }
0x7c: {  	v4 =	vmul.u32 $0x30, v61  }
0x7d: {  	v3 =	vand.u32 $0x7, v3  }
0x7e: {  	v3 =	vor.u32 v3, v4  }
0x7f: {  	v4 =	vperm.xlane v3, v0;
	_ =	sdelay $0x1  }
0x80: {  	v4 =	vadd.s32 v1, v4;
	_ =	sdelay $0x3  }
0x81: {  	s11 =	rddreg [dreg:$0x1d];
	v3 =	vperm.xlane v3, v2  }
0x82: {  	[tilespmem:s11], [sflag:$0x1] =	stream.indirect_vreg.gather [hbm4b:s4+s2], $0x80, v4, vm0, $0xb8;
	[tilespmem:$0x18900] =	vst v63  }
0x83: {  	v3 =	vadd.s32 v1, v3;
	s11 =	simm.s32 $0xC900  }
0x84: {  	[tilespmem:s11], [sflag:$0x1] =	stream.indirect_vreg.gather [hbm4b:s5+s2], $0x80, v4, vm0, $0xb8;
	[tilespmem:$0x18900] =	vst v63  }
0x85: {  	_ = 	snop  }
0x86: {  	[tilespmem:s12], [sflag:$0x1] =	stream.indirect_vreg.gather [hbm4b:s6+s2], $0x80, v4, vm0, $0xb8;
	[tilespmem:$0x18900] =	vst v63  }
0x87: {  	_ = 	snop  }
0x88: {  	[tilespmem:s13], [sflag:$0x1] =	stream.indirect_vreg.gather [hbm4b:s4+s2], $0x80, v3, vm0, $0xb8;
	[tilespmem:$0x18900] =	vst v63  }
0x89: {  	_ = 	snop  }
0x8a: {  	[tilespmem:s14], [sflag:$0x1] =	stream.indirect_vreg.gather [hbm4b:s5+s2], $0x80, v3, vm0, $0xb8;
	[tilespmem:$0x18900] =	vst v63  }
0x8b: {  	_ = 	snop  }
0x8c: {  	[tilespmem:s15], [sflag:$0x1] =	stream.indirect_vreg.gather [hbm4b:s6+s2], $0x80, v3, vm0, $0xb8;
	[tilespmem:$0x18900] =	vst v63  }
0x8d: {  	v3 =	vld [tilespmem:$0x50];
	_ =	sdelay $0x4  }
0x8e: {  	v62 =	vshrl.u32 v3, $0x3  }
0x8f: {  	v4 =	vmul.u32 $0x30, v62  }
0x90: {  	v3 =	vand.u32 $0x7, v3  }
0x91: {  	v3 =	vor.u32 v3, v4  }
0x92: {  	v4 =	vperm.xlane v3, v0;
	_ =	sdelay $0x1  }
0x93: {  	v4 =	vadd.s32 v1, v4;
	_ =	sdelay $0x3  }
0x94: {  	v3 =	vperm.xlane v3, v2  }
0x95: {  	[tilespmem:s16], [sflag:$0x1] =	stream.indirect_vreg.gather [hbm4b:s4+s2], $0x80, v4, vm0, $0xb8;
	[tilespmem:$0x18900] =	vst v63  }
0x96: {  	v3 =	vadd.s32 v1, v3  }
0x97: {  	[tilespmem:s17], [sflag:$0x1] =	stream.indirect_vreg.gather [hbm4b:s5+s2], $0x80, v4, vm0, $0xb8;
	[tilespmem:$0x18900] =	vst v63  }
0x98: {  	_ = 	snop  }
0x99: {  	[tilespmem:s18], [sflag:$0x1] =	stream.indirect_vreg.gather [hbm4b:s6+s2], $0x80, v4, vm0, $0xb8;
	[tilespmem:$0x18900] =	vst v63  }
0x9a: {  	_ = 	snop  }
0x9b: {  	[tilespmem:s19], [sflag:$0x1] =	stream.indirect_vreg.gather [hbm4b:s4+s2], $0x80, v3, vm0, $0xb8;
	[tilespmem:$0x18900] =	vst v63  }
0x9c: {  	_ = 	snop  }
0x9d: {  	[tilespmem:s20], [sflag:$0x1] =	stream.indirect_vreg.gather [hbm4b:s5+s2], $0x80, v3, vm0, $0xb8;
	[tilespmem:$0x18900] =	vst v63  }
0x9e: {  	_ = 	snop  }
0x9f: {  	[tilespmem:s21], [sflag:$0x1] =	stream.indirect_vreg.gather [hbm4b:s6+s2], $0x80, v3, vm0, $0xb8;
	[tilespmem:$0x18900] =	vst v63  }
0xa0: {  	v3 =	vld [tilespmem:$0x60];
	_ =	sdelay $0x4  }
0xa1: {  	v63 =	vshrl.u32 v3, $0x3  }
0xa2: {  	v4 =	vmul.u32 $0x30, v63  }
0xa3: {  	v3 =	vand.u32 $0x7, v3  }
0xa4: {  	v3 =	vor.u32 v3, v4  }
0xa5: {  	v4 =	vperm.xlane v3, v0;
	_ =	sdelay $0x1  }
0xa6: {  	v4 =	vadd.s32 v1, v4;
	_ =	sdelay $0x3  }
0xa7: {  	v3 =	vperm.xlane v3, v2  }
0xa8: {  	[tilespmem:s22], [sflag:$0x1] =	stream.indirect_vreg.gather [hbm4b:s4+s2], $0x80, v4, vm0, $0xb8;
	[tilespmem:$0x18900] =	vst v63  }
0xa9: {  	v3 =	vadd.s32 v1, v3  }
0xaa: {  	[tilespmem:s23], [sflag:$0x1] =	stream.indirect_vreg.gather [hbm4b:s5+s2], $0x80, v4, vm0, $0xb8;
	[tilespmem:$0x18900] =	vst v63  }
0xab: {  	_ = 	snop  }
0xac: {  	[tilespmem:s24], [sflag:$0x1] =	stream.indirect_vreg.gather [hbm4b:s6+s2], $0x80, v4, vm0, $0xb8;
	[tilespmem:$0x18900] =	vst v63  }
0xad: {  	_ = 	snop  }
0xae: {  	[tilespmem:s25], [sflag:$0x1] =	stream.indirect_vreg.gather [hbm4b:s4+s2], $0x80, v3, vm0, $0xb8;
	[tilespmem:$0x18900] =	vst v63  }
0xaf: {  	_ = 	snop  }
0xb0: {  	[tilespmem:s26], [sflag:$0x1] =	stream.indirect_vreg.gather [hbm4b:s5+s2], $0x80, v3, vm0, $0xb8;
	[tilespmem:$0x18900] =	vst v63  }
0xb1: {  	_ = 	snop  }
0xb2: {  	[tilespmem:s28], [sflag:$0x1] =	stream.indirect_vreg.gather [hbm4b:s6+s2], $0x80, v3, vm0, $0xb8;
	[tilespmem:$0x18900] =	vst v63  }
0xb3: {  	s11 =	rddreg [dreg:$0x2]  }
0xb4: {  	[tilespmem:s30], [sflag:$0x2] =	stream.indirect.gather [hbm4b:s11+s29], $0x80, s9, s29, $0xb8;
	[tilespmem:$0x18900] =	vst v63  }
0xb5: {  	_ =	swait.ge [sflag:s31], $0x15000  }
0xb6: {  	[sflag:s31] =	ssyncset.done $0x0  }
0xb7: {  	[sflag:s31] =	ssyncadd.s32 $0xFFFEB000  }
0xb8: {  	_ =	swait.ge [sflag:s1], $0x3800  }
0xb9: {  	[sflag:s1] =	ssyncset.done $0x0  }
0xba: {  	s11 =	rddreg [dreg:$0x4];
	[sflag:s1] =	ssyncadd.s32 $0xFFFFC800  }
0xbb: {  	[hbm4b:s11+s2] =	stream.linear.scatter [tilespmem:s10], [sflag:$0x3], $0x15000, $0x38;
	[tilespmem:$0x18900] =	vst v63  }
0xbc: {  	_ =	swait.ge [sflag:s8], $0x15000  }
0xbd: {  	p0 =	sne.s32 s7, $0x1;
	[sflag:s8] =	ssyncset.done $0x0  }
.Ltmp0:
0xbe: {  	s11 =	rddreg [dreg:$0x5];
	[sflag:s8] =	ssyncadd.s32 $0xFFFEB000;
	(pc) =	sbr.rel @p0 .LBB2_1-.Ltmp0, $4  }
0xbf: {  	[hbm4b:s11+s2] =	stream.linear.scatter [tilespmem:s30], [sflag:$0x3], $0x3800, $0x38;
	[tilespmem:$0x18900] =	vst v63  }
0xc0: {  	_ =	swait.ge [sflag:s8], $0x3800  }
0xc1: {  	[sflag:s8] =	ssyncset.done $0x0  }
0xc2: {  	s7 =	sadd.s32 $0xFFFFFFFF, s7;
	[sflag:s8] =	ssyncadd.s32 $0xFFFFC800  }
0xc3: {  	_ =	sfence.sel $0x180000  }
0xc4: {  	[bflag:$0x0] =	sbarrier.arrive $0xFFFF  }
0xc5: {  	_ =	strace $0x90000050  }
0xc6: {  	s0 =	stileid.u32;
	[bflag:$0x2] =	sbarrier.arrive $0xFFFF  }
0xc7: {  	p0 =	sne.s32 s0, $0x0;
	s0 =	rddreg [dreg:$0x1]  }
0xc8: {  	s0 =	sadd.s32 @!p0 $0x100000, s0  }
0xc9: {  	[sflag:s0] =	ssyncadd.tile.s32 @!p0 $0x1;
	_ =	shalt  }
.Lfunc_end2:
_tile_overlayer_lowered:
.L_overlay_start_2:
0xca: {  	(tag) =	ssettag $0x2  }
0xcb: {  	s0 =	rddreg [dreg:$0x0];
	s2 =	stileid.u32  }
0xcc: {  	s1 =	rddreg [dreg:$0x1];
	p0 =	sne.s32 s2, $0x0  }
0xcd: {  	s3 =	rddreg [dreg:$0x2];
	[bflag:$0x3] =	sbarrier.arrive $0xFFFF;
	s2 =	simm.s32 @!p0 $0x1C03  }
0xce: {  	[timem:s3], [sflag:s2] =	dma.local @!p0 [hbm:s0], s1  }
0xcf: {  	s0 =	simm.s32 @!p0 $0x3  }
0xd0: {  	_ =	swait.ge @!p0 [sflag:s0], s1  }
0xd1: {  	s1 =	ssub.s32 @!p0 $0x0, s1;
	[sflag:s0] =	ssyncset.done @!p0 $0x0  }
0xd2: {  	[sflag:s0] =	ssyncadd.s32 @!p0 s1  }
0xd3: {  	[bflag:$0x3] =	sbarrier.arrive $0xFFFF  }
0xd4: {  	_ =	shalt  }

// kernel: kernel.25.cloned.1.call-start
scs
__scs_entry_jumppad:
0x0: {  	(pc) =	sbr.rel $0x88, $3  }
0x1: {  	(tag) =	ssettag $0x0;
	lr =	simm.s32 $0x1  }
0x2: {  	[smem:$0x3F96] =	sst lr;
	_ =	strace $0xD0000000  }
0x3: {  	_ = 	snop  }
0x4: {  	_ = 	snop  }
0x5: {  	_ = 	snop  }
0x6: {  	_ = 	snop  }
0x7: {  	_ = 	snop  }
__scs_overlays_trampoline_lowered:
0x8: {  	[smem:$0x3FA5] =	sst s0  }
0x9: {  	[smem:$0x3FA6] =	sst s1  }
0xa: {  	[smem:$0x3FA7] =	sst s2  }
0xb: {  	[smem:$0x3FA8] =	sst s3  }
0xc: {  	[smem:$0x3FA9] =	sst s4  }
0xd: {  	[smem:$0x3FAA] =	sst s5  }
0xe: {  	[smem:$0x3FAB] =	sst s6  }
0xf: {  	[smem:$0x3FAC] =	sst s7  }
0x10: {  	[smem:$0x3FAD] =	sst s8  }
0x11: {  	[smem:$0x3FAE] =	sst s9;
	s0 =	simm.s32 @!p0 $0x0  }
0x12: {  	s1 =	sld [smem:$0x3F94];
	s0 =	simm.s32 @p0 $0x1  }
0x13: {  	[smem:$0x3FAF] =	sst s0;
	s0 =	simm.s32 @!p1 $0x0  }
0x14: {  	s2 =	sld [smem:$0x3F93];
	s0 =	simm.s32 @p1 $0x1  }
0x15: {  	[smem:$0x3FB0] =	sst s0;
	s0 =	simm.s32 @!p2 $0x0  }
0x16: {  	s3 =	sld [smem:$0x3FDB];
	s0 =	simm.s32 @p2 $0x1  }
0x17: {  	s4 =	simm.s32 $0x1BF5;
	[smem:$0x3FB2] =	sst s0  }
0x18: {  	s0 =	sld [smem:$0x3F95];
	_ =	swait.ge [sflag:s4], $0x0  }
0x19: {  	s7 =	sld [smem:$0x3F96]  }
0x1a: {  	s8 =	sadd.s32 $0xFFFFE003, lr  }
0x1b: {  	s9 =	sadd.s32 $0xFFFFFEF7, lr;
	s5 =	simm.s32 $0xFFFFFFFF;
	p2 =	slt.u32 s8, $0xFFFFF086  }
0x1c: {  	p1 =	slt.u32 s9, $0xF7A;
	s5 =	simm.s32 @!p2 $0x0  }
0x1d: {  	s5 =	simm.s32 @p1 $0x1;
	p0 =	seq.s32 s7, s2  }
0x1e: {  	s7 =	smul.u32 @!p0 $0xF7A, s2;
	p2 =	seq.s32 @!p0 s5, $0x0  }
0x1f: {  	s9 =	smul.u32 $0xF7A, s1;
	s8 =	simm.s32 @!p0 $0x1BF5;
	p2 =	por !p2, p0  }
0x20: {  	[sflag:s8] =	ssyncset.s32 @!p0 $0xFFFFF086;
	s6 =	sadd.s32 @!p0 s3, s7;
	s7 =	simm.s32 @!p0 $0x108  }
0x21: {  	s3 =	sadd.s32 s3, s9;
	s6 =	sadd.s32 @!p0 $0x88, s6;
	s7 =	simm.s32 @p2 $0x1082  }
0x22: {  	[simem:s7], [sflag:s8] =	dma.local @!p0 [hbm:s6], $0xF7A  }
0x23: {  	s9 =	sor.u32 $0xD0000000, s2;
	s6 =	simm.s32 $0x108;
	_ =	swait.ge @!p0 [sflag:s8], $0x0  }
0x24: {  	s3 =	sadd.s32 $0x88, s3;
	s6 =	simm.s32 @!p1 $0x1082;
	[sflag:s4] =	ssyncset.s32 $0xFFFFF086  }
0x25: {  	[simem:s6], [sflag:s4] =	dma.local [hbm:s3], $0xF7A  }
0x26: {  	[smem:$0x3F96] =	sst s1;
	(tag) =	ssettag s2;
	_ =	strace s9  }
0x27: {  	s1 =	sld [smem:$0x3FA6]  }
0x28: {  	s2 =	sld [smem:$0x3FA7]  }
0x29: {  	s4 =	sld [smem:$0x3FA9]  }
0x2a: {  	p0 =	seq.s32 s5, $0x0;
	s5 =	sld [smem:$0x3FAA]  }
0x2b: {  	s6 =	sld [smem:$0x3FAB]  }
0x2c: {  	s7 =	sld [smem:$0x3FAC]  }
0x2d: {  	s3 =	simm.s32 $0x108;
	s8 =	sld [smem:$0x3FAD]  }
0x2e: {  	s3 =	simm.s32 @!p0 $0x1082;
	s9 =	sld [smem:$0x3FAE]  }
0x2f: {  	lr =	sadd.s32 s0, s3;
	s0 =	sld [smem:$0x3FA5]  }
0x30: {  	s3 =	sld [smem:$0x3FA8]  }
0x31: {  	[smem:$0x3FB1] =	sst s10  }
0x32: {  	s10 =	sld [smem:$0x3FAF];
	_ =	sdelay $0x3  }
0x33: {  	p0 =	seq.s32 s10, $0x1;
	s10 =	sld [smem:$0x3FB1];
	_ =	sdelay $0x3  }
0x34: {  	[smem:$0x3FB1] =	sst s10  }
0x35: {  	s10 =	sld [smem:$0x3FB0];
	_ =	sdelay $0x3  }
0x36: {  	p1 =	seq.s32 s10, $0x1;
	s10 =	sld [smem:$0x3FB1];
	_ =	sdelay $0x3  }
0x37: {  	[smem:$0x3FB1] =	sst s10  }
0x38: {  	s10 =	sld [smem:$0x3FB2]  }
0x39: {  	_ = 	snop;
	(pc) =	sbr.ind lr, $3  }
0x3a: {  	_ = 	snop  }
0x3b: {  	_ = 	snop  }
0x3c: {  	p2 =	seq.s32 s10, $0x1;
	s10 =	sld [smem:$0x3FB1]  }
0x3d: {  	_ =	shalt  }
0x3e: {  	_ =	shalt  }
0x3f: {  	_ =	shalt  }
0x40: {  	_ =	shalt  }
0x41: {  	_ =	shalt  }
0x42: {  	_ =	shalt  }
0x43: {  	_ =	shalt  }
0x44: {  	_ =	shalt  }
0x45: {  	_ =	shalt  }
0x46: {  	_ =	shalt  }
0x47: {  	_ =	shalt  }
0x48: {  	_ =	shalt  }
0x49: {  	_ =	shalt  }
0x4a: {  	_ =	shalt  }
0x4b: {  	_ =	shalt  }
0x4c: {  	_ =	shalt  }
0x4d: {  	_ =	shalt  }
0x4e: {  	_ =	shalt  }
0x4f: {  	_ =	shalt  }
0x50: {  	_ =	shalt  }
0x51: {  	_ =	shalt  }
0x52: {  	_ =	shalt  }
0x53: {  	_ =	shalt  }
0x54: {  	_ =	shalt  }
0x55: {  	_ =	shalt  }
0x56: {  	_ =	shalt  }
0x57: {  	_ =	shalt  }
0x58: {  	_ =	shalt  }
0x59: {  	_ =	shalt  }
0x5a: {  	_ =	shalt  }
0x5b: {  	_ =	shalt  }
0x5c: {  	_ =	shalt  }
0x5d: {  	_ =	shalt  }
0x5e: {  	_ =	shalt  }
0x5f: {  	_ =	shalt  }
0x60: {  	_ =	shalt  }
0x61: {  	_ =	shalt  }
0x62: {  	_ =	shalt  }
0x63: {  	_ =	shalt  }
0x64: {  	_ =	shalt  }
0x65: {  	_ =	shalt  }
0x66: {  	_ =	shalt  }
0x67: {  	_ =	shalt  }
0x68: {  	_ =	shalt  }
0x69: {  	_ =	shalt  }
0x6a: {  	_ =	shalt  }
0x6b: {  	_ =	shalt  }
0x6c: {  	_ =	shalt  }
0x6d: {  	_ =	shalt  }
0x6e: {  	_ =	shalt  }
0x6f: {  	_ =	shalt  }
0x70: {  	_ =	shalt  }
0x71: {  	_ =	shalt  }
0x72: {  	_ =	shalt  }
0x73: {  	_ =	shalt  }
0x74: {  	_ =	shalt  }
0x75: {  	_ =	shalt  }
0x76: {  	_ =	shalt  }
0x77: {  	_ =	shalt  }
0x78: {  	_ =	shalt  }
0x79: {  	_ =	shalt  }
0x7a: {  	_ =	shalt  }
0x7b: {  	_ =	shalt  }
0x7c: {  	_ =	shalt  }
0x7d: {  	_ =	shalt  }
0x7e: {  	_ =	shalt  }
0x7f: {  	_ =	shalt  }
0x80: {  	_ =	shalt  }
0x81: {  	_ =	shalt  }
0x82: {  	_ =	shalt  }
0x83: {  	_ =	shalt  }
0x84: {  	_ =	shalt  }
0x85: {  	_ =	shalt  }
0x86: {  	_ =	shalt  }
0x87: {  	_ =	shalt  }
.Lfunc_end0:
.L_simem_size_0:
called_computation.4_lowered:
.L_overlay_start_0:
0x88: {  	s2 =	sld [smem:$0x3FD9]  }
0x89: {  	s3 =	sld [smem:$0x3FFE];
	_ =	sdelay $0x1  }
0x8a: {  	s1 =	srdreg.scid  }
0x8b: {  	s0 =	sand.u32 $0x1, s1  }
0x8c: {  	s17 =	sshll.u32 s0, $0xA;
	s2 =	sadd.s32 s3, s2  }
0x8d: {  	s2 =	sadd.s32 s2, s17  }
0x8e: {  	[smem:$0x3FBD] =	sst s2  }
0x8f: {  	_ = 	snop  }
0x90: {  	s2 =	sld [smem:$0x3FD0];
	(tm) =	ssettm $0x1  }
0x91: {  	s18 =	sld [smem:$0x3FFB];
	_ =	sdelay $0x3  }
0x92: {  	_ =	strace s18  }
0x93: {  	s3 =	sld [smem:$0x3FFC];
	_ =	sdelay $0x3  }
0x94: {  	_ =	strace s3  }
0x95: {  	s3 =	sld [smem:$0x3FFD];
	_ =	sdelay $0x3  }
0x96: {  	_ =	strace s3  }
0x97: {  	_ =	strace $0x8FFFFFFF  }
0x98: {  	s19 =	sld [smem:$0x3FDB];
	_ =	sdelay $0x1  }
0x99: {  	s4 =	simm.s32 $_scs_section_size  }
0x9a: {  	s5 =	simm.s32 $_size__tile_overlayer_lowered;
	s6 =	simm.s32 $_tile_overlayer_lowered  }
0x9b: {  	s22 =	simm.s32 $0x1BFF;
	s21 =	sshll.u32 s6, $0x1;
	s3 =	sadd.s32 s4, s19  }
0x9c: {  	s7 =	simm.s32 $0x0;
	s20 =	sshll.u32 s5, $0x1;
	s5 =	sadd.s32 s21, s3  }
0x9d: {  	[timem:s7], [sflag:s22] =	dma.local [hbm:s5], s20  }
0x9e: {  	_ =	swait.ge [sflag:s22], s20  }
0x9f: {  	s4 =	ssub.s32 $0x0, s20;
	[sflag:s22] =	ssyncset.done $0x0  }
0xa0: {  	[sflag:s22] =	ssyncadd.s32 s4;
	_ =	sdelay $0x1  }
0xa1: {  	s23 =	simm.s32 $0x1B8B  }
0xa2: {  	_ =	swait.ge [sflag:s23], $0x1  }
0xa3: {  	[sflag:s23] =	ssyncset.done $0x0  }
0xa4: {  	s25 =	simm.s32 $0x1B8E;
	s24 =	sld [smem:$0x3FFE];
	[sflag:s23] =	ssyncadd.s32 $0xFFFFFFFF  }
0xa5: {  	s26 =	simm.s32 $execute0_lowered;
	[smem:$0x3FD2] =	sst s25  }
0xa6: {  	s5 =	sshll.u32 s26, $0x1;
	_ =	strace $0x80000052;
	[dreg:$0x1] =	wrdreg $0xFFFFFFFF  }
0xa7: {  	s28 =	simm.s32 $_size_execute0_lowered;
	s3 =	sadd.s32 s3, s5;
	[dreg:$0x0] =	wrdreg $0x0  }
0xa8: {  	s5 =	sshll.u32 s28, $0x1;
	[dreg:$0x2] =	wrdreg s3  }
0xa9: {  	[dreg:$0x3] =	wrdreg s5  }
0xaa: {  	[dreg:$0x4] =	wrdreg $0xC0  }
0xab: {  	_ =	task [dreg:s7], $0x5FFFF  }
0xac: {  	[dreg:$0x1] =	wrdreg $0xFFFFFFFF  }
0xad: {  	[dreg:$0x0] =	wrdreg $0x60  }
0xae: {  	[dreg:$0x2] =	wrdreg s24  }
0xaf: {  	[dreg:$0x3] =	wrdreg s2  }
0xb0: {  	[dreg:$0x4] =	wrdreg $0x9  }
0xb1: {  	_ =	task.clear_ibuf [dreg:s7], $0x5FFFF;
	_ =	strace $0x90000052  }
0xb2: {  	s29 =	simm.s32 $0x9;
	_ =	strace $0x80000054  }
0xb3: {  	_ =	swait.ge [sflag:s29], $0x1  }
0xb4: {  	[sflag:s29] =	ssyncadd.s32 $0xFFFFFFFF  }
0xb5: {  	_ =	strace $0x90000054  }
0xb6: {  	_ =	sfence  }
0xb7: {  	s30 =	sld [smem:$0x0];
	_ =	sdelay $0x2  }
0xb8: {  	s31 =	sshll.u32 s1, $0xD;
	s1 =	sshrl.u32 s1, $0x2  }
0xb9: {  	s3 =	sand.u32 $0x4000, s31;
	s1 =	sadd.s32 s1, s30  }
0xba: {  	s0 =	sor.u32 s3, s0;
	s1 =	sshll.u32 s1, $0x11  }
0xbb: {  	s0 =	sor.u32 s1, s0  }
0xbc: {  	s0 =	sadd.s32 $0x8F2B, s0  }
0xbd: {  	[sflag:s0] =	ssyncadd.remote.s32 $0x1  }
0xbe: {  	_ =	sfence.sel $0xFFFF  }
0xbf: {  	[dreg:$0x0] =	wrdreg $0xFFFFFFFF;
	(pc) =	sbr.abs _section_cstart, $3  }
0xc0: {  	[dreg:$0x1] =	wrdreg $0xFFFFFFFF  }
0xc1: {  	_ =	task.clear_ibuf [dreg:s7], $0x2FFFF;
	_ =	strace $0x9FFFFFFF  }
0xc2: {  	(tm) =	ssettm $0x7FFFFFFF  }
0xc3: {  	_ =	shalt  }
tec
execute0_lowered:
.L_overlay_start_1:
0x0: {  	(tag) =	ssettag $0x1  }
0x1: {  	s0 =	rddreg [dreg:$0x0]  }
0x2: {  	s5 =	rddreg [dreg:$0x1];
	s3 =	srdreg.scid  }
0x3: {  	s2 =	simm.s32 $0x0;
	s1 =	stileid.u32;
	s26 =	simm.s32 $0x880  }
0x4: {  	s10 =	simm.s32 $0x1880;
	s11 =	simm.s32 $0x2080;
	s12 =	simm.s32 $0x2880  }
0x5: {  	s13 =	simm.s32 $0x3080;
	s14 =	simm.s32 $0x3880;
	s15 =	simm.s32 $0x4080  }
0x6: {  	s16 =	simm.s32 $0x4880;
	s17 =	simm.s32 $0x5080;
	s18 =	simm.s32 $0x5880  }
0x7: {  	s19 =	simm.s32 $0x6080;
	s20 =	simm.s32 $0x6880;
	s21 =	simm.s32 $0x7080  }
0x8: {  	s22 =	simm.s32 $0x7880;
	s28 =	simm.s32 $0xA080;
	s29 =	simm.s32 $0xA880  }
0x9: {  	s30 =	simm.s32 $0xB080;
	s31 =	simm.s32 $0xB880;
	s3 =	sand.u32 $0x1, s3  }
0xa: {  	[smem:$0x7FF] =	sst s2;
	s4 =	sshll.u32 s1, $0x4;
	s6 =	sshll.u32 s3, $0x3  }
0xb: {  	_ =	strace $0x80000053;
	s23 =	ssub.s32 $0x2, s3;
	s3 =	sadd.s32 $0x217A00, s0  }
0xc: {  	[dreg:$0x5] =	wrdreg s26;
	s26 =	simm.s32 $0x9880;
	s4 =	sor.u32 s6, s4  }
0xd: {  	s8 =	sshrl.u32 s23, $0x1;
	s7 =	sadd.s32 s4, s0;
	s9 =	smul.u32 $0x300, s4  }
0xe: {  	s6 =	ssub.s32 s23, s8;
	s4 =	sadd.s32 $0x217B00, s0;
	s8 =	simm.s32 $0x80  }
0xf: {  	s23 =	simm.s32 $0x8080;
	s24 =	sadd.s32 $0xEC00, s7;
	s6 =	smax.u32 s6, $0x1  }
0x10: {  	v2 =	vlaneseq.u32;
	s7 =	simm.s32 $0x2;
	[dreg:$0x3] =	wrdreg s24;
	s25 =	sadd.s32 s5, s9  }
0x11: {  	vm0 =	vmmov $0xffff;
	v1 =	vshrl.u32 v2, $0x3;
	s5 =	sadd.s32 $0x217C00, s0;
	s9 =	simm.s32 $0x1080;
	s24 =	simm.s32 $0x8880  }
0x12: {  	v0 =	vand.u32 $0x7, v2;
	v2 =	vor.u32 $0x8, v2;
	v1 =	vmul.u32 $0x8, v1;
	s0 =	simm.s32 $0x1;
	[dreg:$0x4] =	wrdreg s25;
	s25 =	simm.s32 $0x9080  }
.LBB2_1:
0x13: {  	s1 =	rddreg [dreg:$0x3]  }
0x14: {  	[tilespmem:s2], [sflag:$0x2] =	stream.linear.gather [hbm4b:s1+s2], $0x40, $0x38;
	[tilespmem:$0xC080] =	vst v63  }
0x15: {  	_ =	swait.ge [sflag:s7], $0x40  }
0x16: {  	[sflag:s7] =	ssyncset.done $0x0  }
0x17: {  	[sflag:s7] =	ssyncadd.s32 $0xFFFFFFC0  }
0x18: {  	v3 =	vld [tilespmem:$0x0];
	_ =	sdelay $0x4  }
0x19: {  	v4 =	vshrl.u32 v3, $0x3  }
0x1a: {  	v4 =	vmul.u32 $0x30, v4  }
0x1b: {  	v3 =	vand.u32 $0x7, v3  }
0x1c: {  	v3 =	vor.u32 v3, v4  }
0x1d: {  	v4 =	vperm.xlane v3, v0;
	_ =	sdelay $0x1  }
0x1e: {  	v4 =	vadd.s32 v1, v4;
	_ =	sdelay $0x3  }
0x1f: {  	v3 =	vperm.xlane v3, v2  }
0x20: {  	[tilespmem:s8], [sflag:$0x1] =	stream.indirect_vreg.gather [hbm4b:s3+s2], $0x80, v4, vm0, $0xb8;
	[tilespmem:$0xC080] =	vst v63  }
0x21: {  	s1 =	rddreg [dreg:$0x5];
	v3 =	vadd.s32 v1, v3  }
0x22: {  	[tilespmem:s1], [sflag:$0x1] =	stream.indirect_vreg.gather [hbm4b:s4+s2], $0x80, v4, vm0, $0xb8;
	[tilespmem:$0xC080] =	vst v63  }
0x23: {  	_ = 	snop  }
0x24: {  	[tilespmem:s9], [sflag:$0x1] =	stream.indirect_vreg.gather [hbm4b:s5+s2], $0x80, v4, vm0, $0xb8;
	[tilespmem:$0xC080] =	vst v63  }
0x25: {  	_ = 	snop  }
0x26: {  	[tilespmem:s10], [sflag:$0x1] =	stream.indirect_vreg.gather [hbm4b:s3+s2], $0x80, v3, vm0, $0xb8;
	[tilespmem:$0xC080] =	vst v63  }
0x27: {  	_ = 	snop  }
0x28: {  	[tilespmem:s11], [sflag:$0x1] =	stream.indirect_vreg.gather [hbm4b:s4+s2], $0x80, v3, vm0, $0xb8;
	[tilespmem:$0xC080] =	vst v63  }
0x29: {  	_ = 	snop  }
0x2a: {  	[tilespmem:s12], [sflag:$0x1] =	stream.indirect_vreg.gather [hbm4b:s5+s2], $0x80, v3, vm0, $0xb8;
	[tilespmem:$0xC080] =	vst v63  }
0x2b: {  	v3 =	vld [tilespmem:$0x10];
	_ =	sdelay $0x4  }
0x2c: {  	v61 =	vshrl.u32 v3, $0x3  }
0x2d: {  	v4 =	vmul.u32 $0x30, v61  }
0x2e: {  	v3 =	vand.u32 $0x7, v3  }
0x2f: {  	v3 =	vor.u32 v3, v4  }
0x30: {  	v4 =	vperm.xlane v3, v0;
	_ =	sdelay $0x1  }
0x31: {  	v4 =	vadd.s32 v1, v4;
	_ =	sdelay $0x3  }
0x32: {  	v3 =	vperm.xlane v3, v2  }
0x33: {  	[tilespmem:s13], [sflag:$0x1] =	stream.indirect_vreg.gather [hbm4b:s3+s2], $0x80, v4, vm0, $0xb8;
	[tilespmem:$0xC080] =	vst v63  }
0x34: {  	v3 =	vadd.s32 v1, v3  }
0x35: {  	[tilespmem:s14], [sflag:$0x1] =	stream.indirect_vreg.gather [hbm4b:s4+s2], $0x80, v4, vm0, $0xb8;
	[tilespmem:$0xC080] =	vst v63  }
0x36: {  	_ = 	snop  }
0x37: {  	[tilespmem:s15], [sflag:$0x1] =	stream.indirect_vreg.gather [hbm4b:s5+s2], $0x80, v4, vm0, $0xb8;
	[tilespmem:$0xC080] =	vst v63  }
0x38: {  	_ = 	snop  }
0x39: {  	[tilespmem:s16], [sflag:$0x1] =	stream.indirect_vreg.gather [hbm4b:s3+s2], $0x80, v3, vm0, $0xb8;
	[tilespmem:$0xC080] =	vst v63  }
0x3a: {  	_ = 	snop  }
0x3b: {  	[tilespmem:s17], [sflag:$0x1] =	stream.indirect_vreg.gather [hbm4b:s4+s2], $0x80, v3, vm0, $0xb8;
	[tilespmem:$0xC080] =	vst v63  }
0x3c: {  	_ = 	snop  }
0x3d: {  	[tilespmem:s18], [sflag:$0x1] =	stream.indirect_vreg.gather [hbm4b:s5+s2], $0x80, v3, vm0, $0xb8;
	[tilespmem:$0xC080] =	vst v63  }
0x3e: {  	v3 =	vld [tilespmem:$0x20];
	_ =	sdelay $0x4  }
0x3f: {  	v62 =	vshrl.u32 v3, $0x3  }
0x40: {  	v4 =	vmul.u32 $0x30, v62  }
0x41: {  	v3 =	vand.u32 $0x7, v3  }
0x42: {  	v3 =	vor.u32 v3, v4  }
0x43: {  	v4 =	vperm.xlane v3, v0;
	_ =	sdelay $0x1  }
0x44: {  	v4 =	vadd.s32 v1, v4;
	_ =	sdelay $0x3  }
0x45: {  	v3 =	vperm.xlane v3, v2  }
0x46: {  	[tilespmem:s19], [sflag:$0x1] =	stream.indirect_vreg.gather [hbm4b:s3+s2], $0x80, v4, vm0, $0xb8;
	[tilespmem:$0xC080] =	vst v63  }
0x47: {  	v3 =	vadd.s32 v1, v3  }
0x48: {  	[tilespmem:s20], [sflag:$0x1] =	stream.indirect_vreg.gather [hbm4b:s4+s2], $0x80, v4, vm0, $0xb8;
	[tilespmem:$0xC080] =	vst v63  }
0x49: {  	_ = 	snop  }
0x4a: {  	[tilespmem:s21], [sflag:$0x1] =	stream.indirect_vreg.gather [hbm4b:s5+s2], $0x80, v4, vm0, $0xb8;
	[tilespmem:$0xC080] =	vst v63  }
0x4b: {  	_ = 	snop  }
0x4c: {  	[tilespmem:s22], [sflag:$0x1] =	stream.indirect_vreg.gather [hbm4b:s3+s2], $0x80, v3, vm0, $0xb8;
	[tilespmem:$0xC080] =	vst v63  }
0x4d: {  	_ = 	snop  }
0x4e: {  	[tilespmem:s23], [sflag:$0x1] =	stream.indirect_vreg.gather [hbm4b:s4+s2], $0x80, v3, vm0, $0xb8;
	[tilespmem:$0xC080] =	vst v63  }
0x4f: {  	_ = 	snop  }
0x50: {  	[tilespmem:s24], [sflag:$0x1] =	stream.indirect_vreg.gather [hbm4b:s5+s2], $0x80, v3, vm0, $0xb8;
	[tilespmem:$0xC080] =	vst v63  }
0x51: {  	v3 =	vld [tilespmem:$0x30];
	_ =	sdelay $0x4  }
0x52: {  	v63 =	vshrl.u32 v3, $0x3  }
0x53: {  	v4 =	vmul.u32 $0x30, v63  }
0x54: {  	v3 =	vand.u32 $0x7, v3  }
0x55: {  	v3 =	vor.u32 v3, v4  }
0x56: {  	v4 =	vperm.xlane v3, v0;
	_ =	sdelay $0x1  }
0x57: {  	v4 =	vadd.s32 v1, v4;
	_ =	sdelay $0x3  }
0x58: {  	v3 =	vperm.xlane v3, v2  }
0x59: {  	[tilespmem:s25], [sflag:$0x1] =	stream.indirect_vreg.gather [hbm4b:s3+s2], $0x80, v4, vm0, $0xb8;
	[tilespmem:$0xC080] =	vst v63  }
0x5a: {  	v3 =	vadd.s32 v1, v3  }
0x5b: {  	[tilespmem:s26], [sflag:$0x1] =	stream.indirect_vreg.gather [hbm4b:s4+s2], $0x80, v4, vm0, $0xb8;
	[tilespmem:$0xC080] =	vst v63  }
0x5c: {  	_ = 	snop  }
0x5d: {  	[tilespmem:s28], [sflag:$0x1] =	stream.indirect_vreg.gather [hbm4b:s5+s2], $0x80, v4, vm0, $0xb8;
	[tilespmem:$0xC080] =	vst v63  }
0x5e: {  	_ = 	snop  }
0x5f: {  	[tilespmem:s29], [sflag:$0x1] =	stream.indirect_vreg.gather [hbm4b:s3+s2], $0x80, v3, vm0, $0xb8;
	[tilespmem:$0xC080] =	vst v63  }
0x60: {  	_ = 	snop  }
0x61: {  	[tilespmem:s30], [sflag:$0x1] =	stream.indirect_vreg.gather [hbm4b:s4+s2], $0x80, v3, vm0, $0xb8;
	[tilespmem:$0xC080] =	vst v63  }
0x62: {  	_ = 	snop  }
0x63: {  	[tilespmem:s31], [sflag:$0x1] =	stream.indirect_vreg.gather [hbm4b:s5+s2], $0x80, v3, vm0, $0xb8;
	[tilespmem:$0xC080] =	vst v63  }
0x64: {  	_ =	swait.ge [sflag:s0], $0xC000  }
0x65: {  	p0 =	sne.s32 s6, $0x1;
	[sflag:s0] =	ssyncset.done $0x0  }
.Ltmp0:
0x66: {  	s1 =	rddreg [dreg:$0x4];
	[sflag:s0] =	ssyncadd.s32 $0xFFFF4000;
	(pc) =	sbr.rel @p0 .LBB2_1-.Ltmp0, $4  }
0x67: {  	[hbm4b:s1+s2] =	stream.linear.scatter [tilespmem:s8], [sflag:$0x2], $0xC000, $0x38;
	[tilespmem:$0xC080] =	vst v63  }
0x68: {  	_ =	swait.ge [sflag:s7], $0xC000  }
0x69: {  	[sflag:s7] =	ssyncset.done $0x0  }
0x6a: {  	s6 =	sadd.s32 $0xFFFFFFFF, s6;
	[sflag:s7] =	ssyncadd.s32 $0xFFFF4000  }
0x6b: {  	_ =	sfence.sel $0x180000  }
0x6c: {  	[bflag:$0x0] =	sbarrier.arrive $0xFFFF  }
0x6d: {  	_ =	strace $0x90000053  }
0x6e: {  	s0 =	stileid.u32;
	[bflag:$0x2] =	sbarrier.arrive $0xFFFF  }
0x6f: {  	p0 =	sne.s32 s0, $0x0;
	s0 =	rddreg [dreg:$0x2]  }
0x70: {  	s0 =	sadd.s32 @!p0 $0x100000, s0  }
0x71: {  	[sflag:s0] =	ssyncadd.tile.s32 @!p0 $0x1;
	_ =	shalt  }
.Lfunc_end2:
_tile_overlayer_lowered:
.L_overlay_start_2:
0x72: {  	(tag) =	ssettag $0x2  }
0x73: {  	s0 =	rddreg [dreg:$0x0];
	s2 =	stileid.u32  }
0x74: {  	s1 =	rddreg [dreg:$0x1];
	p0 =	sne.s32 s2, $0x0  }
0x75: {  	s3 =	rddreg [dreg:$0x2];
	[bflag:$0x3] =	sbarrier.arrive $0xFFFF;
	s2 =	simm.s32 @!p0 $0x1C02  }
0x76: {  	[timem:s3], [sflag:s2] =	dma.local @!p0 [hbm:s0], s1  }
0x77: {  	s0 =	simm.s32 @!p0 $0x2  }
0x78: {  	_ =	swait.ge @!p0 [sflag:s0], s1  }
0x79: {  	s1 =	ssub.s32 @!p0 $0x0, s1;
	[sflag:s0] =	ssyncset.done @!p0 $0x0  }
0x7a: {  	[sflag:s0] =	ssyncadd.s32 @!p0 s1  }
0x7b: {  	[bflag:$0x3] =	sbarrier.arrive $0xFFFF  }
0x7c: {  	_ =	shalt  }

</sc_bundles>
